<compile_context>
chip_gen: v7x
topology: tpu7x:2x2x1
jax: 0.10.2.dev20260603
libtpu: 0.0.44.dev20260713+nightly
codegen_flags: <defaults>
</compile_context>

<pallas_src>
import functools

import jax
import jax.numpy as jnp
from jax import lax
from jax.experimental import pallas as pl
from jax.experimental.pallas import tpu as pltpu
from jax.experimental.pallas import tpu_sc as plsc

N = 262144
D = 64
NC = 2
NS = 16
NW = NC * NS
CHUNK = N // NS
OUT_CHUNK = N // NW
R0 = 4096
R1 = 2048
NVREG = CHUNK // 16
UNROLL = 8
IDXM = N - 1
GW = 512
NWIN = OUT_CHUNK // GW

_params = pltpu.CompilerParams(
    needs_layout_passes=False, use_tc_tiling_on_sc=False)


def _sort_body(phi_hbm, ophi_hbm, oidx_hbm,
               keys_v, idx_v, dest_v, hist_v, off_v, tmp_tot, tmp_bef,
               strip_v, grid_sp, spa_i, sem):
  cid = lax.axis_index("c")
  sid = lax.axis_index("s")
  base = sid * CHUNK
  iota16 = lax.iota(jnp.int32, 16)
  zeros16 = jnp.zeros((16,), jnp.int32)

  def cross_tile_offsets(r):
    rch = r // 16
    for s in range(2):
      pltpu.sync_copy(grid_sp.at[pl.ds(s * 8 * r, 8 * r)],
                      strip_v.at[pl.ds(0, 8 * r)])

      def chunk(c, _):
        col = c * 16
        if s == 0:
          tot, bef = zeros16, zeros16
        else:
          tot = tmp_tot[pl.ds(col, 16)]
          bef = tmp_bef[pl.ds(col, 16)]
        for tl in range(8):
          t = s * 8 + tl
          row = strip_v[pl.ds(tl * r + col, 16)]
          tot = tot + row
          bef = bef + row * (t < sid).astype(jnp.int32)
        tmp_tot[pl.ds(col, 16)] = tot
        tmp_bef[pl.ds(col, 16)] = bef
        return 0

      lax.fori_loop(0, rch, chunk, 0)

    def excl(c, carry):
      col = c * 16
      v = tmp_tot[pl.ds(col, 16)]
      cs = plsc.cumsum(v)
      off_v[pl.ds(col, 16)] = cs - v + carry + tmp_bef[pl.ds(col, 16)]
      return carry + jnp.sum(v)

    lax.fori_loop(0, rch, excl, jnp.int32(0))

  def radix_pass(r, digit_of, value_of, dst_i, digit_perm=None):
    rch = r // 16

    def zero(c, _):
      hist_v[pl.ds(c * 16, 16)] = zeros16
      return 0

    lax.fori_loop(0, rch, zero, 0)

    def hist(j, _):
      for u in range(UNROLL):
        d = digit_of((j * UNROLL + u) * 16)
        cnt, last = plsc.scan_count(d)
        plsc.addupdate_scatter(hist_v, [d], cnt, mask=last)
      return 0

    lax.fori_loop(0, NVREG // UNROLL, hist, 0)

    pltpu.sync_copy(hist_v.at[pl.ds(0, r)], grid_sp.at[pl.ds(sid * r, r)])
    plsc.subcore_barrier()
    cross_tile_offsets(r)
    plsc.subcore_barrier()

    dperm = digit_perm or digit_of

    def perm(j, _):
      for u in range(UNROLL):
        j16 = (j * UNROLL + u) * 16
        d = dperm(j16)
        cnt, last = plsc.scan_count(d)
        cur = plsc.load_gather(off_v, [d])
        dest_v[pl.ds(j16, 16)] = cur + cnt - 1
        plsc.addupdate_scatter(off_v, [d], cnt, mask=last)
        idx_v[pl.ds(j16, 16)] = value_of(j16)
      return 0

    lax.fori_loop(0, NVREG // UNROLL, perm, 0)

    pltpu.async_copy(idx_v, dst_i.at[dest_v], sem).wait()
    plsc.subcore_barrier()

  pltpu.sync_copy(phi_hbm.at[pl.ds(base, CHUNK)], keys_v)

  def digit0(j16):
    k = keys_v[pl.ds(j16, 16)]
    m = lax.convert_element_type(k * 8388608.0, jnp.int32)
    keys_v[pl.ds(j16, 16)] = plsc.bitcast(m, jnp.float32)
    return jnp.bitwise_and(m, R0 - 1)

  def digit0p(j16):
    m = plsc.bitcast(keys_v[pl.ds(j16, 16)], jnp.int32)
    return jnp.bitwise_and(m, R0 - 1)

  def value0(j16):
    m = plsc.bitcast(keys_v[pl.ds(j16, 16)], jnp.int32)
    d1 = lax.shift_right_logical(m, 12)
    return jnp.bitwise_or(base + j16 + iota16, lax.shift_left(d1, 18))

  radix_pass(R0, digit0, value0, spa_i, digit_perm=digit0p)

  pltpu.sync_copy(spa_i.at[pl.ds(base, CHUNK)], idx_v)

  def digit1(j16):
    return lax.shift_right_logical(idx_v[pl.ds(j16, 16)], 18)

  def value1(j16):
    return jnp.bitwise_and(idx_v[pl.ds(j16, 16)], IDXM)

  radix_pass(R1, digit1, value1, spa_i)

  wid = cid * NS + sid
  obase = wid * OUT_CHUNK
  idxo_v = idx_v.at[pl.ds(0, OUT_CHUNK)]
  pltpu.sync_copy(spa_i.at[pl.ds(obase, OUT_CHUNK)], idxo_v)
  pltpu.sync_copy(idxo_v, oidx_hbm.at[pl.ds(obase, OUT_CHUNK)])
  obk_v = keys_v.at[pl.ds(0, OUT_CHUNK)]
  pltpu.async_copy(phi_hbm.at[idxo_v], obk_v, sem).wait()
  pltpu.sync_copy(obk_v, ophi_hbm.at[pl.ds(obase, OUT_CHUNK)])


def _gather_body(embed_hbm, idx_hbm, oembed_hbm,
                 idxg0, idxg1, rows0, rows1, sem0, sem1):
  cid = lax.axis_index("c")
  sid = lax.axis_index("s")
  wid = cid * NS + sid
  obase = wid * OUT_CHUNK
  idxg = (idxg0, idxg1)
  rows = (rows0, rows1)
  sems = (sem0, sem1)

  def start(w, b):
    pltpu.sync_copy(idx_hbm.at[pl.ds(obase + w * GW, GW)], idxg[b])
    pltpu.make_async_copy(embed_hbm.at[idxg[b]], rows[b], sems[b]).start()

  start(0, 0)

  def pair(i, _):
    for b in range(2):
      w = i * 2 + b
      start(jnp.minimum(w + 1, NWIN - 1), 1 - b)
      pltpu.make_async_copy(embed_hbm.at[idxg[b]], rows[b], sems[b]).wait()
      pltpu.sync_copy(rows[b], oembed_hbm.at[pl.ds(obase + w * GW, GW)])
    return 0

  lax.fori_loop(0, NWIN // 2, pair, 0)
  b = 1 - (NWIN - 1) % 2
  pltpu.make_async_copy(embed_hbm.at[idxg[b]], rows[b], sems[b]).wait()


@jax.jit
def _sorter(phi, embed):
  mesh = plsc.VectorSubcoreMesh(
      core_axis_name="c", subcore_axis_name="s", num_cores=NC,
      num_subcores=NS)
  sort_f = pl.kernel(
      _sort_body,
      out_type=[
          jax.ShapeDtypeStruct((N,), jnp.float32),
          jax.ShapeDtypeStruct((N,), jnp.int32),
      ],
      mesh=mesh,
      compiler_params=_params,
      scratch_types=[
          pltpu.VMEM((CHUNK,), jnp.float32),
          pltpu.VMEM((CHUNK,), jnp.int32),
          pltpu.VMEM((CHUNK,), jnp.int32),
          pltpu.VMEM((R0,), jnp.int32),
          pltpu.VMEM((R0,), jnp.int32),
          pltpu.VMEM((R0,), jnp.int32),
          pltpu.VMEM((R0,), jnp.int32),
          pltpu.VMEM((8 * R0,), jnp.int32),
          pltpu.VMEM_SHARED((NS * R0,), jnp.int32),
          pltpu.VMEM_SHARED((N,), jnp.int32),
          pltpu.SemaphoreType.DMA,
      ],
  )
  gather_f = pl.kernel(
      _gather_body,
      out_type=jax.ShapeDtypeStruct((N, D), jnp.float32),
      mesh=mesh,
      compiler_params=_params,
      scratch_types=[
          pltpu.VMEM((GW,), jnp.int32),
          pltpu.VMEM((GW,), jnp.int32),
          pltpu.VMEM((GW, D), jnp.float32),
          pltpu.VMEM((GW, D), jnp.float32),
          pltpu.SemaphoreType.DMA,
          pltpu.SemaphoreType.DMA,
      ],
  )
  ophi, oidx = sort_f(phi)
  oembed = gather_f(embed, oidx)
  return ophi, oembed


def kernel(key_phi, key_embed):
  assert key_phi.shape == (1, N) and key_embed.shape == (1, N, D)
  ophi, oembed = _sorter(key_phi.reshape(N), key_embed[0])
  return ophi[None], oembed[None]

# --- scband reference (transcript-rebuilt; emitter-appended) ---
"""Pipeline reference for scband-sorter-10247791968769 (READ-ONLY COPY).

The authoritative reference and input builder live on the scoring server;
editing this copy changes nothing except your own understanding.
"""

import jax, jax.numpy as jnp
import numpy as np


def setup_inputs(seed: int = 0) -> dict:
    key = jax.random.key(seed)
    k1, k2 = jax.random.split(key)
    N = 262144
    D = 64
    key_phi = jax.random.uniform(k1, (1, N), dtype=jnp.float32)
    key_embed = jax.random.normal(k2, (1, N, D), dtype=jnp.float32)
    return {"key_phi": key_phi, "key_embed": key_embed}


def reference(key_phi, key_embed):
    # Sorter.sort_inputs for input_hit='key', input_sort_field='phi':
    #   sort_idx = argsort(x['key_phi'], dim=-1); take row 0 if 2D (1D index)
    #   tensors ending in '_embed' are sorted along dim 1; others along dim -1
    sort_idx = jnp.argsort(key_phi, axis=-1)
    sort_idx = sort_idx[0]  # collapse batch dim -> 1D index, as in get_sort_idx
    sorted_phi = jnp.take(key_phi, sort_idx, axis=-1)      # sort_dim = -1
    sorted_embed = jnp.take(key_embed, sort_idx, axis=1)   # sort_dim = 1 for *_embed
    return (sorted_phi, sorted_embed)

if __name__ == "__main__":
    import jax
    _d = setup_inputs()
    print(jax.jit(kernel)(*tuple(_d.values())))

</pallas_src>

<mosaic_0001>
#map = affine_map<(d0, d1) -> (0)>
module attributes {stable_mosaic.version = 14 : i64} {
  func.func @_sort_body(%arg0: i32, %arg1: i32, %arg2: memref<262144xf32, #tpu.memory_space<hbm>>, %arg3: memref<262144xf32, #tpu.memory_space<hbm>>, %arg4: memref<262144xi32, #tpu.memory_space<hbm>>, %arg5: memref<16384xf32, #tpu.memory_space<vmem>>, %arg6: memref<16384xi32, #tpu.memory_space<vmem>>, %arg7: memref<16384xi32, #tpu.memory_space<vmem>>, %arg8: memref<4096xi32, #tpu.memory_space<vmem>>, %arg9: memref<4096xi32, #tpu.memory_space<vmem>>, %arg10: memref<4096xi32, #tpu.memory_space<vmem>>, %arg11: memref<4096xi32, #tpu.memory_space<vmem>>, %arg12: memref<32768xi32, #tpu.memory_space<vmem>>, %arg13: memref<65536xi32, #tpu.memory_space<vmem_shared>>, %arg14: memref<262144xi32, #tpu.memory_space<vmem_shared>>, %arg15: memref<!tpu.dma_semaphore, #tpu.memory_space<semaphore_mem>>) attributes {dimension_semantics = [#tpu.dimension_semantics<core_parallel>, #tpu.dimension_semantics<subcore_parallel>], iteration_bounds = array<i64: 2, 16>, scalar_prefetch = 0 : i64, scratch_operands = 11 : i64, tpu.core_type = #tpu.core_type<sc_vector_subcore>, window_params = [{transform_indices = #map}, {transform_indices = #map}, {transform_indices = #map}]} {
    %mul3A = arith.constant 16384 : i32
    %mul3A_0 = arith.muli %arg1, %mul3A : i32
    %iota3A = tpu.iota {dimensions = array<i32: 0>} : vector<16xi32>
    %broadcast_in_dim3A = arith.constant 0 : i32
    %broadcast_in_dim3A_1 = vector.broadcast %broadcast_in_dim3A : i32 to vector<16xi32>
    "tpu.region"() ({
      %run_scoped3A = tpu.sem_alloc : memref<!tpu.dma_semaphore, #tpu.memory_space<semaphore_mem>>
      %dma_start3A_116 = tpu.memref_slice %arg2[%mul3A_0] : memref<262144xf32, #tpu.memory_space<hbm>> -> memref<16384xf32, #tpu.memory_space<hbm>>
      %dma_start3A_117 = tpu.memref_slice %arg2[%mul3A_0] : memref<262144xf32, #tpu.memory_space<hbm>> -> memref<16384xf32, #tpu.memory_space<hbm>>
      tpu.enqueue_dma source(%dma_start3A_117 : memref<16384xf32, #tpu.memory_space<hbm>>) target(%arg5 : memref<16384xf32, #tpu.memory_space<vmem>>) target_semaphore(%run_scoped3A : memref<!tpu.dma_semaphore, #tpu.memory_space<semaphore_mem>>)
      %dma_wait3A_118 = tpu.memref_slice %arg2[%mul3A_0] : memref<262144xf32, #tpu.memory_space<hbm>> -> memref<16384xf32, #tpu.memory_space<hbm>>
      %dma_wait3A_119 = tpu.memref_slice %arg2[%mul3A_0] : memref<262144xf32, #tpu.memory_space<hbm>> -> memref<16384xf32, #tpu.memory_space<hbm>>
      tpu.wait_dma2 semaphore(%run_scoped3A : memref<!tpu.dma_semaphore, #tpu.memory_space<semaphore_mem>>) src(%dma_wait3A_119 : memref<16384xf32, #tpu.memory_space<hbm>>) dst(%arg5 : memref<16384xf32, #tpu.memory_space<vmem>>)
      tpu.yield
    }) : () -> ()
    %scan3A = arith.constant 0 : i32
    %scan3A_2 = arith.constant 0 : i32
    %scan3A_3 = arith.constant 256 : i32
    %scan3A_4 = arith.addi %scan3A_2, %scan3A_3 : i32
    %scan3A_5 = arith.constant 1 : i32
    %scan3A_6 = scf.for %scan3A_116 = %scan3A_2 to %scan3A_4 step %scan3A_5 iter_args(%scan3A_117 = %scan3A) -> (i32)  : i32 {
      %mul3A_118 = arith.constant 16 : i32
      %mul3A_119 = arith.muli %scan3A_116, %mul3A_118 : i32
      %swap3A = arith.index_cast %mul3A_119 : i32 to index
      %swap3A_120 = tpu.vector_load %arg8[%swap3A] {strides = array<i32>} : memref<4096xi32, #tpu.memory_space<vmem>>, vector<16xi32>,
      tpu.vector_store %arg8[%swap3A], %broadcast_in_dim3A_1 {strides = array<i32>} : memref<4096xi32, #tpu.memory_space<vmem>>, vector<16xi32>,
      %scan3A_121 = arith.constant 0 : i32
      scf.yield %scan3A_121 : i32
    }
    %scan3A_7 = arith.constant 256 : i32
    %scan3A_8 = arith.constant 0 : i32
    %scan3A_9 = arith.constant 0 : i32
    %scan3A_10 = arith.constant 128 : i32
    %scan3A_11 = arith.addi %scan3A_9, %scan3A_10 : i32
    %scan3A_12 = arith.constant 1 : i32
    %scan3A_13 = scf.for %scan3A_116 = %scan3A_9 to %scan3A_11 step %scan3A_12 iter_args(%scan3A_117 = %scan3A_8) -> (i32)  : i32 {
      %mul3A_118 = arith.constant 8 : i32
      %mul3A_119 = arith.muli %scan3A_116, %mul3A_118 : i32
      %add3A_120 = arith.constant 0 : i32
      %add3A_121 = arith.addi %mul3A_119, %add3A_120 : i32
      %mul3A_122 = arith.constant 16 : i32
      %mul3A_123 = arith.muli %add3A_121, %mul3A_122 : i32
      %get3A = arith.index_cast %mul3A_123 : i32 to index
      %get3A_124 = tpu.vector_load %arg5[%get3A] {strides = array<i32>} : memref<16384xf32, #tpu.memory_space<vmem>>, vector<16xf32>,
      %mul3A_125 = arith.constant 0x4B000000 : f32
      %mul3A_126 = vector.broadcast %mul3A_125 : f32 to vector<16xf32>
      %mul3A_127 = arith.mulf %get3A_124, %mul3A_126 : vector<16xf32>
      %convert_element_type3A = arith.fptosi %mul3A_127 : vector<16xf32> to vector<16xi32>
      %bitcast3A = vector.bitcast %convert_element_type3A : vector<16xi32> to vector<16xf32>
      %swap3A = arith.index_cast %mul3A_123 : i32 to index
      %swap3A_128 = tpu.vector_load %arg5[%swap3A] {strides = array<i32>} : memref<16384xf32, #tpu.memory_space<vmem>>, vector<16xf32>,
      tpu.vector_store %arg5[%swap3A], %bitcast3A {strides = array<i32>} : memref<16384xf32, #tpu.memory_space<vmem>>, vector<16xf32>,
      %and3A = arith.constant 4095 : i32
      %and3A_129 = vector.broadcast %and3A : i32 to vector<16xi32>
      %and3A_130 = arith.andi %convert_element_type3A, %and3A_129 : vector<16xi32>
      %broadcast_in_dim3A_131 = arith.constant true
      %broadcast_in_dim3A_132 = vector.broadcast %broadcast_in_dim3A_131 : i1 to vector<16xi1>
      %unique3A, %unique3A_133 = tpu.scan_count mask(%broadcast_in_dim3A_132 : vector<16xi1>) value(%and3A_130 : vector<16xi32>) : vector<16xi1>, vector<16xi32>
      tpu.vector_store_idx %arg8[%and3A_130], %unique3A_133 masked %unique3A {add = true} : memref<4096xi32, #tpu.memory_space<vmem>>[vector<16xi32>], vector<16xi32>, vector<16xi1>
      %mul3A_134 = arith.constant 8 : i32
      %mul3A_135 = arith.muli %scan3A_116, %mul3A_134 : i32
      %add3A_136 = arith.constant 1 : i32
      %add3A_137 = arith.addi %mul3A_135, %add3A_136 : i32
      %mul3A_138 = arith.constant 16 : i32
      %mul3A_139 = arith.muli %add3A_137, %mul3A_138 : i32
      %get3A_140 = arith.index_cast %mul3A_139 : i32 to index
      %get3A_141 = tpu.vector_load %arg5[%get3A_140] {strides = array<i32>} : memref<16384xf32, #tpu.memory_space<vmem>>, vector<16xf32>,
      %mul3A_142 = arith.constant 0x4B000000 : f32
      %mul3A_143 = vector.broadcast %mul3A_142 : f32 to vector<16xf32>
      %mul3A_144 = arith.mulf %get3A_141, %mul3A_143 : vector<16xf32>
      %convert_element_type3A_145 = arith.fptosi %mul3A_144 : vector<16xf32> to vector<16xi32>
      %bitcast3A_146 = vector.bitcast %convert_element_type3A_145 : vector<16xi32> to vector<16xf32>
      %swap3A_147 = arith.index_cast %mul3A_139 : i32 to index
      %swap3A_148 = tpu.vector_load %arg5[%swap3A_147] {strides = array<i32>} : memref<16384xf32, #tpu.memory_space<vmem>>, vector<16xf32>,
      tpu.vector_store %arg5[%swap3A_147], %bitcast3A_146 {strides = array<i32>} : memref<16384xf32, #tpu.memory_space<vmem>>, vector<16xf32>,
      %and3A_149 = arith.constant 4095 : i32
      %and3A_150 = vector.broadcast %and3A_149 : i32 to vector<16xi32>
      %and3A_151 = arith.andi %convert_element_type3A_145, %and3A_150 : vector<16xi32>
      %broadcast_in_dim3A_152 = arith.constant true
      %broadcast_in_dim3A_153 = vector.broadcast %broadcast_in_dim3A_152 : i1 to vector<16xi1>
      %unique3A_154, %unique3A_155 = tpu.scan_count mask(%broadcast_in_dim3A_153 : vector<16xi1>) value(%and3A_151 : vector<16xi32>) : vector<16xi1>, vector<16xi32>
      tpu.vector_store_idx %arg8[%and3A_151], %unique3A_155 masked %unique3A_154 {add = true} : memref<4096xi32, #tpu.memory_space<vmem>>[vector<16xi32>], vector<16xi32>, vector<16xi1>
      %mul3A_156 = arith.constant 8 : i32
      %mul3A_157 = arith.muli %scan3A_116, %mul3A_156 : i32
      %add3A_158 = arith.constant 2 : i32
      %add3A_159 = arith.addi %mul3A_157, %add3A_158 : i32
      %mul3A_160 = arith.constant 16 : i32
      %mul3A_161 = arith.muli %add3A_159, %mul3A_160 : i32
      %get3A_162 = arith.index_cast %mul3A_161 : i32 to index
      %get3A_163 = tpu.vector_load %arg5[%get3A_162] {strides = array<i32>} : memref<16384xf32, #tpu.memory_space<vmem>>, vector<16xf32>,
      %mul3A_164 = arith.constant 0x4B000000 : f32
      %mul3A_165 = vector.broadcast %mul3A_164 : f32 to vector<16xf32>
      %mul3A_166 = arith.mulf %get3A_163, %mul3A_165 : vector<16xf32>
      %convert_element_type3A_167 = arith.fptosi %mul3A_166 : vector<16xf32> to vector<16xi32>
      %bitcast3A_168 = vector.bitcast %convert_element_type3A_167 : vector<16xi32> to vector<16xf32>
      %swap3A_169 = arith.index_cast %mul3A_161 : i32 to index
      %swap3A_170 = tpu.vector_load %arg5[%swap3A_169] {strides = array<i32>} : memref<16384xf32, #tpu.memory_space<vmem>>, vector<16xf32>,
      tpu.vector_store %arg5[%swap3A_169], %bitcast3A_168 {strides = array<i32>} : memref<16384xf32, #tpu.memory_space<vmem>>, vector<16xf32>,
      %and3A_171 = arith.constant 4095 : i32
      %and3A_172 = vector.broadcast %and3A_171 : i32 to vector<16xi32>
      %and3A_173 = arith.andi %convert_element_type3A_167, %and3A_172 : vector<16xi32>
      %broadcast_in_dim3A_174 = arith.constant true
      %broadcast_in_dim3A_175 = vector.broadcast %broadcast_in_dim3A_174 : i1 to vector<16xi1>
      %unique3A_176, %unique3A_177 = tpu.scan_count mask(%broadcast_in_dim3A_175 : vector<16xi1>) value(%and3A_173 : vector<16xi32>) : vector<16xi1>, vector<16xi32>
      tpu.vector_store_idx %arg8[%and3A_173], %unique3A_177 masked %unique3A_176 {add = true} : memref<4096xi32, #tpu.memory_space<vmem>>[vector<16xi32>], vector<16xi32>, vector<16xi1>
      %mul3A_178 = arith.constant 8 : i32
      %mul3A_179 = arith.muli %scan3A_116, %mul3A_178 : i32
      %add3A_180 = arith.constant 3 : i32
      %add3A_181 = arith.addi %mul3A_179, %add3A_180 : i32
      %mul3A_182 = arith.constant 16 : i32
      %mul3A_183 = arith.muli %add3A_181, %mul3A_182 : i32
      %get3A_184 = arith.index_cast %mul3A_183 : i32 to index
      %get3A_185 = tpu.vector_load %arg5[%get3A_184] {strides = array<i32>} : memref<16384xf32, #tpu.memory_space<vmem>>, vector<16xf32>,
      %mul3A_186 = arith.constant 0x4B000000 : f32
      %mul3A_187 = vector.broadcast %mul3A_186 : f32 to vector<16xf32>
      %mul3A_188 = arith.mulf %get3A_185, %mul3A_187 : vector<16xf32>
      %convert_element_type3A_189 = arith.fptosi %mul3A_188 : vector<16xf32> to vector<16xi32>
      %bitcast3A_190 = vector.bitcast %convert_element_type3A_189 : vector<16xi32> to vector<16xf32>
      %swap3A_191 = arith.index_cast %mul3A_183 : i32 to index
      %swap3A_192 = tpu.vector_load %arg5[%swap3A_191] {strides = array<i32>} : memref<16384xf32, #tpu.memory_space<vmem>>, vector<16xf32>,
      tpu.vector_store %arg5[%swap3A_191], %bitcast3A_190 {strides = array<i32>} : memref<16384xf32, #tpu.memory_space<vmem>>, vector<16xf32>,
      %and3A_193 = arith.constant 4095 : i32
      %and3A_194 = vector.broadcast %and3A_193 : i32 to vector<16xi32>
      %and3A_195 = arith.andi %convert_element_type3A_189, %and3A_194 : vector<16xi32>
      %broadcast_in_dim3A_196 = arith.constant true
      %broadcast_in_dim3A_197 = vector.broadcast %broadcast_in_dim3A_196 : i1 to vector<16xi1>
      %unique3A_198, %unique3A_199 = tpu.scan_count mask(%broadcast_in_dim3A_197 : vector<16xi1>) value(%and3A_195 : vector<16xi32>) : vector<16xi1>, vector<16xi32>
      tpu.vector_store_idx %arg8[%and3A_195], %unique3A_199 masked %unique3A_198 {add = true} : memref<4096xi32, #tpu.memory_space<vmem>>[vector<16xi32>], vector<16xi32>, vector<16xi1>
      %mul3A_200 = arith.constant 8 : i32
      %mul3A_201 = arith.muli %scan3A_116, %mul3A_200 : i32
      %add3A_202 = arith.constant 4 : i32
      %add3A_203 = arith.addi %mul3A_201, %add3A_202 : i32
      %mul3A_204 = arith.constant 16 : i32
      %mul3A_205 = arith.muli %add3A_203, %mul3A_204 : i32
      %get3A_206 = arith.index_cast %mul3A_205 : i32 to index
      %get3A_207 = tpu.vector_load %arg5[%get3A_206] {strides = array<i32>} : memref<16384xf32, #tpu.memory_space<vmem>>, vector<16xf32>,
      %mul3A_208 = arith.constant 0x4B000000 : f32
      %mul3A_209 = vector.broadcast %mul3A_208 : f32 to vector<16xf32>
      %mul3A_210 = arith.mulf %get3A_207, %mul3A_209 : vector<16xf32>
      %convert_element_type3A_211 = arith.fptosi %mul3A_210 : vector<16xf32> to vector<16xi32>
      %bitcast3A_212 = vector.bitcast %convert_element_type3A_211 : vector<16xi32> to vector<16xf32>
      %swap3A_213 = arith.index_cast %mul3A_205 : i32 to index
      %swap3A_214 = tpu.vector_load %arg5[%swap3A_213] {strides = array<i32>} : memref<16384xf32, #tpu.memory_space<vmem>>, vector<16xf32>,
      tpu.vector_store %arg5[%swap3A_213], %bitcast3A_212 {strides = array<i32>} : memref<16384xf32, #tpu.memory_space<vmem>>, vector<16xf32>,
      %and3A_215 = arith.constant 4095 : i32
      %and3A_216 = vector.broadcast %and3A_215 : i32 to vector<16xi32>
      %and3A_217 = arith.andi %convert_element_type3A_211, %and3A_216 : vector<16xi32>
      %broadcast_in_dim3A_218 = arith.constant true
      %broadcast_in_dim3A_219 = vector.broadcast %broadcast_in_dim3A_218 : i1 to vector<16xi1>
      %unique3A_220, %unique3A_221 = tpu.scan_count mask(%broadcast_in_dim3A_219 : vector<16xi1>) value(%and3A_217 : vector<16xi32>) : vector<16xi1>, vector<16xi32>
      tpu.vector_store_idx %arg8[%and3A_217], %unique3A_221 masked %unique3A_220 {add = true} : memref<4096xi32, #tpu.memory_space<vmem>>[vector<16xi32>], vector<16xi32>, vector<16xi1>
      %mul3A_222 = arith.constant 8 : i32
      %mul3A_223 = arith.muli %scan3A_116, %mul3A_222 : i32
      %add3A_224 = arith.constant 5 : i32
      %add3A_225 = arith.addi %mul3A_223, %add3A_224 : i32
      %mul3A_226 = arith.constant 16 : i32
      %mul3A_227 = arith.muli %add3A_225, %mul3A_226 : i32
      %get3A_228 = arith.index_cast %mul3A_227 : i32 to index
      %get3A_229 = tpu.vector_load %arg5[%get3A_228] {strides = array<i32>} : memref<16384xf32, #tpu.memory_space<vmem>>, vector<16xf32>,
      %mul3A_230 = arith.constant 0x4B000000 : f32
      %mul3A_231 = vector.broadcast %mul3A_230 : f32 to vector<16xf32>
      %mul3A_232 = arith.mulf %get3A_229, %mul3A_231 : vector<16xf32>
      %convert_element_type3A_233 = arith.fptosi %mul3A_232 : vector<16xf32> to vector<16xi32>
      %bitcast3A_234 = vector.bitcast %convert_element_type3A_233 : vector<16xi32> to vector<16xf32>
      %swap3A_235 = arith.index_cast %mul3A_227 : i32 to index
      %swap3A_236 = tpu.vector_load %arg5[%swap3A_235] {strides = array<i32>} : memref<16384xf32, #tpu.memory_space<vmem>>, vector<16xf32>,
      tpu.vector_store %arg5[%swap3A_235], %bitcast3A_234 {strides = array<i32>} : memref<16384xf32, #tpu.memory_space<vmem>>, vector<16xf32>,
      %and3A_237 = arith.constant 4095 : i32
      %and3A_238 = vector.broadcast %and3A_237 : i32 to vector<16xi32>
      %and3A_239 = arith.andi %convert_element_type3A_233, %and3A_238 : vector<16xi32>
      %broadcast_in_dim3A_240 = arith.constant true
      %broadcast_in_dim3A_241 = vector.broadcast %broadcast_in_dim3A_240 : i1 to vector<16xi1>
      %unique3A_242, %unique3A_243 = tpu.scan_count mask(%broadcast_in_dim3A_241 : vector<16xi1>) value(%and3A_239 : vector<16xi32>) : vector<16xi1>, vector<16xi32>
      tpu.vector_store_idx %arg8[%and3A_239], %unique3A_243 masked %unique3A_242 {add = true} : memref<4096xi32, #tpu.memory_space<vmem>>[vector<16xi32>], vector<16xi32>, vector<16xi1>
      %mul3A_244 = arith.constant 8 : i32
      %mul3A_245 = arith.muli %scan3A_116, %mul3A_244 : i32
      %add3A_246 = arith.constant 6 : i32
      %add3A_247 = arith.addi %mul3A_245, %add3A_246 : i32
      %mul3A_248 = arith.constant 16 : i32
      %mul3A_249 = arith.muli %add3A_247, %mul3A_248 : i32
      %get3A_250 = arith.index_cast %mul3A_249 : i32 to index
      %get3A_251 = tpu.vector_load %arg5[%get3A_250] {strides = array<i32>} : memref<16384xf32, #tpu.memory_space<vmem>>, vector<16xf32>,
      %mul3A_252 = arith.constant 0x4B000000 : f32
      %mul3A_253 = vector.broadcast %mul3A_252 : f32 to vector<16xf32>
      %mul3A_254 = arith.mulf %get3A_251, %mul3A_253 : vector<16xf32>
      %convert_element_type3A_255 = arith.fptosi %mul3A_254 : vector<16xf32> to vector<16xi32>
      %bitcast3A_256 = vector.bitcast %convert_element_type3A_255 : vector<16xi32> to vector<16xf32>
      %swap3A_257 = arith.index_cast %mul3A_249 : i32 to index
      %swap3A_258 = tpu.vector_load %arg5[%swap3A_257] {strides = array<i32>} : memref<16384xf32, #tpu.memory_space<vmem>>, vector<16xf32>,
      tpu.vector_store %arg5[%swap3A_257], %bitcast3A_256 {strides = array<i32>} : memref<16384xf32, #tpu.memory_space<vmem>>, vector<16xf32>,
      %and3A_259 = arith.constant 4095 : i32
      %and3A_260 = vector.broadcast %and3A_259 : i32 to vector<16xi32>
      %and3A_261 = arith.andi %convert_element_type3A_255, %and3A_260 : vector<16xi32>
      %broadcast_in_dim3A_262 = arith.constant true
      %broadcast_in_dim3A_263 = vector.broadcast %broadcast_in_dim3A_262 : i1 to vector<16xi1>
      %unique3A_264, %unique3A_265 = tpu.scan_count mask(%broadcast_in_dim3A_263 : vector<16xi1>) value(%and3A_261 : vector<16xi32>) : vector<16xi1>, vector<16xi32>
      tpu.vector_store_idx %arg8[%and3A_261], %unique3A_265 masked %unique3A_264 {add = true} : memref<4096xi32, #tpu.memory_space<vmem>>[vector<16xi32>], vector<16xi32>, vector<16xi1>
      %mul3A_266 = arith.constant 8 : i32
      %mul3A_267 = arith.muli %scan3A_116, %mul3A_266 : i32
      %add3A_268 = arith.constant 7 : i32
      %add3A_269 = arith.addi %mul3A_267, %add3A_268 : i32
      %mul3A_270 = arith.constant 16 : i32
      %mul3A_271 = arith.muli %add3A_269, %mul3A_270 : i32
      %get3A_272 = arith.index_cast %mul3A_271 : i32 to index
      %get3A_273 = tpu.vector_load %arg5[%get3A_272] {strides = array<i32>} : memref<16384xf32, #tpu.memory_space<vmem>>, vector<16xf32>,
      %mul3A_274 = arith.constant 0x4B000000 : f32
      %mul3A_275 = vector.broadcast %mul3A_274 : f32 to vector<16xf32>
      %mul3A_276 = arith.mulf %get3A_273, %mul3A_275 : vector<16xf32>
      %convert_element_type3A_277 = arith.fptosi %mul3A_276 : vector<16xf32> to vector<16xi32>
      %bitcast3A_278 = vector.bitcast %convert_element_type3A_277 : vector<16xi32> to vector<16xf32>
      %swap3A_279 = arith.index_cast %mul3A_271 : i32 to index
      %swap3A_280 = tpu.vector_load %arg5[%swap3A_279] {strides = array<i32>} : memref<16384xf32, #tpu.memory_space<vmem>>, vector<16xf32>,
      tpu.vector_store %arg5[%swap3A_279], %bitcast3A_278 {strides = array<i32>} : memref<16384xf32, #tpu.memory_space<vmem>>, vector<16xf32>,
      %and3A_281 = arith.constant 4095 : i32
      %and3A_282 = vector.broadcast %and3A_281 : i32 to vector<16xi32>
      %and3A_283 = arith.andi %convert_element_type3A_277, %and3A_282 : vector<16xi32>
      %broadcast_in_dim3A_284 = arith.constant true
      %broadcast_in_dim3A_285 = vector.broadcast %broadcast_in_dim3A_284 : i1 to vector<16xi1>
      %unique3A_286, %unique3A_287 = tpu.scan_count mask(%broadcast_in_dim3A_285 : vector<16xi1>) value(%and3A_283 : vector<16xi32>) : vector<16xi1>, vector<16xi32>
      tpu.vector_store_idx %arg8[%and3A_283], %unique3A_287 masked %unique3A_286 {add = true} : memref<4096xi32, #tpu.memory_space<vmem>>[vector<16xi32>], vector<16xi32>, vector<16xi1>
      %scan3A_288 = arith.constant 0 : i32
      scf.yield %scan3A_288 : i32
    }
    %scan3A_14 = arith.constant 128 : i32
    %mul3A_15 = arith.constant 4096 : i32
    %mul3A_16 = arith.muli %arg1, %mul3A_15 : i32
    "tpu.region"() ({
      %run_scoped3A = tpu.sem_alloc : memref<!tpu.dma_semaphore, #tpu.memory_space<semaphore_mem>>
      %dma_start3A_116 = arith.constant 0 : i32
      %dma_start3A_117 = tpu.memref_slice %arg8[%dma_start3A_116] : memref<4096xi32, #tpu.memory_space<vmem>> -> memref<4096xi32, #tpu.memory_space<vmem>>
      %dma_start3A_118 = tpu.memref_slice %arg13[%mul3A_16] : memref<65536xi32, #tpu.memory_space<vmem_shared>> -> memref<4096xi32, #tpu.memory_space<vmem_shared>>
      %dma_start3A_119 = tpu.memref_slice %arg13[%mul3A_16] : memref<65536xi32, #tpu.memory_space<vmem_shared>> -> memref<4096xi32, #tpu.memory_space<vmem_shared>>
      %dma_start3A_120 = arith.constant 0 : i32
      %dma_start3A_121 = tpu.memref_slice %arg8[%dma_start3A_120] : memref<4096xi32, #tpu.memory_space<vmem>> -> memref<4096xi32, #tpu.memory_space<vmem>>
      tpu.enqueue_dma source(%dma_start3A_121 : memref<4096xi32, #tpu.memory_space<vmem>>) target(%dma_start3A_119 : memref<4096xi32, #tpu.memory_space<vmem_shared>>) target_semaphore(%run_scoped3A : memref<!tpu.dma_semaphore, #tpu.memory_space<semaphore_mem>>)
      %dma_wait3A_122 = arith.constant 0 : i32
      %dma_wait3A_123 = tpu.memref_slice %arg8[%dma_wait3A_122] : memref<4096xi32, #tpu.memory_space<vmem>> -> memref<4096xi32, #tpu.memory_space<vmem>>
      %dma_wait3A_124 = tpu.memref_slice %arg13[%mul3A_16] : memref<65536xi32, #tpu.memory_space<vmem_shared>> -> memref<4096xi32, #tpu.memory_space<vmem_shared>>
      %dma_wait3A_125 = tpu.memref_slice %arg13[%mul3A_16] : memref<65536xi32, #tpu.memory_space<vmem_shared>> -> memref<4096xi32, #tpu.memory_space<vmem_shared>>
      %dma_wait3A_126 = arith.constant 0 : i32
      %dma_wait3A_127 = tpu.memref_slice %arg8[%dma_wait3A_126] : memref<4096xi32, #tpu.memory_space<vmem>> -> memref<4096xi32, #tpu.memory_space<vmem>>
      tpu.wait_dma2 semaphore(%run_scoped3A : memref<!tpu.dma_semaphore, #tpu.memory_space<semaphore_mem>>) src(%dma_wait3A_127 : memref<4096xi32, #tpu.memory_space<vmem>>) dst(%dma_wait3A_125 : memref<4096xi32, #tpu.memory_space<vmem_shared>>)
      tpu.yield
    }) : () -> ()
    %barrier3A = arith.constant 0 : index
    tpu.barrier barrier_id(%barrier3A)
    "tpu.region"() ({
      %run_scoped3A = tpu.sem_alloc : memref<!tpu.dma_semaphore, #tpu.memory_space<semaphore_mem>>
      %dma_start3A_116 = arith.constant 0 : i32
      %dma_start3A_117 = tpu.memref_slice %arg12[%dma_start3A_116] : memref<32768xi32, #tpu.memory_space<vmem>> -> memref<32768xi32, #tpu.memory_space<vmem>>
      %dma_start3A_118 = arith.constant 0 : i32
      %dma_start3A_119 = tpu.memref_slice %arg13[%dma_start3A_118] : memref<65536xi32, #tpu.memory_space<vmem_shared>> -> memref<32768xi32, #tpu.memory_space<vmem_shared>>
      %dma_start3A_120 = arith.constant 0 : i32
      %dma_start3A_121 = tpu.memref_slice %arg12[%dma_start3A_120] : memref<32768xi32, #tpu.memory_space<vmem>> -> memref<32768xi32, #tpu.memory_space<vmem>>
      %dma_start3A_122 = arith.constant 0 : i32
      %dma_start3A_123 = tpu.memref_slice %arg13[%dma_start3A_122] : memref<65536xi32, #tpu.memory_space<vmem_shared>> -> memref<32768xi32, #tpu.memory_space<vmem_shared>>
      tpu.enqueue_dma source(%dma_start3A_123 : memref<32768xi32, #tpu.memory_space<vmem_shared>>) target(%dma_start3A_121 : memref<32768xi32, #tpu.memory_space<vmem>>) target_semaphore(%run_scoped3A : memref<!tpu.dma_semaphore, #tpu.memory_space<semaphore_mem>>)
      %dma_wait3A_124 = arith.constant 0 : i32
      %dma_wait3A_125 = tpu.memref_slice %arg12[%dma_wait3A_124] : memref<32768xi32, #tpu.memory_space<vmem>> -> memref<32768xi32, #tpu.memory_space<vmem>>
      %dma_wait3A_126 = arith.constant 0 : i32
      %dma_wait3A_127 = tpu.memref_slice %arg13[%dma_wait3A_126] : memref<65536xi32, #tpu.memory_space<vmem_shared>> -> memref<32768xi32, #tpu.memory_space<vmem_shared>>
      %dma_wait3A_128 = arith.constant 0 : i32
      %dma_wait3A_129 = tpu.memref_slice %arg12[%dma_wait3A_128] : memref<32768xi32, #tpu.memory_space<vmem>> -> memref<32768xi32, #tpu.memory_space<vmem>>
      %dma_wait3A_130 = arith.constant 0 : i32
      %dma_wait3A_131 = tpu.memref_slice %arg13[%dma_wait3A_130] : memref<65536xi32, #tpu.memory_space<vmem_shared>> -> memref<32768xi32, #tpu.memory_space<vmem_shared>>
      tpu.wait_dma2 semaphore(%run_scoped3A : memref<!tpu.dma_semaphore, #tpu.memory_space<semaphore_mem>>) src(%dma_wait3A_131 : memref<32768xi32, #tpu.memory_space<vmem_shared>>) dst(%dma_wait3A_129 : memref<32768xi32, #tpu.memory_space<vmem>>)
      tpu.yield
    }) : () -> ()
    %scan3A_17 = arith.constant 0 : i32
    %scan3A_18 = arith.constant 0 : i32
    %scan3A_19 = arith.constant 256 : i32
    %scan3A_20 = arith.addi %scan3A_18, %scan3A_19 : i32
    %scan3A_21 = arith.constant 1 : i32
    %scan3A_22 = scf.for %scan3A_116 = %scan3A_18 to %scan3A_20 step %scan3A_21 iter_args(%scan3A_117 = %scan3A_17) -> (i32)  : i32 {
      %mul3A_118 = arith.constant 16 : i32
      %mul3A_119 = arith.muli %scan3A_116, %mul3A_118 : i32
      %add3A_120 = arith.constant 0 : i32
      %add3A_121 = arith.addi %add3A_120, %mul3A_119 : i32
      %get3A = arith.index_cast %add3A_121 : i32 to index
      %get3A_122 = tpu.vector_load %arg12[%get3A] {strides = array<i32>} : memref<32768xi32, #tpu.memory_space<vmem>>, vector<16xi32>,
      %add3A_123 = arith.addi %broadcast_in_dim3A_1, %get3A_122 : vector<16xi32>
      %gt3A = arith.constant 0 : i32
      %gt3A_124 = arith.cmpi sgt, %arg1, %gt3A : i32
      %convert_element_type3A = arith.extui %gt3A_124 : i1 to i32
      %mul3A_125 = vector.broadcast %convert_element_type3A : i32 to vector<16xi32>
      %mul3A_126 = arith.muli %get3A_122, %mul3A_125 : vector<16xi32>
      %add3A_127 = arith.addi %broadcast_in_dim3A_1, %mul3A_126 : vector<16xi32>
      %add3A_128 = arith.constant 4096 : i32
      %add3A_129 = arith.addi %add3A_128, %mul3A_119 : i32
      %get3A_130 = arith.index_cast %add3A_129 : i32 to index
      %get3A_131 = tpu.vector_load %arg12[%get3A_130] {strides = array<i32>} : memref<32768xi32, #tpu.memory_space<vmem>>, vector<16xi32>,
      %add3A_132 = arith.addi %add3A_123, %get3A_131 : vector<16xi32>
      %gt3A_133 = arith.constant 1 : i32
      %gt3A_134 = arith.cmpi sgt, %arg1, %gt3A_133 : i32
      %convert_element_type3A_135 = arith.extui %gt3A_134 : i1 to i32
      %mul3A_136 = vector.broadcast %convert_element_type3A_135 : i32 to vector<16xi32>
      %mul3A_137 = arith.muli %get3A_131, %mul3A_136 : vector<16xi32>
      %add3A_138 = arith.addi %add3A_127, %mul3A_137 : vector<16xi32>
      %add3A_139 = arith.constant 8192 : i32
      %add3A_140 = arith.addi %add3A_139, %mul3A_119 : i32
      %get3A_141 = arith.index_cast %add3A_140 : i32 to index
      %get3A_142 = tpu.vector_load %arg12[%get3A_141] {strides = array<i32>} : memref<32768xi32, #tpu.memory_space<vmem>>, vector<16xi32>,
      %add3A_143 = arith.addi %add3A_132, %get3A_142 : vector<16xi32>
      %gt3A_144 = arith.constant 2 : i32
      %gt3A_145 = arith.cmpi sgt, %arg1, %gt3A_144 : i32
      %convert_element_type3A_146 = arith.extui %gt3A_145 : i1 to i32
      %mul3A_147 = vector.broadcast %convert_element_type3A_146 : i32 to vector<16xi32>
      %mul3A_148 = arith.muli %get3A_142, %mul3A_147 : vector<16xi32>
      %add3A_149 = arith.addi %add3A_138, %mul3A_148 : vector<16xi32>
      %add3A_150 = arith.constant 12288 : i32
      %add3A_151 = arith.addi %add3A_150, %mul3A_119 : i32
      %get3A_152 = arith.index_cast %add3A_151 : i32 to index
      %get3A_153 = tpu.vector_load %arg12[%get3A_152] {strides = array<i32>} : memref<32768xi32, #tpu.memory_space<vmem>>, vector<16xi32>,
      %add3A_154 = arith.addi %add3A_143, %get3A_153 : vector<16xi32>
      %gt3A_155 = arith.constant 3 : i32
      %gt3A_156 = arith.cmpi sgt, %arg1, %gt3A_155 : i32
      %convert_element_type3A_157 = arith.extui %gt3A_156 : i1 to i32
      %mul3A_158 = vector.broadcast %convert_element_type3A_157 : i32 to vector<16xi32>
      %mul3A_159 = arith.muli %get3A_153, %mul3A_158 : vector<16xi32>
      %add3A_160 = arith.addi %add3A_149, %mul3A_159 : vector<16xi32>
      %add3A_161 = arith.constant 16384 : i32
      %add3A_162 = arith.addi %add3A_161, %mul3A_119 : i32
      %get3A_163 = arith.index_cast %add3A_162 : i32 to index
      %get3A_164 = tpu.vector_load %arg12[%get3A_163] {strides = array<i32>} : memref<32768xi32, #tpu.memory_space<vmem>>, vector<16xi32>,
      %add3A_165 = arith.addi %add3A_154, %get3A_164 : vector<16xi32>
      %gt3A_166 = arith.constant 4 : i32
      %gt3A_167 = arith.cmpi sgt, %arg1, %gt3A_166 : i32
      %convert_element_type3A_168 = arith.extui %gt3A_167 : i1 to i32
      %mul3A_169 = vector.broadcast %convert_element_type3A_168 : i32 to vector<16xi32>
      %mul3A_170 = arith.muli %get3A_164, %mul3A_169 : vector<16xi32>
      %add3A_171 = arith.addi %add3A_160, %mul3A_170 : vector<16xi32>
      %add3A_172 = arith.constant 20480 : i32
      %add3A_173 = arith.addi %add3A_172, %mul3A_119 : i32
      %get3A_174 = arith.index_cast %add3A_173 : i32 to index
      %get3A_175 = tpu.vector_load %arg12[%get3A_174] {strides = array<i32>} : memref<32768xi32, #tpu.memory_space<vmem>>, vector<16xi32>,
      %add3A_176 = arith.addi %add3A_165, %get3A_175 : vector<16xi32>
      %gt3A_177 = arith.constant 5 : i32
      %gt3A_178 = arith.cmpi sgt, %arg1, %gt3A_177 : i32
      %convert_element_type3A_179 = arith.extui %gt3A_178 : i1 to i32
      %mul3A_180 = vector.broadcast %convert_element_type3A_179 : i32 to vector<16xi32>
      %mul3A_181 = arith.muli %get3A_175, %mul3A_180 : vector<16xi32>
      %add3A_182 = arith.addi %add3A_171, %mul3A_181 : vector<16xi32>
      %add3A_183 = arith.constant 24576 : i32
      %add3A_184 = arith.addi %add3A_183, %mul3A_119 : i32
      %get3A_185 = arith.index_cast %add3A_184 : i32 to index
      %get3A_186 = tpu.vector_load %arg12[%get3A_185] {strides = array<i32>} : memref<32768xi32, #tpu.memory_space<vmem>>, vector<16xi32>,
      %add3A_187 = arith.addi %add3A_176, %get3A_186 : vector<16xi32>
      %gt3A_188 = arith.constant 6 : i32
      %gt3A_189 = arith.cmpi sgt, %arg1, %gt3A_188 : i32
      %convert_element_type3A_190 = arith.extui %gt3A_189 : i1 to i32
      %mul3A_191 = vector.broadcast %convert_element_type3A_190 : i32 to vector<16xi32>
      %mul3A_192 = arith.muli %get3A_186, %mul3A_191 : vector<16xi32>
      %add3A_193 = arith.addi %add3A_182, %mul3A_192 : vector<16xi32>
      %add3A_194 = arith.constant 28672 : i32
      %add3A_195 = arith.addi %add3A_194, %mul3A_119 : i32
      %get3A_196 = arith.index_cast %add3A_195 : i32 to index
      %get3A_197 = tpu.vector_load %arg12[%get3A_196] {strides = array<i32>} : memref<32768xi32, #tpu.memory_space<vmem>>, vector<16xi32>,
      %add3A_198 = arith.addi %add3A_187, %get3A_197 : vector<16xi32>
      %gt3A_199 = arith.constant 7 : i32
      %gt3A_200 = arith.cmpi sgt, %arg1, %gt3A_199 : i32
      %convert_element_type3A_201 = arith.extui %gt3A_200 : i1 to i32
      %mul3A_202 = vector.broadcast %convert_element_type3A_201 : i32 to vector<16xi32>
      %mul3A_203 = arith.muli %get3A_197, %mul3A_202 : vector<16xi32>
      %add3A_204 = arith.addi %add3A_193, %mul3A_203 : vector<16xi32>
      %swap3A = arith.index_cast %mul3A_119 : i32 to index
      %swap3A_205 = tpu.vector_load %arg10[%swap3A] {strides = array<i32>} : memref<4096xi32, #tpu.memory_space<vmem>>, vector<16xi32>,
      tpu.vector_store %arg10[%swap3A], %add3A_198 {strides = array<i32>} : memref<4096xi32, #tpu.memory_space<vmem>>, vector<16xi32>,
      %swap3A_206 = arith.index_cast %mul3A_119 : i32 to index
      %swap3A_207 = tpu.vector_load %arg11[%swap3A_206] {strides = array<i32>} : memref<4096xi32, #tpu.memory_space<vmem>>, vector<16xi32>,
      tpu.vector_store %arg11[%swap3A_206], %add3A_204 {strides = array<i32>} : memref<4096xi32, #tpu.memory_space<vmem>>, vector<16xi32>,
      %scan3A_208 = arith.constant 0 : i32
      scf.yield %scan3A_208 : i32
    }
    %scan3A_23 = arith.constant 256 : i32
    "tpu.region"() ({
      %run_scoped3A = tpu.sem_alloc : memref<!tpu.dma_semaphore, #tpu.memory_space<semaphore_mem>>
      %dma_start3A_116 = arith.constant 0 : i32
      %dma_start3A_117 = tpu.memref_slice %arg12[%dma_start3A_116] : memref<32768xi32, #tpu.memory_space<vmem>> -> memref<32768xi32, #tpu.memory_space<vmem>>
      %dma_start3A_118 = arith.constant 32768 : i32
      %dma_start3A_119 = tpu.memref_slice %arg13[%dma_start3A_118] : memref<65536xi32, #tpu.memory_space<vmem_shared>> -> memref<32768xi32, #tpu.memory_space<vmem_shared>>
      %dma_start3A_120 = arith.constant 0 : i32
      %dma_start3A_121 = tpu.memref_slice %arg12[%dma_start3A_120] : memref<32768xi32, #tpu.memory_space<vmem>> -> memref<32768xi32, #tpu.memory_space<vmem>>
      %dma_start3A_122 = arith.constant 32768 : i32
      %dma_start3A_123 = tpu.memref_slice %arg13[%dma_start3A_122] : memref<65536xi32, #tpu.memory_space<vmem_shared>> -> memref<32768xi32, #tpu.memory_space<vmem_shared>>
      tpu.enqueue_dma source(%dma_start3A_123 : memref<32768xi32, #tpu.memory_space<vmem_shared>>) target(%dma_start3A_121 : memref<32768xi32, #tpu.memory_space<vmem>>) target_semaphore(%run_scoped3A : memref<!tpu.dma_semaphore, #tpu.memory_space<semaphore_mem>>)
      %dma_wait3A_124 = arith.constant 0 : i32
      %dma_wait3A_125 = tpu.memref_slice %arg12[%dma_wait3A_124] : memref<32768xi32, #tpu.memory_space<vmem>> -> memref<32768xi32, #tpu.memory_space<vmem>>
      %dma_wait3A_126 = arith.constant 32768 : i32
      %dma_wait3A_127 = tpu.memref_slice %arg13[%dma_wait3A_126] : memref<65536xi32, #tpu.memory_space<vmem_shared>> -> memref<32768xi32, #tpu.memory_space<vmem_shared>>
      %dma_wait3A_128 = arith.constant 0 : i32
      %dma_wait3A_129 = tpu.memref_slice %arg12[%dma_wait3A_128] : memref<32768xi32, #tpu.memory_space<vmem>> -> memref<32768xi32, #tpu.memory_space<vmem>>
      %dma_wait3A_130 = arith.constant 32768 : i32
      %dma_wait3A_131 = tpu.memref_slice %arg13[%dma_wait3A_130] : memref<65536xi32, #tpu.memory_space<vmem_shared>> -> memref<32768xi32, #tpu.memory_space<vmem_shared>>
      tpu.wait_dma2 semaphore(%run_scoped3A : memref<!tpu.dma_semaphore, #tpu.memory_space<semaphore_mem>>) src(%dma_wait3A_131 : memref<32768xi32, #tpu.memory_space<vmem_shared>>) dst(%dma_wait3A_129 : memref<32768xi32, #tpu.memory_space<vmem>>)
      tpu.yield
    }) : () -> ()
    %scan3A_24 = arith.constant 0 : i32
    %scan3A_25 = arith.constant 0 : i32
    %scan3A_26 = arith.constant 256 : i32
    %scan3A_27 = arith.addi %scan3A_25, %scan3A_26 : i32
    %scan3A_28 = arith.constant 1 : i32
    %scan3A_29 = scf.for %scan3A_116 = %scan3A_25 to %scan3A_27 step %scan3A_28 iter_args(%scan3A_117 = %scan3A_24) -> (i32)  : i32 {
      %mul3A_118 = arith.constant 16 : i32
      %mul3A_119 = arith.muli %scan3A_116, %mul3A_118 : i32
      %get3A = arith.index_cast %mul3A_119 : i32 to index
      %get3A_120 = tpu.vector_load %arg10[%get3A] {strides = array<i32>} : memref<4096xi32, #tpu.memory_space<vmem>>, vector<16xi32>,
      %get3A_121 = arith.index_cast %mul3A_119 : i32 to index
      %get3A_122 = tpu.vector_load %arg11[%get3A_121] {strides = array<i32>} : memref<4096xi32, #tpu.memory_space<vmem>>, vector<16xi32>,
      %add3A_123 = arith.constant 0 : i32
      %add3A_124 = arith.addi %add3A_123, %mul3A_119 : i32
      %get3A_125 = arith.index_cast %add3A_124 : i32 to index
      %get3A_126 = tpu.vector_load %arg12[%get3A_125] {strides = array<i32>} : memref<32768xi32, #tpu.memory_space<vmem>>, vector<16xi32>,
      %add3A_127 = arith.addi %get3A_120, %get3A_126 : vector<16xi32>
      %gt3A = arith.constant 8 : i32
      %gt3A_128 = arith.cmpi sgt, %arg1, %gt3A : i32
      %convert_element_type3A = arith.extui %gt3A_128 : i1 to i32
      %mul3A_129 = vector.broadcast %convert_element_type3A : i32 to vector<16xi32>
      %mul3A_130 = arith.muli %get3A_126, %mul3A_129 : vector<16xi32>
      %add3A_131 = arith.addi %get3A_122, %mul3A_130 : vector<16xi32>
      %add3A_132 = arith.constant 4096 : i32
      %add3A_133 = arith.addi %add3A_132, %mul3A_119 : i32
      %get3A_134 = arith.index_cast %add3A_133 : i32 to index
      %get3A_135 = tpu.vector_load %arg12[%get3A_134] {strides = array<i32>} : memref<32768xi32, #tpu.memory_space<vmem>>, vector<16xi32>,
      %add3A_136 = arith.addi %add3A_127, %get3A_135 : vector<16xi32>
      %gt3A_137 = arith.constant 9 : i32
      %gt3A_138 = arith.cmpi sgt, %arg1, %gt3A_137 : i32
      %convert_element_type3A_139 = arith.extui %gt3A_138 : i1 to i32
      %mul3A_140 = vector.broadcast %convert_element_type3A_139 : i32 to vector<16xi32>
      %mul3A_141 = arith.muli %get3A_135, %mul3A_140 : vector<16xi32>
      %add3A_142 = arith.addi %add3A_131, %mul3A_141 : vector<16xi32>
      %add3A_143 = arith.constant 8192 : i32
      %add3A_144 = arith.addi %add3A_143, %mul3A_119 : i32
      %get3A_145 = arith.index_cast %add3A_144 : i32 to index
      %get3A_146 = tpu.vector_load %arg12[%get3A_145] {strides = array<i32>} : memref<32768xi32, #tpu.memory_space<vmem>>, vector<16xi32>,
      %add3A_147 = arith.addi %add3A_136, %get3A_146 : vector<16xi32>
      %gt3A_148 = arith.constant 10 : i32
      %gt3A_149 = arith.cmpi sgt, %arg1, %gt3A_148 : i32
      %convert_element_type3A_150 = arith.extui %gt3A_149 : i1 to i32
      %mul3A_151 = vector.broadcast %convert_element_type3A_150 : i32 to vector<16xi32>
      %mul3A_152 = arith.muli %get3A_146, %mul3A_151 : vector<16xi32>
      %add3A_153 = arith.addi %add3A_142, %mul3A_152 : vector<16xi32>
      %add3A_154 = arith.constant 12288 : i32
      %add3A_155 = arith.addi %add3A_154, %mul3A_119 : i32
      %get3A_156 = arith.index_cast %add3A_155 : i32 to index
      %get3A_157 = tpu.vector_load %arg12[%get3A_156] {strides = array<i32>} : memref<32768xi32, #tpu.memory_space<vmem>>, vector<16xi32>,
      %add3A_158 = arith.addi %add3A_147, %get3A_157 : vector<16xi32>
      %gt3A_159 = arith.constant 11 : i32
      %gt3A_160 = arith.cmpi sgt, %arg1, %gt3A_159 : i32
      %convert_element_type3A_161 = arith.extui %gt3A_160 : i1 to i32
      %mul3A_162 = vector.broadcast %convert_element_type3A_161 : i32 to vector<16xi32>
      %mul3A_163 = arith.muli %get3A_157, %mul3A_162 : vector<16xi32>
      %add3A_164 = arith.addi %add3A_153, %mul3A_163 : vector<16xi32>
      %add3A_165 = arith.constant 16384 : i32
      %add3A_166 = arith.addi %add3A_165, %mul3A_119 : i32
      %get3A_167 = arith.index_cast %add3A_166 : i32 to index
      %get3A_168 = tpu.vector_load %arg12[%get3A_167] {strides = array<i32>} : memref<32768xi32, #tpu.memory_space<vmem>>, vector<16xi32>,
      %add3A_169 = arith.addi %add3A_158, %get3A_168 : vector<16xi32>
      %gt3A_170 = arith.constant 12 : i32
      %gt3A_171 = arith.cmpi sgt, %arg1, %gt3A_170 : i32
      %convert_element_type3A_172 = arith.extui %gt3A_171 : i1 to i32
      %mul3A_173 = vector.broadcast %convert_element_type3A_172 : i32 to vector<16xi32>
      %mul3A_174 = arith.muli %get3A_168, %mul3A_173 : vector<16xi32>
      %add3A_175 = arith.addi %add3A_164, %mul3A_174 : vector<16xi32>
      %add3A_176 = arith.constant 20480 : i32
      %add3A_177 = arith.addi %add3A_176, %mul3A_119 : i32
      %get3A_178 = arith.index_cast %add3A_177 : i32 to index
      %get3A_179 = tpu.vector_load %arg12[%get3A_178] {strides = array<i32>} : memref<32768xi32, #tpu.memory_space<vmem>>, vector<16xi32>,
      %add3A_180 = arith.addi %add3A_169, %get3A_179 : vector<16xi32>
      %gt3A_181 = arith.constant 13 : i32
      %gt3A_182 = arith.cmpi sgt, %arg1, %gt3A_181 : i32
      %convert_element_type3A_183 = arith.extui %gt3A_182 : i1 to i32
      %mul3A_184 = vector.broadcast %convert_element_type3A_183 : i32 to vector<16xi32>
      %mul3A_185 = arith.muli %get3A_179, %mul3A_184 : vector<16xi32>
      %add3A_186 = arith.addi %add3A_175, %mul3A_185 : vector<16xi32>
      %add3A_187 = arith.constant 24576 : i32
      %add3A_188 = arith.addi %add3A_187, %mul3A_119 : i32
      %get3A_189 = arith.index_cast %add3A_188 : i32 to index
      %get3A_190 = tpu.vector_load %arg12[%get3A_189] {strides = array<i32>} : memref<32768xi32, #tpu.memory_space<vmem>>, vector<16xi32>,
      %add3A_191 = arith.addi %add3A_180, %get3A_190 : vector<16xi32>
      %gt3A_192 = arith.constant 14 : i32
      %gt3A_193 = arith.cmpi sgt, %arg1, %gt3A_192 : i32
      %convert_element_type3A_194 = arith.extui %gt3A_193 : i1 to i32
      %mul3A_195 = vector.broadcast %convert_element_type3A_194 : i32 to vector<16xi32>
      %mul3A_196 = arith.muli %get3A_190, %mul3A_195 : vector<16xi32>
      %add3A_197 = arith.addi %add3A_186, %mul3A_196 : vector<16xi32>
      %add3A_198 = arith.constant 28672 : i32
      %add3A_199 = arith.addi %add3A_198, %mul3A_119 : i32
      %get3A_200 = arith.index_cast %add3A_199 : i32 to index
      %get3A_201 = tpu.vector_load %arg12[%get3A_200] {strides = array<i32>} : memref<32768xi32, #tpu.memory_space<vmem>>, vector<16xi32>,
      %add3A_202 = arith.addi %add3A_191, %get3A_201 : vector<16xi32>
      %gt3A_203 = arith.constant 15 : i32
      %gt3A_204 = arith.cmpi sgt, %arg1, %gt3A_203 : i32
      %convert_element_type3A_205 = arith.extui %gt3A_204 : i1 to i32
      %mul3A_206 = vector.broadcast %convert_element_type3A_205 : i32 to vector<16xi32>
      %mul3A_207 = arith.muli %get3A_201, %mul3A_206 : vector<16xi32>
      %add3A_208 = arith.addi %add3A_197, %mul3A_207 : vector<16xi32>
      %swap3A = arith.index_cast %mul3A_119 : i32 to index
      %swap3A_209 = tpu.vector_load %arg10[%swap3A] {strides = array<i32>} : memref<4096xi32, #tpu.memory_space<vmem>>, vector<16xi32>,
      tpu.vector_store %arg10[%swap3A], %add3A_202 {strides = array<i32>} : memref<4096xi32, #tpu.memory_space<vmem>>, vector<16xi32>,
      %swap3A_210 = arith.index_cast %mul3A_119 : i32 to index
      %swap3A_211 = tpu.vector_load %arg11[%swap3A_210] {strides = array<i32>} : memref<4096xi32, #tpu.memory_space<vmem>>, vector<16xi32>,
      tpu.vector_store %arg11[%swap3A_210], %add3A_208 {strides = array<i32>} : memref<4096xi32, #tpu.memory_space<vmem>>, vector<16xi32>,
      %scan3A_212 = arith.constant 0 : i32
      scf.yield %scan3A_212 : i32
    }
    %scan3A_30 = arith.constant 256 : i32
    %scan3A_31 = arith.constant 0 : i32
    %scan3A_32 = arith.constant 0 : i32
    %scan3A_33 = arith.constant 256 : i32
    %scan3A_34 = arith.addi %scan3A_32, %scan3A_33 : i32
    %scan3A_35 = arith.constant 1 : i32
    %scan3A_36 = scf.for %scan3A_116 = %scan3A_32 to %scan3A_34 step %scan3A_35 iter_args(%scan3A_117 = %scan3A_31) -> (i32)  : i32 {
      %mul3A_118 = arith.constant 16 : i32
      %mul3A_119 = arith.muli %scan3A_116, %mul3A_118 : i32
      %get3A = arith.index_cast %mul3A_119 : i32 to index
      %get3A_120 = tpu.vector_load %arg10[%get3A] {strides = array<i32>} : memref<4096xi32, #tpu.memory_space<vmem>>, vector<16xi32>,
      %broadcast_in_dim3A_121 = arith.constant true
      %broadcast_in_dim3A_122 = vector.broadcast %broadcast_in_dim3A_121 : i1 to vector<16xi1>
      %masked_cumsum3A = tpu.scan <sum>, %get3A_120 masked %broadcast_in_dim3A_122 : vector<16xi32>, vector<16xi1> -> vector<16xi32>
      %sub3A = arith.subi %masked_cumsum3A, %get3A_120 : vector<16xi32>
      %add3A_123 = vector.broadcast %scan3A_117 : i32 to vector<16xi32>
      %add3A_124 = arith.addi %sub3A, %add3A_123 : vector<16xi32>
      %get3A_125 = arith.index_cast %mul3A_119 : i32 to index
      %get3A_126 = tpu.vector_load %arg11[%get3A_125] {strides = array<i32>} : memref<4096xi32, #tpu.memory_space<vmem>>, vector<16xi32>,
      %add3A_127 = arith.addi %add3A_124, %get3A_126 : vector<16xi32>
      %swap3A = arith.index_cast %mul3A_119 : i32 to index
      %swap3A_128 = tpu.vector_load %arg9[%swap3A] {strides = array<i32>} : memref<4096xi32, #tpu.memory_space<vmem>>, vector<16xi32>,
      tpu.vector_store %arg9[%swap3A], %add3A_127 {strides = array<i32>} : memref<4096xi32, #tpu.memory_space<vmem>>, vector<16xi32>,
      %reduce_sum3A = arith.constant true
      %reduce_sum3A_129 = vector.broadcast %reduce_sum3A : i1 to vector<16xi1>
      %reduce_sum3A_130 = tpu.scan <sum>, %get3A_120 masked %reduce_sum3A_129 : vector<16xi32>, vector<16xi1> -> vector<16xi32>
      %reduce_sum3A_131 = vector.extract %reduce_sum3A_130[15] : i32 from vector<16xi32>
      %add3A_132 = arith.addi %scan3A_117, %reduce_sum3A_131 : i32
      scf.yield %add3A_132 : i32
    }
    %scan3A_37 = arith.constant 256 : i32
    %barrier3A_38 = arith.constant 0 : index
    tpu.barrier barrier_id(%barrier3A_38)
    %scan3A_39 = arith.constant 0 : i32
    %scan3A_40 = arith.constant 0 : i32
    %scan3A_41 = arith.constant 128 : i32
    %scan3A_42 = arith.addi %scan3A_40, %scan3A_41 : i32
    %scan3A_43 = arith.constant 1 : i32
    %scan3A_44 = scf.for %scan3A_116 = %scan3A_40 to %scan3A_42 step %scan3A_43 iter_args(%scan3A_117 = %scan3A_39) -> (i32)  : i32 {
      %mul3A_118 = arith.constant 8 : i32
      %mul3A_119 = arith.muli %scan3A_116, %mul3A_118 : i32
      %add3A_120 = arith.constant 0 : i32
      %add3A_121 = arith.addi %mul3A_119, %add3A_120 : i32
      %mul3A_122 = arith.constant 16 : i32
      %mul3A_123 = arith.muli %add3A_121, %mul3A_122 : i32
      %get3A = arith.index_cast %mul3A_123 : i32 to index
      %get3A_124 = tpu.vector_load %arg5[%get3A] {strides = array<i32>} : memref<16384xf32, #tpu.memory_space<vmem>>, vector<16xf32>,
      %bitcast3A = vector.bitcast %get3A_124 : vector<16xf32> to vector<16xi32>
      %and3A = arith.constant 4095 : i32
      %and3A_125 = vector.broadcast %and3A : i32 to vector<16xi32>
      %and3A_126 = arith.andi %bitcast3A, %and3A_125 : vector<16xi32>
      %broadcast_in_dim3A_127 = arith.constant true
      %broadcast_in_dim3A_128 = vector.broadcast %broadcast_in_dim3A_127 : i1 to vector<16xi1>
      %unique3A, %unique3A_129 = tpu.scan_count mask(%broadcast_in_dim3A_128 : vector<16xi1>) value(%and3A_126 : vector<16xi32>) : vector<16xi1>, vector<16xi32>
      %gather3A = tpu.vector_load_idx %arg9[%and3A_126] : memref<4096xi32, #tpu.memory_space<vmem>>[vector<16xi32>], vector<16xi32>,
      %add3A_130 = arith.addi %gather3A, %unique3A_129 : vector<16xi32>
      %sub3A = arith.constant 1 : i32
      %sub3A_131 = vector.broadcast %sub3A : i32 to vector<16xi32>
      %sub3A_132 = arith.subi %add3A_130, %sub3A_131 : vector<16xi32>
      %swap3A = arith.index_cast %mul3A_123 : i32 to index
      %swap3A_133 = tpu.vector_load %arg7[%swap3A] {strides = array<i32>} : memref<16384xi32, #tpu.memory_space<vmem>>, vector<16xi32>,
      tpu.vector_store %arg7[%swap3A], %sub3A_132 {strides = array<i32>} : memref<16384xi32, #tpu.memory_space<vmem>>, vector<16xi32>,
      tpu.vector_store_idx %arg9[%and3A_126], %unique3A_129 masked %unique3A {add = true} : memref<4096xi32, #tpu.memory_space<vmem>>[vector<16xi32>], vector<16xi32>, vector<16xi1>
      %get3A_134 = arith.index_cast %mul3A_123 : i32 to index
      %get3A_135 = tpu.vector_load %arg5[%get3A_134] {strides = array<i32>} : memref<16384xf32, #tpu.memory_space<vmem>>, vector<16xf32>,
      %bitcast3A_136 = vector.bitcast %get3A_135 : vector<16xf32> to vector<16xi32>
      %shift_right_logical3A = arith.constant 12 : i32
      %shift_right_logical3A_137 = vector.broadcast %shift_right_logical3A : i32 to vector<16xi32>
      %shift_right_logical3A_138 = arith.shrui %bitcast3A_136, %shift_right_logical3A_137 : vector<16xi32>
      %add3A_139 = arith.addi %mul3A_0, %mul3A_123 : i32
      %add3A_140 = vector.broadcast %add3A_139 : i32 to vector<16xi32>
      %add3A_141 = arith.addi %add3A_140, %iota3A : vector<16xi32>
      %shift_left3A = arith.constant 18 : i32
      %shift_left3A_142 = vector.broadcast %shift_left3A : i32 to vector<16xi32>
      %shift_left3A_143 = arith.shli %shift_right_logical3A_138, %shift_left3A_142 : vector<16xi32>
      %or3A = arith.ori %add3A_141, %shift_left3A_143 : vector<16xi32>
      %swap3A_144 = arith.index_cast %mul3A_123 : i32 to index
      %swap3A_145 = tpu.vector_load %arg6[%swap3A_144] {strides = array<i32>} : memref<16384xi32, #tpu.memory_space<vmem>>, vector<16xi32>,
      tpu.vector_store %arg6[%swap3A_144], %or3A {strides = array<i32>} : memref<16384xi32, #tpu.memory_space<vmem>>, vector<16xi32>,
      %mul3A_146 = arith.constant 8 : i32
      %mul3A_147 = arith.muli %scan3A_116, %mul3A_146 : i32
      %add3A_148 = arith.constant 1 : i32
      %add3A_149 = arith.addi %mul3A_147, %add3A_148 : i32
      %mul3A_150 = arith.constant 16 : i32
      %mul3A_151 = arith.muli %add3A_149, %mul3A_150 : i32
      %get3A_152 = arith.index_cast %mul3A_151 : i32 to index
      %get3A_153 = tpu.vector_load %arg5[%get3A_152] {strides = array<i32>} : memref<16384xf32, #tpu.memory_space<vmem>>, vector<16xf32>,
      %bitcast3A_154 = vector.bitcast %get3A_153 : vector<16xf32> to vector<16xi32>
      %and3A_155 = arith.constant 4095 : i32
      %and3A_156 = vector.broadcast %and3A_155 : i32 to vector<16xi32>
      %and3A_157 = arith.andi %bitcast3A_154, %and3A_156 : vector<16xi32>
      %broadcast_in_dim3A_158 = arith.constant true
      %broadcast_in_dim3A_159 = vector.broadcast %broadcast_in_dim3A_158 : i1 to vector<16xi1>
      %unique3A_160, %unique3A_161 = tpu.scan_count mask(%broadcast_in_dim3A_159 : vector<16xi1>) value(%and3A_157 : vector<16xi32>) : vector<16xi1>, vector<16xi32>
      %gather3A_162 = tpu.vector_load_idx %arg9[%and3A_157] : memref<4096xi32, #tpu.memory_space<vmem>>[vector<16xi32>], vector<16xi32>,
      %add3A_163 = arith.addi %gather3A_162, %unique3A_161 : vector<16xi32>
      %sub3A_164 = arith.constant 1 : i32
      %sub3A_165 = vector.broadcast %sub3A_164 : i32 to vector<16xi32>
      %sub3A_166 = arith.subi %add3A_163, %sub3A_165 : vector<16xi32>
      %swap3A_167 = arith.index_cast %mul3A_151 : i32 to index
      %swap3A_168 = tpu.vector_load %arg7[%swap3A_167] {strides = array<i32>} : memref<16384xi32, #tpu.memory_space<vmem>>, vector<16xi32>,
      tpu.vector_store %arg7[%swap3A_167], %sub3A_166 {strides = array<i32>} : memref<16384xi32, #tpu.memory_space<vmem>>, vector<16xi32>,
      tpu.vector_store_idx %arg9[%and3A_157], %unique3A_161 masked %unique3A_160 {add = true} : memref<4096xi32, #tpu.memory_space<vmem>>[vector<16xi32>], vector<16xi32>, vector<16xi1>
      %get3A_169 = arith.index_cast %mul3A_151 : i32 to index
      %get3A_170 = tpu.vector_load %arg5[%get3A_169] {strides = array<i32>} : memref<16384xf32, #tpu.memory_space<vmem>>, vector<16xf32>,
      %bitcast3A_171 = vector.bitcast %get3A_170 : vector<16xf32> to vector<16xi32>
      %shift_right_logical3A_172 = arith.constant 12 : i32
      %shift_right_logical3A_173 = vector.broadcast %shift_right_logical3A_172 : i32 to vector<16xi32>
      %shift_right_logical3A_174 = arith.shrui %bitcast3A_171, %shift_right_logical3A_173 : vector<16xi32>
      %add3A_175 = arith.addi %mul3A_0, %mul3A_151 : i32
      %add3A_176 = vector.broadcast %add3A_175 : i32 to vector<16xi32>
      %add3A_177 = arith.addi %add3A_176, %iota3A : vector<16xi32>
      %shift_left3A_178 = arith.constant 18 : i32
      %shift_left3A_179 = vector.broadcast %shift_left3A_178 : i32 to vector<16xi32>
      %shift_left3A_180 = arith.shli %shift_right_logical3A_174, %shift_left3A_179 : vector<16xi32>
      %or3A_181 = arith.ori %add3A_177, %shift_left3A_180 : vector<16xi32>
      %swap3A_182 = arith.index_cast %mul3A_151 : i32 to index
      %swap3A_183 = tpu.vector_load %arg6[%swap3A_182] {strides = array<i32>} : memref<16384xi32, #tpu.memory_space<vmem>>, vector<16xi32>,
      tpu.vector_store %arg6[%swap3A_182], %or3A_181 {strides = array<i32>} : memref<16384xi32, #tpu.memory_space<vmem>>, vector<16xi32>,
      %mul3A_184 = arith.constant 8 : i32
      %mul3A_185 = arith.muli %scan3A_116, %mul3A_184 : i32
      %add3A_186 = arith.constant 2 : i32
      %add3A_187 = arith.addi %mul3A_185, %add3A_186 : i32
      %mul3A_188 = arith.constant 16 : i32
      %mul3A_189 = arith.muli %add3A_187, %mul3A_188 : i32
      %get3A_190 = arith.index_cast %mul3A_189 : i32 to index
      %get3A_191 = tpu.vector_load %arg5[%get3A_190] {strides = array<i32>} : memref<16384xf32, #tpu.memory_space<vmem>>, vector<16xf32>,
      %bitcast3A_192 = vector.bitcast %get3A_191 : vector<16xf32> to vector<16xi32>
      %and3A_193 = arith.constant 4095 : i32
      %and3A_194 = vector.broadcast %and3A_193 : i32 to vector<16xi32>
      %and3A_195 = arith.andi %bitcast3A_192, %and3A_194 : vector<16xi32>
      %broadcast_in_dim3A_196 = arith.constant true
      %broadcast_in_dim3A_197 = vector.broadcast %broadcast_in_dim3A_196 : i1 to vector<16xi1>
      %unique3A_198, %unique3A_199 = tpu.scan_count mask(%broadcast_in_dim3A_197 : vector<16xi1>) value(%and3A_195 : vector<16xi32>) : vector<16xi1>, vector<16xi32>
      %gather3A_200 = tpu.vector_load_idx %arg9[%and3A_195] : memref<4096xi32, #tpu.memory_space<vmem>>[vector<16xi32>], vector<16xi32>,
      %add3A_201 = arith.addi %gather3A_200, %unique3A_199 : vector<16xi32>
      %sub3A_202 = arith.constant 1 : i32
      %sub3A_203 = vector.broadcast %sub3A_202 : i32 to vector<16xi32>
      %sub3A_204 = arith.subi %add3A_201, %sub3A_203 : vector<16xi32>
      %swap3A_205 = arith.index_cast %mul3A_189 : i32 to index
      %swap3A_206 = tpu.vector_load %arg7[%swap3A_205] {strides = array<i32>} : memref<16384xi32, #tpu.memory_space<vmem>>, vector<16xi32>,
      tpu.vector_store %arg7[%swap3A_205], %sub3A_204 {strides = array<i32>} : memref<16384xi32, #tpu.memory_space<vmem>>, vector<16xi32>,
      tpu.vector_store_idx %arg9[%and3A_195], %unique3A_199 masked %unique3A_198 {add = true} : memref<4096xi32, #tpu.memory_space<vmem>>[vector<16xi32>], vector<16xi32>, vector<16xi1>
      %get3A_207 = arith.index_cast %mul3A_189 : i32 to index
      %get3A_208 = tpu.vector_load %arg5[%get3A_207] {strides = array<i32>} : memref<16384xf32, #tpu.memory_space<vmem>>, vector<16xf32>,
      %bitcast3A_209 = vector.bitcast %get3A_208 : vector<16xf32> to vector<16xi32>
      %shift_right_logical3A_210 = arith.constant 12 : i32
      %shift_right_logical3A_211 = vector.broadcast %shift_right_logical3A_210 : i32 to vector<16xi32>
      %shift_right_logical3A_212 = arith.shrui %bitcast3A_209, %shift_right_logical3A_211 : vector<16xi32>
      %add3A_213 = arith.addi %mul3A_0, %mul3A_189 : i32
      %add3A_214 = vector.broadcast %add3A_213 : i32 to vector<16xi32>
      %add3A_215 = arith.addi %add3A_214, %iota3A : vector<16xi32>
      %shift_left3A_216 = arith.constant 18 : i32
      %shift_left3A_217 = vector.broadcast %shift_left3A_216 : i32 to vector<16xi32>
      %shift_left3A_218 = arith.shli %shift_right_logical3A_212, %shift_left3A_217 : vector<16xi32>
      %or3A_219 = arith.ori %add3A_215, %shift_left3A_218 : vector<16xi32>
      %swap3A_220 = arith.index_cast %mul3A_189 : i32 to index
      %swap3A_221 = tpu.vector_load %arg6[%swap3A_220] {strides = array<i32>} : memref<16384xi32, #tpu.memory_space<vmem>>, vector<16xi32>,
      tpu.vector_store %arg6[%swap3A_220], %or3A_219 {strides = array<i32>} : memref<16384xi32, #tpu.memory_space<vmem>>, vector<16xi32>,
      %mul3A_222 = arith.constant 8 : i32
      %mul3A_223 = arith.muli %scan3A_116, %mul3A_222 : i32
      %add3A_224 = arith.constant 3 : i32
      %add3A_225 = arith.addi %mul3A_223, %add3A_224 : i32
      %mul3A_226 = arith.constant 16 : i32
      %mul3A_227 = arith.muli %add3A_225, %mul3A_226 : i32
      %get3A_228 = arith.index_cast %mul3A_227 : i32 to index
      %get3A_229 = tpu.vector_load %arg5[%get3A_228] {strides = array<i32>} : memref<16384xf32, #tpu.memory_space<vmem>>, vector<16xf32>,
      %bitcast3A_230 = vector.bitcast %get3A_229 : vector<16xf32> to vector<16xi32>
      %and3A_231 = arith.constant 4095 : i32
      %and3A_232 = vector.broadcast %and3A_231 : i32 to vector<16xi32>
      %and3A_233 = arith.andi %bitcast3A_230, %and3A_232 : vector<16xi32>
      %broadcast_in_dim3A_234 = arith.constant true
      %broadcast_in_dim3A_235 = vector.broadcast %broadcast_in_dim3A_234 : i1 to vector<16xi1>
      %unique3A_236, %unique3A_237 = tpu.scan_count mask(%broadcast_in_dim3A_235 : vector<16xi1>) value(%and3A_233 : vector<16xi32>) : vector<16xi1>, vector<16xi32>
      %gather3A_238 = tpu.vector_load_idx %arg9[%and3A_233] : memref<4096xi32, #tpu.memory_space<vmem>>[vector<16xi32>], vector<16xi32>,
      %add3A_239 = arith.addi %gather3A_238, %unique3A_237 : vector<16xi32>
      %sub3A_240 = arith.constant 1 : i32
      %sub3A_241 = vector.broadcast %sub3A_240 : i32 to vector<16xi32>
      %sub3A_242 = arith.subi %add3A_239, %sub3A_241 : vector<16xi32>
      %swap3A_243 = arith.index_cast %mul3A_227 : i32 to index
      %swap3A_244 = tpu.vector_load %arg7[%swap3A_243] {strides = array<i32>} : memref<16384xi32, #tpu.memory_space<vmem>>, vector<16xi32>,
      tpu.vector_store %arg7[%swap3A_243], %sub3A_242 {strides = array<i32>} : memref<16384xi32, #tpu.memory_space<vmem>>, vector<16xi32>,
      tpu.vector_store_idx %arg9[%and3A_233], %unique3A_237 masked %unique3A_236 {add = true} : memref<4096xi32, #tpu.memory_space<vmem>>[vector<16xi32>], vector<16xi32>, vector<16xi1>
      %get3A_245 = arith.index_cast %mul3A_227 : i32 to index
      %get3A_246 = tpu.vector_load %arg5[%get3A_245] {strides = array<i32>} : memref<16384xf32, #tpu.memory_space<vmem>>, vector<16xf32>,
      %bitcast3A_247 = vector.bitcast %get3A_246 : vector<16xf32> to vector<16xi32>
      %shift_right_logical3A_248 = arith.constant 12 : i32
      %shift_right_logical3A_249 = vector.broadcast %shift_right_logical3A_248 : i32 to vector<16xi32>
      %shift_right_logical3A_250 = arith.shrui %bitcast3A_247, %shift_right_logical3A_249 : vector<16xi32>
      %add3A_251 = arith.addi %mul3A_0, %mul3A_227 : i32
      %add3A_252 = vector.broadcast %add3A_251 : i32 to vector<16xi32>
      %add3A_253 = arith.addi %add3A_252, %iota3A : vector<16xi32>
      %shift_left3A_254 = arith.constant 18 : i32
      %shift_left3A_255 = vector.broadcast %shift_left3A_254 : i32 to vector<16xi32>
      %shift_left3A_256 = arith.shli %shift_right_logical3A_250, %shift_left3A_255 : vector<16xi32>
      %or3A_257 = arith.ori %add3A_253, %shift_left3A_256 : vector<16xi32>
      %swap3A_258 = arith.index_cast %mul3A_227 : i32 to index
      %swap3A_259 = tpu.vector_load %arg6[%swap3A_258] {strides = array<i32>} : memref<16384xi32, #tpu.memory_space<vmem>>, vector<16xi32>,
      tpu.vector_store %arg6[%swap3A_258], %or3A_257 {strides = array<i32>} : memref<16384xi32, #tpu.memory_space<vmem>>, vector<16xi32>,
      %mul3A_260 = arith.constant 8 : i32
      %mul3A_261 = arith.muli %scan3A_116, %mul3A_260 : i32
      %add3A_262 = arith.constant 4 : i32
      %add3A_263 = arith.addi %mul3A_261, %add3A_262 : i32
      %mul3A_264 = arith.constant 16 : i32
      %mul3A_265 = arith.muli %add3A_263, %mul3A_264 : i32
      %get3A_266 = arith.index_cast %mul3A_265 : i32 to index
      %get3A_267 = tpu.vector_load %arg5[%get3A_266] {strides = array<i32>} : memref<16384xf32, #tpu.memory_space<vmem>>, vector<16xf32>,
      %bitcast3A_268 = vector.bitcast %get3A_267 : vector<16xf32> to vector<16xi32>
      %and3A_269 = arith.constant 4095 : i32
      %and3A_270 = vector.broadcast %and3A_269 : i32 to vector<16xi32>
      %and3A_271 = arith.andi %bitcast3A_268, %and3A_270 : vector<16xi32>
      %broadcast_in_dim3A_272 = arith.constant true
      %broadcast_in_dim3A_273 = vector.broadcast %broadcast_in_dim3A_272 : i1 to vector<16xi1>
      %unique3A_274, %unique3A_275 = tpu.scan_count mask(%broadcast_in_dim3A_273 : vector<16xi1>) value(%and3A_271 : vector<16xi32>) : vector<16xi1>, vector<16xi32>
      %gather3A_276 = tpu.vector_load_idx %arg9[%and3A_271] : memref<4096xi32, #tpu.memory_space<vmem>>[vector<16xi32>], vector<16xi32>,
      %add3A_277 = arith.addi %gather3A_276, %unique3A_275 : vector<16xi32>
      %sub3A_278 = arith.constant 1 : i32
      %sub3A_279 = vector.broadcast %sub3A_278 : i32 to vector<16xi32>
      %sub3A_280 = arith.subi %add3A_277, %sub3A_279 : vector<16xi32>
      %swap3A_281 = arith.index_cast %mul3A_265 : i32 to index
      %swap3A_282 = tpu.vector_load %arg7[%swap3A_281] {strides = array<i32>} : memref<16384xi32, #tpu.memory_space<vmem>>, vector<16xi32>,
      tpu.vector_store %arg7[%swap3A_281], %sub3A_280 {strides = array<i32>} : memref<16384xi32, #tpu.memory_space<vmem>>, vector<16xi32>,
      tpu.vector_store_idx %arg9[%and3A_271], %unique3A_275 masked %unique3A_274 {add = true} : memref<4096xi32, #tpu.memory_space<vmem>>[vector<16xi32>], vector<16xi32>, vector<16xi1>
      %get3A_283 = arith.index_cast %mul3A_265 : i32 to index
      %get3A_284 = tpu.vector_load %arg5[%get3A_283] {strides = array<i32>} : memref<16384xf32, #tpu.memory_space<vmem>>, vector<16xf32>,
      %bitcast3A_285 = vector.bitcast %get3A_284 : vector<16xf32> to vector<16xi32>
      %shift_right_logical3A_286 = arith.constant 12 : i32
      %shift_right_logical3A_287 = vector.broadcast %shift_right_logical3A_286 : i32 to vector<16xi32>
      %shift_right_logical3A_288 = arith.shrui %bitcast3A_285, %shift_right_logical3A_287 : vector<16xi32>
      %add3A_289 = arith.addi %mul3A_0, %mul3A_265 : i32
      %add3A_290 = vector.broadcast %add3A_289 : i32 to vector<16xi32>
      %add3A_291 = arith.addi %add3A_290, %iota3A : vector<16xi32>
      %shift_left3A_292 = arith.constant 18 : i32
      %shift_left3A_293 = vector.broadcast %shift_left3A_292 : i32 to vector<16xi32>
      %shift_left3A_294 = arith.shli %shift_right_logical3A_288, %shift_left3A_293 : vector<16xi32>
      %or3A_295 = arith.ori %add3A_291, %shift_left3A_294 : vector<16xi32>
      %swap3A_296 = arith.index_cast %mul3A_265 : i32 to index
      %swap3A_297 = tpu.vector_load %arg6[%swap3A_296] {strides = array<i32>} : memref<16384xi32, #tpu.memory_space<vmem>>, vector<16xi32>,
      tpu.vector_store %arg6[%swap3A_296], %or3A_295 {strides = array<i32>} : memref<16384xi32, #tpu.memory_space<vmem>>, vector<16xi32>,
      %mul3A_298 = arith.constant 8 : i32
      %mul3A_299 = arith.muli %scan3A_116, %mul3A_298 : i32
      %add3A_300 = arith.constant 5 : i32
      %add3A_301 = arith.addi %mul3A_299, %add3A_300 : i32
      %mul3A_302 = arith.constant 16 : i32
      %mul3A_303 = arith.muli %add3A_301, %mul3A_302 : i32
      %get3A_304 = arith.index_cast %mul3A_303 : i32 to index
      %get3A_305 = tpu.vector_load %arg5[%get3A_304] {strides = array<i32>} : memref<16384xf32, #tpu.memory_space<vmem>>, vector<16xf32>,
      %bitcast3A_306 = vector.bitcast %get3A_305 : vector<16xf32> to vector<16xi32>
      %and3A_307 = arith.constant 4095 : i32
      %and3A_308 = vector.broadcast %and3A_307 : i32 to vector<16xi32>
      %and3A_309 = arith.andi %bitcast3A_306, %and3A_308 : vector<16xi32>
      %broadcast_in_dim3A_310 = arith.constant true
      %broadcast_in_dim3A_311 = vector.broadcast %broadcast_in_dim3A_310 : i1 to vector<16xi1>
      %unique3A_312, %unique3A_313 = tpu.scan_count mask(%broadcast_in_dim3A_311 : vector<16xi1>) value(%and3A_309 : vector<16xi32>) : vector<16xi1>, vector<16xi32>
      %gather3A_314 = tpu.vector_load_idx %arg9[%and3A_309] : memref<4096xi32, #tpu.memory_space<vmem>>[vector<16xi32>], vector<16xi32>,
      %add3A_315 = arith.addi %gather3A_314, %unique3A_313 : vector<16xi32>
      %sub3A_316 = arith.constant 1 : i32
      %sub3A_317 = vector.broadcast %sub3A_316 : i32 to vector<16xi32>
      %sub3A_318 = arith.subi %add3A_315, %sub3A_317 : vector<16xi32>
      %swap3A_319 = arith.index_cast %mul3A_303 : i32 to index
      %swap3A_320 = tpu.vector_load %arg7[%swap3A_319] {strides = array<i32>} : memref<16384xi32, #tpu.memory_space<vmem>>, vector<16xi32>,
      tpu.vector_store %arg7[%swap3A_319], %sub3A_318 {strides = array<i32>} : memref<16384xi32, #tpu.memory_space<vmem>>, vector<16xi32>,
      tpu.vector_store_idx %arg9[%and3A_309], %unique3A_313 masked %unique3A_312 {add = true} : memref<4096xi32, #tpu.memory_space<vmem>>[vector<16xi32>], vector<16xi32>, vector<16xi1>
      %get3A_321 = arith.index_cast %mul3A_303 : i32 to index
      %get3A_322 = tpu.vector_load %arg5[%get3A_321] {strides = array<i32>} : memref<16384xf32, #tpu.memory_space<vmem>>, vector<16xf32>,
      %bitcast3A_323 = vector.bitcast %get3A_322 : vector<16xf32> to vector<16xi32>
      %shift_right_logical3A_324 = arith.constant 12 : i32
      %shift_right_logical3A_325 = vector.broadcast %shift_right_logical3A_324 : i32 to vector<16xi32>
      %shift_right_logical3A_326 = arith.shrui %bitcast3A_323, %shift_right_logical3A_325 : vector<16xi32>
      %add3A_327 = arith.addi %mul3A_0, %mul3A_303 : i32
      %add3A_328 = vector.broadcast %add3A_327 : i32 to vector<16xi32>
      %add3A_329 = arith.addi %add3A_328, %iota3A : vector<16xi32>
      %shift_left3A_330 = arith.constant 18 : i32
      %shift_left3A_331 = vector.broadcast %shift_left3A_330 : i32 to vector<16xi32>
      %shift_left3A_332 = arith.shli %shift_right_logical3A_326, %shift_left3A_331 : vector<16xi32>
      %or3A_333 = arith.ori %add3A_329, %shift_left3A_332 : vector<16xi32>
      %swap3A_334 = arith.index_cast %mul3A_303 : i32 to index
      %swap3A_335 = tpu.vector_load %arg6[%swap3A_334] {strides = array<i32>} : memref<16384xi32, #tpu.memory_space<vmem>>, vector<16xi32>,
      tpu.vector_store %arg6[%swap3A_334], %or3A_333 {strides = array<i32>} : memref<16384xi32, #tpu.memory_space<vmem>>, vector<16xi32>,
      %mul3A_336 = arith.constant 8 : i32
      %mul3A_337 = arith.muli %scan3A_116, %mul3A_336 : i32
      %add3A_338 = arith.constant 6 : i32
      %add3A_339 = arith.addi %mul3A_337, %add3A_338 : i32
      %mul3A_340 = arith.constant 16 : i32
      %mul3A_341 = arith.muli %add3A_339, %mul3A_340 : i32
      %get3A_342 = arith.index_cast %mul3A_341 : i32 to index
      %get3A_343 = tpu.vector_load %arg5[%get3A_342] {strides = array<i32>} : memref<16384xf32, #tpu.memory_space<vmem>>, vector<16xf32>,
      %bitcast3A_344 = vector.bitcast %get3A_343 : vector<16xf32> to vector<16xi32>
      %and3A_345 = arith.constant 4095 : i32
      %and3A_346 = vector.broadcast %and3A_345 : i32 to vector<16xi32>
      %and3A_347 = arith.andi %bitcast3A_344, %and3A_346 : vector<16xi32>
      %broadcast_in_dim3A_348 = arith.constant true
      %broadcast_in_dim3A_349 = vector.broadcast %broadcast_in_dim3A_348 : i1 to vector<16xi1>
      %unique3A_350, %unique3A_351 = tpu.scan_count mask(%broadcast_in_dim3A_349 : vector<16xi1>) value(%and3A_347 : vector<16xi32>) : vector<16xi1>, vector<16xi32>
      %gather3A_352 = tpu.vector_load_idx %arg9[%and3A_347] : memref<4096xi32, #tpu.memory_space<vmem>>[vector<16xi32>], vector<16xi32>,
      %add3A_353 = arith.addi %gather3A_352, %unique3A_351 : vector<16xi32>
      %sub3A_354 = arith.constant 1 : i32
      %sub3A_355 = vector.broadcast %sub3A_354 : i32 to vector<16xi32>
      %sub3A_356 = arith.subi %add3A_353, %sub3A_355 : vector<16xi32>
      %swap3A_357 = arith.index_cast %mul3A_341 : i32 to index
      %swap3A_358 = tpu.vector_load %arg7[%swap3A_357] {strides = array<i32>} : memref<16384xi32, #tpu.memory_space<vmem>>, vector<16xi32>,
      tpu.vector_store %arg7[%swap3A_357], %sub3A_356 {strides = array<i32>} : memref<16384xi32, #tpu.memory_space<vmem>>, vector<16xi32>,
      tpu.vector_store_idx %arg9[%and3A_347], %unique3A_351 masked %unique3A_350 {add = true} : memref<4096xi32, #tpu.memory_space<vmem>>[vector<16xi32>], vector<16xi32>, vector<16xi1>
      %get3A_359 = arith.index_cast %mul3A_341 : i32 to index
      %get3A_360 = tpu.vector_load %arg5[%get3A_359] {strides = array<i32>} : memref<16384xf32, #tpu.memory_space<vmem>>, vector<16xf32>,
      %bitcast3A_361 = vector.bitcast %get3A_360 : vector<16xf32> to vector<16xi32>
      %shift_right_logical3A_362 = arith.constant 12 : i32
      %shift_right_logical3A_363 = vector.broadcast %shift_right_logical3A_362 : i32 to vector<16xi32>
      %shift_right_logical3A_364 = arith.shrui %bitcast3A_361, %shift_right_logical3A_363 : vector<16xi32>
      %add3A_365 = arith.addi %mul3A_0, %mul3A_341 : i32
      %add3A_366 = vector.broadcast %add3A_365 : i32 to vector<16xi32>
      %add3A_367 = arith.addi %add3A_366, %iota3A : vector<16xi32>
      %shift_left3A_368 = arith.constant 18 : i32
      %shift_left3A_369 = vector.broadcast %shift_left3A_368 : i32 to vector<16xi32>
      %shift_left3A_370 = arith.shli %shift_right_logical3A_364, %shift_left3A_369 : vector<16xi32>
      %or3A_371 = arith.ori %add3A_367, %shift_left3A_370 : vector<16xi32>
      %swap3A_372 = arith.index_cast %mul3A_341 : i32 to index
      %swap3A_373 = tpu.vector_load %arg6[%swap3A_372] {strides = array<i32>} : memref<16384xi32, #tpu.memory_space<vmem>>, vector<16xi32>,
      tpu.vector_store %arg6[%swap3A_372], %or3A_371 {strides = array<i32>} : memref<16384xi32, #tpu.memory_space<vmem>>, vector<16xi32>,
      %mul3A_374 = arith.constant 8 : i32
      %mul3A_375 = arith.muli %scan3A_116, %mul3A_374 : i32
      %add3A_376 = arith.constant 7 : i32
      %add3A_377 = arith.addi %mul3A_375, %add3A_376 : i32
      %mul3A_378 = arith.constant 16 : i32
      %mul3A_379 = arith.muli %add3A_377, %mul3A_378 : i32
      %get3A_380 = arith.index_cast %mul3A_379 : i32 to index
      %get3A_381 = tpu.vector_load %arg5[%get3A_380] {strides = array<i32>} : memref<16384xf32, #tpu.memory_space<vmem>>, vector<16xf32>,
      %bitcast3A_382 = vector.bitcast %get3A_381 : vector<16xf32> to vector<16xi32>
      %and3A_383 = arith.constant 4095 : i32
      %and3A_384 = vector.broadcast %and3A_383 : i32 to vector<16xi32>
      %and3A_385 = arith.andi %bitcast3A_382, %and3A_384 : vector<16xi32>
      %broadcast_in_dim3A_386 = arith.constant true
      %broadcast_in_dim3A_387 = vector.broadcast %broadcast_in_dim3A_386 : i1 to vector<16xi1>
      %unique3A_388, %unique3A_389 = tpu.scan_count mask(%broadcast_in_dim3A_387 : vector<16xi1>) value(%and3A_385 : vector<16xi32>) : vector<16xi1>, vector<16xi32>
      %gather3A_390 = tpu.vector_load_idx %arg9[%and3A_385] : memref<4096xi32, #tpu.memory_space<vmem>>[vector<16xi32>], vector<16xi32>,
      %add3A_391 = arith.addi %gather3A_390, %unique3A_389 : vector<16xi32>
      %sub3A_392 = arith.constant 1 : i32
      %sub3A_393 = vector.broadcast %sub3A_392 : i32 to vector<16xi32>
      %sub3A_394 = arith.subi %add3A_391, %sub3A_393 : vector<16xi32>
      %swap3A_395 = arith.index_cast %mul3A_379 : i32 to index
      %swap3A_396 = tpu.vector_load %arg7[%swap3A_395] {strides = array<i32>} : memref<16384xi32, #tpu.memory_space<vmem>>, vector<16xi32>,
      tpu.vector_store %arg7[%swap3A_395], %sub3A_394 {strides = array<i32>} : memref<16384xi32, #tpu.memory_space<vmem>>, vector<16xi32>,
      tpu.vector_store_idx %arg9[%and3A_385], %unique3A_389 masked %unique3A_388 {add = true} : memref<4096xi32, #tpu.memory_space<vmem>>[vector<16xi32>], vector<16xi32>, vector<16xi1>
      %get3A_397 = arith.index_cast %mul3A_379 : i32 to index
      %get3A_398 = tpu.vector_load %arg5[%get3A_397] {strides = array<i32>} : memref<16384xf32, #tpu.memory_space<vmem>>, vector<16xf32>,
      %bitcast3A_399 = vector.bitcast %get3A_398 : vector<16xf32> to vector<16xi32>
      %shift_right_logical3A_400 = arith.constant 12 : i32
      %shift_right_logical3A_401 = vector.broadcast %shift_right_logical3A_400 : i32 to vector<16xi32>
      %shift_right_logical3A_402 = arith.shrui %bitcast3A_399, %shift_right_logical3A_401 : vector<16xi32>
      %add3A_403 = arith.addi %mul3A_0, %mul3A_379 : i32
      %add3A_404 = vector.broadcast %add3A_403 : i32 to vector<16xi32>
      %add3A_405 = arith.addi %add3A_404, %iota3A : vector<16xi32>
      %shift_left3A_406 = arith.constant 18 : i32
      %shift_left3A_407 = vector.broadcast %shift_left3A_406 : i32 to vector<16xi32>
      %shift_left3A_408 = arith.shli %shift_right_logical3A_402, %shift_left3A_407 : vector<16xi32>
      %or3A_409 = arith.ori %add3A_405, %shift_left3A_408 : vector<16xi32>
      %swap3A_410 = arith.index_cast %mul3A_379 : i32 to index
      %swap3A_411 = tpu.vector_load %arg6[%swap3A_410] {strides = array<i32>} : memref<16384xi32, #tpu.memory_space<vmem>>, vector<16xi32>,
      tpu.vector_store %arg6[%swap3A_410], %or3A_409 {strides = array<i32>} : memref<16384xi32, #tpu.memory_space<vmem>>, vector<16xi32>,
      %scan3A_412 = arith.constant 0 : i32
      scf.yield %scan3A_412 : i32
    }
    %scan3A_45 = arith.constant 128 : i32
    %dma_start3A = arith.constant 0 : i32
    %dma_start3A_46 = tpu.memref_slice %arg14[%dma_start3A] : memref<262144xi32, #tpu.memory_space<vmem_shared>> -> memref<262144xi32, #tpu.memory_space<vmem_shared>>
    tpu.enqueue_indirect_dma source(%arg6 : memref<16384xi32, #tpu.memory_space<vmem>>) target(%dma_start3A_46 : memref<262144xi32, #tpu.memory_space<vmem_shared>>) offsets(%arg7 : memref<16384xi32, #tpu.memory_space<vmem>>) semaphore(%arg15 : memref<!tpu.dma_semaphore, #tpu.memory_space<semaphore_mem>>)
    %dma_wait3A = arith.constant 0 : i32
    %dma_wait3A_47 = tpu.memref_slice %arg14[%dma_wait3A] : memref<262144xi32, #tpu.memory_space<vmem_shared>> -> memref<262144xi32, #tpu.memory_space<vmem_shared>>
    tpu.wait_indirect_dma semaphore(%arg15 : memref<!tpu.dma_semaphore, #tpu.memory_space<semaphore_mem>>) src(%arg6 : memref<16384xi32, #tpu.memory_space<vmem>>) dst(%dma_wait3A_47 : memref<262144xi32, #tpu.memory_space<vmem_shared>>)
    %barrier3A_48 = arith.constant 0 : index
    tpu.barrier barrier_id(%barrier3A_48)
    "tpu.region"() ({
      %run_scoped3A = tpu.sem_alloc : memref<!tpu.dma_semaphore, #tpu.memory_space<semaphore_mem>>
      %dma_start3A_116 = tpu.memref_slice %arg14[%mul3A_0] : memref<262144xi32, #tpu.memory_space<vmem_shared>> -> memref<16384xi32, #tpu.memory_space<vmem_shared>>
      %dma_start3A_117 = tpu.memref_slice %arg14[%mul3A_0] : memref<262144xi32, #tpu.memory_space<vmem_shared>> -> memref<16384xi32, #tpu.memory_space<vmem_shared>>
      tpu.enqueue_dma source(%dma_start3A_117 : memref<16384xi32, #tpu.memory_space<vmem_shared>>) target(%arg6 : memref<16384xi32, #tpu.memory_space<vmem>>) target_semaphore(%run_scoped3A : memref<!tpu.dma_semaphore, #tpu.memory_space<semaphore_mem>>)
      %dma_wait3A_118 = tpu.memref_slice %arg14[%mul3A_0] : memref<262144xi32, #tpu.memory_space<vmem_shared>> -> memref<16384xi32, #tpu.memory_space<vmem_shared>>
      %dma_wait3A_119 = tpu.memref_slice %arg14[%mul3A_0] : memref<262144xi32, #tpu.memory_space<vmem_shared>> -> memref<16384xi32, #tpu.memory_space<vmem_shared>>
      tpu.wait_dma2 semaphore(%run_scoped3A : memref<!tpu.dma_semaphore, #tpu.memory_space<semaphore_mem>>) src(%dma_wait3A_119 : memref<16384xi32, #tpu.memory_space<vmem_shared>>) dst(%arg6 : memref<16384xi32, #tpu.memory_space<vmem>>)
      tpu.yield
    }) : () -> ()
    %scan3A_49 = arith.constant 0 : i32
    %scan3A_50 = arith.constant 0 : i32
    %scan3A_51 = arith.constant 128 : i32
    %scan3A_52 = arith.addi %scan3A_50, %scan3A_51 : i32
    %scan3A_53 = arith.constant 1 : i32
    %scan3A_54 = scf.for %scan3A_116 = %scan3A_50 to %scan3A_52 step %scan3A_53 iter_args(%scan3A_117 = %scan3A_49) -> (i32)  : i32 {
      %mul3A_118 = arith.constant 16 : i32
      %mul3A_119 = arith.muli %scan3A_116, %mul3A_118 : i32
      %swap3A = arith.index_cast %mul3A_119 : i32 to index
      %swap3A_120 = tpu.vector_load %arg8[%swap3A] {strides = array<i32>} : memref<4096xi32, #tpu.memory_space<vmem>>, vector<16xi32>,
      tpu.vector_store %arg8[%swap3A], %broadcast_in_dim3A_1 {strides = array<i32>} : memref<4096xi32, #tpu.memory_space<vmem>>, vector<16xi32>,
      %scan3A_121 = arith.constant 0 : i32
      scf.yield %scan3A_121 : i32
    }
    %scan3A_55 = arith.constant 128 : i32
    %scan3A_56 = arith.constant 0 : i32
    %scan3A_57 = arith.constant 0 : i32
    %scan3A_58 = arith.constant 128 : i32
    %scan3A_59 = arith.addi %scan3A_57, %scan3A_58 : i32
    %scan3A_60 = arith.constant 1 : i32
    %scan3A_61 = scf.for %scan3A_116 = %scan3A_57 to %scan3A_59 step %scan3A_60 iter_args(%scan3A_117 = %scan3A_56) -> (i32)  : i32 {
      %mul3A_118 = arith.constant 8 : i32
      %mul3A_119 = arith.muli %scan3A_116, %mul3A_118 : i32
      %add3A_120 = arith.constant 0 : i32
      %add3A_121 = arith.addi %mul3A_119, %add3A_120 : i32
      %mul3A_122 = arith.constant 16 : i32
      %mul3A_123 = arith.muli %add3A_121, %mul3A_122 : i32
      %get3A = arith.index_cast %mul3A_123 : i32 to index
      %get3A_124 = tpu.vector_load %arg6[%get3A] {strides = array<i32>} : memref<16384xi32, #tpu.memory_space<vmem>>, vector<16xi32>,
      %shift_right_logical3A = arith.constant 18 : i32
      %shift_right_logical3A_125 = vector.broadcast %shift_right_logical3A : i32 to vector<16xi32>
      %shift_right_logical3A_126 = arith.shrui %get3A_124, %shift_right_logical3A_125 : vector<16xi32>
      %broadcast_in_dim3A_127 = arith.constant true
      %broadcast_in_dim3A_128 = vector.broadcast %broadcast_in_dim3A_127 : i1 to vector<16xi1>
      %unique3A, %unique3A_129 = tpu.scan_count mask(%broadcast_in_dim3A_128 : vector<16xi1>) value(%shift_right_logical3A_126 : vector<16xi32>) : vector<16xi1>, vector<16xi32>
      tpu.vector_store_idx %arg8[%shift_right_logical3A_126], %unique3A_129 masked %unique3A {add = true} : memref<4096xi32, #tpu.memory_space<vmem>>[vector<16xi32>], vector<16xi32>, vector<16xi1>
      %mul3A_130 = arith.constant 8 : i32
      %mul3A_131 = arith.muli %scan3A_116, %mul3A_130 : i32
      %add3A_132 = arith.constant 1 : i32
      %add3A_133 = arith.addi %mul3A_131, %add3A_132 : i32
      %mul3A_134 = arith.constant 16 : i32
      %mul3A_135 = arith.muli %add3A_133, %mul3A_134 : i32
      %get3A_136 = arith.index_cast %mul3A_135 : i32 to index
      %get3A_137 = tpu.vector_load %arg6[%get3A_136] {strides = array<i32>} : memref<16384xi32, #tpu.memory_space<vmem>>, vector<16xi32>,
      %shift_right_logical3A_138 = arith.constant 18 : i32
      %shift_right_logical3A_139 = vector.broadcast %shift_right_logical3A_138 : i32 to vector<16xi32>
      %shift_right_logical3A_140 = arith.shrui %get3A_137, %shift_right_logical3A_139 : vector<16xi32>
      %broadcast_in_dim3A_141 = arith.constant true
      %broadcast_in_dim3A_142 = vector.broadcast %broadcast_in_dim3A_141 : i1 to vector<16xi1>
      %unique3A_143, %unique3A_144 = tpu.scan_count mask(%broadcast_in_dim3A_142 : vector<16xi1>) value(%shift_right_logical3A_140 : vector<16xi32>) : vector<16xi1>, vector<16xi32>
      tpu.vector_store_idx %arg8[%shift_right_logical3A_140], %unique3A_144 masked %unique3A_143 {add = true} : memref<4096xi32, #tpu.memory_space<vmem>>[vector<16xi32>], vector<16xi32>, vector<16xi1>
      %mul3A_145 = arith.constant 8 : i32
      %mul3A_146 = arith.muli %scan3A_116, %mul3A_145 : i32
      %add3A_147 = arith.constant 2 : i32
      %add3A_148 = arith.addi %mul3A_146, %add3A_147 : i32
      %mul3A_149 = arith.constant 16 : i32
      %mul3A_150 = arith.muli %add3A_148, %mul3A_149 : i32
      %get3A_151 = arith.index_cast %mul3A_150 : i32 to index
      %get3A_152 = tpu.vector_load %arg6[%get3A_151] {strides = array<i32>} : memref<16384xi32, #tpu.memory_space<vmem>>, vector<16xi32>,
      %shift_right_logical3A_153 = arith.constant 18 : i32
      %shift_right_logical3A_154 = vector.broadcast %shift_right_logical3A_153 : i32 to vector<16xi32>
      %shift_right_logical3A_155 = arith.shrui %get3A_152, %shift_right_logical3A_154 : vector<16xi32>
      %broadcast_in_dim3A_156 = arith.constant true
      %broadcast_in_dim3A_157 = vector.broadcast %broadcast_in_dim3A_156 : i1 to vector<16xi1>
      %unique3A_158, %unique3A_159 = tpu.scan_count mask(%broadcast_in_dim3A_157 : vector<16xi1>) value(%shift_right_logical3A_155 : vector<16xi32>) : vector<16xi1>, vector<16xi32>
      tpu.vector_store_idx %arg8[%shift_right_logical3A_155], %unique3A_159 masked %unique3A_158 {add = true} : memref<4096xi32, #tpu.memory_space<vmem>>[vector<16xi32>], vector<16xi32>, vector<16xi1>
      %mul3A_160 = arith.constant 8 : i32
      %mul3A_161 = arith.muli %scan3A_116, %mul3A_160 : i32
      %add3A_162 = arith.constant 3 : i32
      %add3A_163 = arith.addi %mul3A_161, %add3A_162 : i32
      %mul3A_164 = arith.constant 16 : i32
      %mul3A_165 = arith.muli %add3A_163, %mul3A_164 : i32
      %get3A_166 = arith.index_cast %mul3A_165 : i32 to index
      %get3A_167 = tpu.vector_load %arg6[%get3A_166] {strides = array<i32>} : memref<16384xi32, #tpu.memory_space<vmem>>, vector<16xi32>,
      %shift_right_logical3A_168 = arith.constant 18 : i32
      %shift_right_logical3A_169 = vector.broadcast %shift_right_logical3A_168 : i32 to vector<16xi32>
      %shift_right_logical3A_170 = arith.shrui %get3A_167, %shift_right_logical3A_169 : vector<16xi32>
      %broadcast_in_dim3A_171 = arith.constant true
      %broadcast_in_dim3A_172 = vector.broadcast %broadcast_in_dim3A_171 : i1 to vector<16xi1>
      %unique3A_173, %unique3A_174 = tpu.scan_count mask(%broadcast_in_dim3A_172 : vector<16xi1>) value(%shift_right_logical3A_170 : vector<16xi32>) : vector<16xi1>, vector<16xi32>
      tpu.vector_store_idx %arg8[%shift_right_logical3A_170], %unique3A_174 masked %unique3A_173 {add = true} : memref<4096xi32, #tpu.memory_space<vmem>>[vector<16xi32>], vector<16xi32>, vector<16xi1>
      %mul3A_175 = arith.constant 8 : i32
      %mul3A_176 = arith.muli %scan3A_116, %mul3A_175 : i32
      %add3A_177 = arith.constant 4 : i32
      %add3A_178 = arith.addi %mul3A_176, %add3A_177 : i32
      %mul3A_179 = arith.constant 16 : i32
      %mul3A_180 = arith.muli %add3A_178, %mul3A_179 : i32
      %get3A_181 = arith.index_cast %mul3A_180 : i32 to index
      %get3A_182 = tpu.vector_load %arg6[%get3A_181] {strides = array<i32>} : memref<16384xi32, #tpu.memory_space<vmem>>, vector<16xi32>,
      %shift_right_logical3A_183 = arith.constant 18 : i32
      %shift_right_logical3A_184 = vector.broadcast %shift_right_logical3A_183 : i32 to vector<16xi32>
      %shift_right_logical3A_185 = arith.shrui %get3A_182, %shift_right_logical3A_184 : vector<16xi32>
      %broadcast_in_dim3A_186 = arith.constant true
      %broadcast_in_dim3A_187 = vector.broadcast %broadcast_in_dim3A_186 : i1 to vector<16xi1>
      %unique3A_188, %unique3A_189 = tpu.scan_count mask(%broadcast_in_dim3A_187 : vector<16xi1>) value(%shift_right_logical3A_185 : vector<16xi32>) : vector<16xi1>, vector<16xi32>
      tpu.vector_store_idx %arg8[%shift_right_logical3A_185], %unique3A_189 masked %unique3A_188 {add = true} : memref<4096xi32, #tpu.memory_space<vmem>>[vector<16xi32>], vector<16xi32>, vector<16xi1>
      %mul3A_190 = arith.constant 8 : i32
      %mul3A_191 = arith.muli %scan3A_116, %mul3A_190 : i32
      %add3A_192 = arith.constant 5 : i32
      %add3A_193 = arith.addi %mul3A_191, %add3A_192 : i32
      %mul3A_194 = arith.constant 16 : i32
      %mul3A_195 = arith.muli %add3A_193, %mul3A_194 : i32
      %get3A_196 = arith.index_cast %mul3A_195 : i32 to index
      %get3A_197 = tpu.vector_load %arg6[%get3A_196] {strides = array<i32>} : memref<16384xi32, #tpu.memory_space<vmem>>, vector<16xi32>,
      %shift_right_logical3A_198 = arith.constant 18 : i32
      %shift_right_logical3A_199 = vector.broadcast %shift_right_logical3A_198 : i32 to vector<16xi32>
      %shift_right_logical3A_200 = arith.shrui %get3A_197, %shift_right_logical3A_199 : vector<16xi32>
      %broadcast_in_dim3A_201 = arith.constant true
      %broadcast_in_dim3A_202 = vector.broadcast %broadcast_in_dim3A_201 : i1 to vector<16xi1>
      %unique3A_203, %unique3A_204 = tpu.scan_count mask(%broadcast_in_dim3A_202 : vector<16xi1>) value(%shift_right_logical3A_200 : vector<16xi32>) : vector<16xi1>, vector<16xi32>
      tpu.vector_store_idx %arg8[%shift_right_logical3A_200], %unique3A_204 masked %unique3A_203 {add = true} : memref<4096xi32, #tpu.memory_space<vmem>>[vector<16xi32>], vector<16xi32>, vector<16xi1>
      %mul3A_205 = arith.constant 8 : i32
      %mul3A_206 = arith.muli %scan3A_116, %mul3A_205 : i32
      %add3A_207 = arith.constant 6 : i32
      %add3A_208 = arith.addi %mul3A_206, %add3A_207 : i32
      %mul3A_209 = arith.constant 16 : i32
      %mul3A_210 = arith.muli %add3A_208, %mul3A_209 : i32
      %get3A_211 = arith.index_cast %mul3A_210 : i32 to index
      %get3A_212 = tpu.vector_load %arg6[%get3A_211] {strides = array<i32>} : memref<16384xi32, #tpu.memory_space<vmem>>, vector<16xi32>,
      %shift_right_logical3A_213 = arith.constant 18 : i32
      %shift_right_logical3A_214 = vector.broadcast %shift_right_logical3A_213 : i32 to vector<16xi32>
      %shift_right_logical3A_215 = arith.shrui %get3A_212, %shift_right_logical3A_214 : vector<16xi32>
      %broadcast_in_dim3A_216 = arith.constant true
      %broadcast_in_dim3A_217 = vector.broadcast %broadcast_in_dim3A_216 : i1 to vector<16xi1>
      %unique3A_218, %unique3A_219 = tpu.scan_count mask(%broadcast_in_dim3A_217 : vector<16xi1>) value(%shift_right_logical3A_215 : vector<16xi32>) : vector<16xi1>, vector<16xi32>
      tpu.vector_store_idx %arg8[%shift_right_logical3A_215], %unique3A_219 masked %unique3A_218 {add = true} : memref<4096xi32, #tpu.memory_space<vmem>>[vector<16xi32>], vector<16xi32>, vector<16xi1>
      %mul3A_220 = arith.constant 8 : i32
      %mul3A_221 = arith.muli %scan3A_116, %mul3A_220 : i32
      %add3A_222 = arith.constant 7 : i32
      %add3A_223 = arith.addi %mul3A_221, %add3A_222 : i32
      %mul3A_224 = arith.constant 16 : i32
      %mul3A_225 = arith.muli %add3A_223, %mul3A_224 : i32
      %get3A_226 = arith.index_cast %mul3A_225 : i32 to index
      %get3A_227 = tpu.vector_load %arg6[%get3A_226] {strides = array<i32>} : memref<16384xi32, #tpu.memory_space<vmem>>, vector<16xi32>,
      %shift_right_logical3A_228 = arith.constant 18 : i32
      %shift_right_logical3A_229 = vector.broadcast %shift_right_logical3A_228 : i32 to vector<16xi32>
      %shift_right_logical3A_230 = arith.shrui %get3A_227, %shift_right_logical3A_229 : vector<16xi32>
      %broadcast_in_dim3A_231 = arith.constant true
      %broadcast_in_dim3A_232 = vector.broadcast %broadcast_in_dim3A_231 : i1 to vector<16xi1>
      %unique3A_233, %unique3A_234 = tpu.scan_count mask(%broadcast_in_dim3A_232 : vector<16xi1>) value(%shift_right_logical3A_230 : vector<16xi32>) : vector<16xi1>, vector<16xi32>
      tpu.vector_store_idx %arg8[%shift_right_logical3A_230], %unique3A_234 masked %unique3A_233 {add = true} : memref<4096xi32, #tpu.memory_space<vmem>>[vector<16xi32>], vector<16xi32>, vector<16xi1>
      %scan3A_235 = arith.constant 0 : i32
      scf.yield %scan3A_235 : i32
    }
    %scan3A_62 = arith.constant 128 : i32
    %mul3A_63 = arith.constant 2048 : i32
    %mul3A_64 = arith.muli %arg1, %mul3A_63 : i32
    "tpu.region"() ({
      %run_scoped3A = tpu.sem_alloc : memref<!tpu.dma_semaphore, #tpu.memory_space<semaphore_mem>>
      %dma_start3A_116 = arith.constant 0 : i32
      %dma_start3A_117 = tpu.memref_slice %arg8[%dma_start3A_116] : memref<4096xi32, #tpu.memory_space<vmem>> -> memref<2048xi32, #tpu.memory_space<vmem>>
      %dma_start3A_118 = tpu.memref_slice %arg13[%mul3A_64] : memref<65536xi32, #tpu.memory_space<vmem_shared>> -> memref<2048xi32, #tpu.memory_space<vmem_shared>>
      %dma_start3A_119 = tpu.memref_slice %arg13[%mul3A_64] : memref<65536xi32, #tpu.memory_space<vmem_shared>> -> memref<2048xi32, #tpu.memory_space<vmem_shared>>
      %dma_start3A_120 = arith.constant 0 : i32
      %dma_start3A_121 = tpu.memref_slice %arg8[%dma_start3A_120] : memref<4096xi32, #tpu.memory_space<vmem>> -> memref<2048xi32, #tpu.memory_space<vmem>>
      tpu.enqueue_dma source(%dma_start3A_121 : memref<2048xi32, #tpu.memory_space<vmem>>) target(%dma_start3A_119 : memref<2048xi32, #tpu.memory_space<vmem_shared>>) target_semaphore(%run_scoped3A : memref<!tpu.dma_semaphore, #tpu.memory_space<semaphore_mem>>)
      %dma_wait3A_122 = arith.constant 0 : i32
      %dma_wait3A_123 = tpu.memref_slice %arg8[%dma_wait3A_122] : memref<4096xi32, #tpu.memory_space<vmem>> -> memref<2048xi32, #tpu.memory_space<vmem>>
      %dma_wait3A_124 = tpu.memref_slice %arg13[%mul3A_64] : memref<65536xi32, #tpu.memory_space<vmem_shared>> -> memref<2048xi32, #tpu.memory_space<vmem_shared>>
      %dma_wait3A_125 = tpu.memref_slice %arg13[%mul3A_64] : memref<65536xi32, #tpu.memory_space<vmem_shared>> -> memref<2048xi32, #tpu.memory_space<vmem_shared>>
      %dma_wait3A_126 = arith.constant 0 : i32
      %dma_wait3A_127 = tpu.memref_slice %arg8[%dma_wait3A_126] : memref<4096xi32, #tpu.memory_space<vmem>> -> memref<2048xi32, #tpu.memory_space<vmem>>
      tpu.wait_dma2 semaphore(%run_scoped3A : memref<!tpu.dma_semaphore, #tpu.memory_space<semaphore_mem>>) src(%dma_wait3A_127 : memref<2048xi32, #tpu.memory_space<vmem>>) dst(%dma_wait3A_125 : memref<2048xi32, #tpu.memory_space<vmem_shared>>)
      tpu.yield
    }) : () -> ()
    %barrier3A_65 = arith.constant 0 : index
    tpu.barrier barrier_id(%barrier3A_65)
    "tpu.region"() ({
      %run_scoped3A = tpu.sem_alloc : memref<!tpu.dma_semaphore, #tpu.memory_space<semaphore_mem>>
      %dma_start3A_116 = arith.constant 0 : i32
      %dma_start3A_117 = tpu.memref_slice %arg12[%dma_start3A_116] : memref<32768xi32, #tpu.memory_space<vmem>> -> memref<16384xi32, #tpu.memory_space<vmem>>
      %dma_start3A_118 = arith.constant 0 : i32
      %dma_start3A_119 = tpu.memref_slice %arg13[%dma_start3A_118] : memref<65536xi32, #tpu.memory_space<vmem_shared>> -> memref<16384xi32, #tpu.memory_space<vmem_shared>>
      %dma_start3A_120 = arith.constant 0 : i32
      %dma_start3A_121 = tpu.memref_slice %arg12[%dma_start3A_120] : memref<32768xi32, #tpu.memory_space<vmem>> -> memref<16384xi32, #tpu.memory_space<vmem>>
      %dma_start3A_122 = arith.constant 0 : i32
      %dma_start3A_123 = tpu.memref_slice %arg13[%dma_start3A_122] : memref<65536xi32, #tpu.memory_space<vmem_shared>> -> memref<16384xi32, #tpu.memory_space<vmem_shared>>
      tpu.enqueue_dma source(%dma_start3A_123 : memref<16384xi32, #tpu.memory_space<vmem_shared>>) target(%dma_start3A_121 : memref<16384xi32, #tpu.memory_space<vmem>>) target_semaphore(%run_scoped3A : memref<!tpu.dma_semaphore, #tpu.memory_space<semaphore_mem>>)
      %dma_wait3A_124 = arith.constant 0 : i32
      %dma_wait3A_125 = tpu.memref_slice %arg12[%dma_wait3A_124] : memref<32768xi32, #tpu.memory_space<vmem>> -> memref<16384xi32, #tpu.memory_space<vmem>>
      %dma_wait3A_126 = arith.constant 0 : i32
      %dma_wait3A_127 = tpu.memref_slice %arg13[%dma_wait3A_126] : memref<65536xi32, #tpu.memory_space<vmem_shared>> -> memref<16384xi32, #tpu.memory_space<vmem_shared>>
      %dma_wait3A_128 = arith.constant 0 : i32
      %dma_wait3A_129 = tpu.memref_slice %arg12[%dma_wait3A_128] : memref<32768xi32, #tpu.memory_space<vmem>> -> memref<16384xi32, #tpu.memory_space<vmem>>
      %dma_wait3A_130 = arith.constant 0 : i32
      %dma_wait3A_131 = tpu.memref_slice %arg13[%dma_wait3A_130] : memref<65536xi32, #tpu.memory_space<vmem_shared>> -> memref<16384xi32, #tpu.memory_space<vmem_shared>>
      tpu.wait_dma2 semaphore(%run_scoped3A : memref<!tpu.dma_semaphore, #tpu.memory_space<semaphore_mem>>) src(%dma_wait3A_131 : memref<16384xi32, #tpu.memory_space<vmem_shared>>) dst(%dma_wait3A_129 : memref<16384xi32, #tpu.memory_space<vmem>>)
      tpu.yield
    }) : () -> ()
    %scan3A_66 = arith.constant 0 : i32
    %scan3A_67 = arith.constant 0 : i32
    %scan3A_68 = arith.constant 128 : i32
    %scan3A_69 = arith.addi %scan3A_67, %scan3A_68 : i32
    %scan3A_70 = arith.constant 1 : i32
    %scan3A_71 = scf.for %scan3A_116 = %scan3A_67 to %scan3A_69 step %scan3A_70 iter_args(%scan3A_117 = %scan3A_66) -> (i32)  : i32 {
      %mul3A_118 = arith.constant 16 : i32
      %mul3A_119 = arith.muli %scan3A_116, %mul3A_118 : i32
      %add3A_120 = arith.constant 0 : i32
      %add3A_121 = arith.addi %add3A_120, %mul3A_119 : i32
      %get3A = arith.index_cast %add3A_121 : i32 to index
      %get3A_122 = tpu.vector_load %arg12[%get3A] {strides = array<i32>} : memref<32768xi32, #tpu.memory_space<vmem>>, vector<16xi32>,
      %add3A_123 = arith.addi %broadcast_in_dim3A_1, %get3A_122 : vector<16xi32>
      %gt3A = arith.constant 0 : i32
      %gt3A_124 = arith.cmpi sgt, %arg1, %gt3A : i32
      %convert_element_type3A = arith.extui %gt3A_124 : i1 to i32
      %mul3A_125 = vector.broadcast %convert_element_type3A : i32 to vector<16xi32>
      %mul3A_126 = arith.muli %get3A_122, %mul3A_125 : vector<16xi32>
      %add3A_127 = arith.addi %broadcast_in_dim3A_1, %mul3A_126 : vector<16xi32>
      %add3A_128 = arith.constant 2048 : i32
      %add3A_129 = arith.addi %add3A_128, %mul3A_119 : i32
      %get3A_130 = arith.index_cast %add3A_129 : i32 to index
      %get3A_131 = tpu.vector_load %arg12[%get3A_130] {strides = array<i32>} : memref<32768xi32, #tpu.memory_space<vmem>>, vector<16xi32>,
      %add3A_132 = arith.addi %add3A_123, %get3A_131 : vector<16xi32>
      %gt3A_133 = arith.constant 1 : i32
      %gt3A_134 = arith.cmpi sgt, %arg1, %gt3A_133 : i32
      %convert_element_type3A_135 = arith.extui %gt3A_134 : i1 to i32
      %mul3A_136 = vector.broadcast %convert_element_type3A_135 : i32 to vector<16xi32>
      %mul3A_137 = arith.muli %get3A_131, %mul3A_136 : vector<16xi32>
      %add3A_138 = arith.addi %add3A_127, %mul3A_137 : vector<16xi32>
      %add3A_139 = arith.constant 4096 : i32
      %add3A_140 = arith.addi %add3A_139, %mul3A_119 : i32
      %get3A_141 = arith.index_cast %add3A_140 : i32 to index
      %get3A_142 = tpu.vector_load %arg12[%get3A_141] {strides = array<i32>} : memref<32768xi32, #tpu.memory_space<vmem>>, vector<16xi32>,
      %add3A_143 = arith.addi %add3A_132, %get3A_142 : vector<16xi32>
      %gt3A_144 = arith.constant 2 : i32
      %gt3A_145 = arith.cmpi sgt, %arg1, %gt3A_144 : i32
      %convert_element_type3A_146 = arith.extui %gt3A_145 : i1 to i32
      %mul3A_147 = vector.broadcast %convert_element_type3A_146 : i32 to vector<16xi32>
      %mul3A_148 = arith.muli %get3A_142, %mul3A_147 : vector<16xi32>
      %add3A_149 = arith.addi %add3A_138, %mul3A_148 : vector<16xi32>
      %add3A_150 = arith.constant 6144 : i32
      %add3A_151 = arith.addi %add3A_150, %mul3A_119 : i32
      %get3A_152 = arith.index_cast %add3A_151 : i32 to index
      %get3A_153 = tpu.vector_load %arg12[%get3A_152] {strides = array<i32>} : memref<32768xi32, #tpu.memory_space<vmem>>, vector<16xi32>,
      %add3A_154 = arith.addi %add3A_143, %get3A_153 : vector<16xi32>
      %gt3A_155 = arith.constant 3 : i32
      %gt3A_156 = arith.cmpi sgt, %arg1, %gt3A_155 : i32
      %convert_element_type3A_157 = arith.extui %gt3A_156 : i1 to i32
      %mul3A_158 = vector.broadcast %convert_element_type3A_157 : i32 to vector<16xi32>
      %mul3A_159 = arith.muli %get3A_153, %mul3A_158 : vector<16xi32>
      %add3A_160 = arith.addi %add3A_149, %mul3A_159 : vector<16xi32>
      %add3A_161 = arith.constant 8192 : i32
      %add3A_162 = arith.addi %add3A_161, %mul3A_119 : i32
      %get3A_163 = arith.index_cast %add3A_162 : i32 to index
      %get3A_164 = tpu.vector_load %arg12[%get3A_163] {strides = array<i32>} : memref<32768xi32, #tpu.memory_space<vmem>>, vector<16xi32>,
      %add3A_165 = arith.addi %add3A_154, %get3A_164 : vector<16xi32>
      %gt3A_166 = arith.constant 4 : i32
      %gt3A_167 = arith.cmpi sgt, %arg1, %gt3A_166 : i32
      %convert_element_type3A_168 = arith.extui %gt3A_167 : i1 to i32
      %mul3A_169 = vector.broadcast %convert_element_type3A_168 : i32 to vector<16xi32>
      %mul3A_170 = arith.muli %get3A_164, %mul3A_169 : vector<16xi32>
      %add3A_171 = arith.addi %add3A_160, %mul3A_170 : vector<16xi32>
      %add3A_172 = arith.constant 10240 : i32
      %add3A_173 = arith.addi %add3A_172, %mul3A_119 : i32
      %get3A_174 = arith.index_cast %add3A_173 : i32 to index
      %get3A_175 = tpu.vector_load %arg12[%get3A_174] {strides = array<i32>} : memref<32768xi32, #tpu.memory_space<vmem>>, vector<16xi32>,
      %add3A_176 = arith.addi %add3A_165, %get3A_175 : vector<16xi32>
      %gt3A_177 = arith.constant 5 : i32
      %gt3A_178 = arith.cmpi sgt, %arg1, %gt3A_177 : i32
      %convert_element_type3A_179 = arith.extui %gt3A_178 : i1 to i32
      %mul3A_180 = vector.broadcast %convert_element_type3A_179 : i32 to vector<16xi32>
      %mul3A_181 = arith.muli %get3A_175, %mul3A_180 : vector<16xi32>
      %add3A_182 = arith.addi %add3A_171, %mul3A_181 : vector<16xi32>
      %add3A_183 = arith.constant 12288 : i32
      %add3A_184 = arith.addi %add3A_183, %mul3A_119 : i32
      %get3A_185 = arith.index_cast %add3A_184 : i32 to index
      %get3A_186 = tpu.vector_load %arg12[%get3A_185] {strides = array<i32>} : memref<32768xi32, #tpu.memory_space<vmem>>, vector<16xi32>,
      %add3A_187 = arith.addi %add3A_176, %get3A_186 : vector<16xi32>
      %gt3A_188 = arith.constant 6 : i32
      %gt3A_189 = arith.cmpi sgt, %arg1, %gt3A_188 : i32
      %convert_element_type3A_190 = arith.extui %gt3A_189 : i1 to i32
      %mul3A_191 = vector.broadcast %convert_element_type3A_190 : i32 to vector<16xi32>
      %mul3A_192 = arith.muli %get3A_186, %mul3A_191 : vector<16xi32>
      %add3A_193 = arith.addi %add3A_182, %mul3A_192 : vector<16xi32>
      %add3A_194 = arith.constant 14336 : i32
      %add3A_195 = arith.addi %add3A_194, %mul3A_119 : i32
      %get3A_196 = arith.index_cast %add3A_195 : i32 to index
      %get3A_197 = tpu.vector_load %arg12[%get3A_196] {strides = array<i32>} : memref<32768xi32, #tpu.memory_space<vmem>>, vector<16xi32>,
      %add3A_198 = arith.addi %add3A_187, %get3A_197 : vector<16xi32>
      %gt3A_199 = arith.constant 7 : i32
      %gt3A_200 = arith.cmpi sgt, %arg1, %gt3A_199 : i32
      %convert_element_type3A_201 = arith.extui %gt3A_200 : i1 to i32
      %mul3A_202 = vector.broadcast %convert_element_type3A_201 : i32 to vector<16xi32>
      %mul3A_203 = arith.muli %get3A_197, %mul3A_202 : vector<16xi32>
      %add3A_204 = arith.addi %add3A_193, %mul3A_203 : vector<16xi32>
      %swap3A = arith.index_cast %mul3A_119 : i32 to index
      %swap3A_205 = tpu.vector_load %arg10[%swap3A] {strides = array<i32>} : memref<4096xi32, #tpu.memory_space<vmem>>, vector<16xi32>,
      tpu.vector_store %arg10[%swap3A], %add3A_198 {strides = array<i32>} : memref<4096xi32, #tpu.memory_space<vmem>>, vector<16xi32>,
      %swap3A_206 = arith.index_cast %mul3A_119 : i32 to index
      %swap3A_207 = tpu.vector_load %arg11[%swap3A_206] {strides = array<i32>} : memref<4096xi32, #tpu.memory_space<vmem>>, vector<16xi32>,
      tpu.vector_store %arg11[%swap3A_206], %add3A_204 {strides = array<i32>} : memref<4096xi32, #tpu.memory_space<vmem>>, vector<16xi32>,
      %scan3A_208 = arith.constant 0 : i32
      scf.yield %scan3A_208 : i32
    }
    %scan3A_72 = arith.constant 128 : i32
    "tpu.region"() ({
      %run_scoped3A = tpu.sem_alloc : memref<!tpu.dma_semaphore, #tpu.memory_space<semaphore_mem>>
      %dma_start3A_116 = arith.constant 0 : i32
      %dma_start3A_117 = tpu.memref_slice %arg12[%dma_start3A_116] : memref<32768xi32, #tpu.memory_space<vmem>> -> memref<16384xi32, #tpu.memory_space<vmem>>
      %dma_start3A_118 = arith.constant 16384 : i32
      %dma_start3A_119 = tpu.memref_slice %arg13[%dma_start3A_118] : memref<65536xi32, #tpu.memory_space<vmem_shared>> -> memref<16384xi32, #tpu.memory_space<vmem_shared>>
      %dma_start3A_120 = arith.constant 0 : i32
      %dma_start3A_121 = tpu.memref_slice %arg12[%dma_start3A_120] : memref<32768xi32, #tpu.memory_space<vmem>> -> memref<16384xi32, #tpu.memory_space<vmem>>
      %dma_start3A_122 = arith.constant 16384 : i32
      %dma_start3A_123 = tpu.memref_slice %arg13[%dma_start3A_122] : memref<65536xi32, #tpu.memory_space<vmem_shared>> -> memref<16384xi32, #tpu.memory_space<vmem_shared>>
      tpu.enqueue_dma source(%dma_start3A_123 : memref<16384xi32, #tpu.memory_space<vmem_shared>>) target(%dma_start3A_121 : memref<16384xi32, #tpu.memory_space<vmem>>) target_semaphore(%run_scoped3A : memref<!tpu.dma_semaphore, #tpu.memory_space<semaphore_mem>>)
      %dma_wait3A_124 = arith.constant 0 : i32
      %dma_wait3A_125 = tpu.memref_slice %arg12[%dma_wait3A_124] : memref<32768xi32, #tpu.memory_space<vmem>> -> memref<16384xi32, #tpu.memory_space<vmem>>
      %dma_wait3A_126 = arith.constant 16384 : i32
      %dma_wait3A_127 = tpu.memref_slice %arg13[%dma_wait3A_126] : memref<65536xi32, #tpu.memory_space<vmem_shared>> -> memref<16384xi32, #tpu.memory_space<vmem_shared>>
      %dma_wait3A_128 = arith.constant 0 : i32
      %dma_wait3A_129 = tpu.memref_slice %arg12[%dma_wait3A_128] : memref<32768xi32, #tpu.memory_space<vmem>> -> memref<16384xi32, #tpu.memory_space<vmem>>
      %dma_wait3A_130 = arith.constant 16384 : i32
      %dma_wait3A_131 = tpu.memref_slice %arg13[%dma_wait3A_130] : memref<65536xi32, #tpu.memory_space<vmem_shared>> -> memref<16384xi32, #tpu.memory_space<vmem_shared>>
      tpu.wait_dma2 semaphore(%run_scoped3A : memref<!tpu.dma_semaphore, #tpu.memory_space<semaphore_mem>>) src(%dma_wait3A_131 : memref<16384xi32, #tpu.memory_space<vmem_shared>>) dst(%dma_wait3A_129 : memref<16384xi32, #tpu.memory_space<vmem>>)
      tpu.yield
    }) : () -> ()
    %scan3A_73 = arith.constant 0 : i32
    %scan3A_74 = arith.constant 0 : i32
    %scan3A_75 = arith.constant 128 : i32
    %scan3A_76 = arith.addi %scan3A_74, %scan3A_75 : i32
    %scan3A_77 = arith.constant 1 : i32
    %scan3A_78 = scf.for %scan3A_116 = %scan3A_74 to %scan3A_76 step %scan3A_77 iter_args(%scan3A_117 = %scan3A_73) -> (i32)  : i32 {
      %mul3A_118 = arith.constant 16 : i32
      %mul3A_119 = arith.muli %scan3A_116, %mul3A_118 : i32
      %get3A = arith.index_cast %mul3A_119 : i32 to index
      %get3A_120 = tpu.vector_load %arg10[%get3A] {strides = array<i32>} : memref<4096xi32, #tpu.memory_space<vmem>>, vector<16xi32>,
      %get3A_121 = arith.index_cast %mul3A_119 : i32 to index
      %get3A_122 = tpu.vector_load %arg11[%get3A_121] {strides = array<i32>} : memref<4096xi32, #tpu.memory_space<vmem>>, vector<16xi32>,
      %add3A_123 = arith.constant 0 : i32
      %add3A_124 = arith.addi %add3A_123, %mul3A_119 : i32
      %get3A_125 = arith.index_cast %add3A_124 : i32 to index
      %get3A_126 = tpu.vector_load %arg12[%get3A_125] {strides = array<i32>} : memref<32768xi32, #tpu.memory_space<vmem>>, vector<16xi32>,
      %add3A_127 = arith.addi %get3A_120, %get3A_126 : vector<16xi32>
      %gt3A = arith.constant 8 : i32
      %gt3A_128 = arith.cmpi sgt, %arg1, %gt3A : i32
      %convert_element_type3A = arith.extui %gt3A_128 : i1 to i32
      %mul3A_129 = vector.broadcast %convert_element_type3A : i32 to vector<16xi32>
      %mul3A_130 = arith.muli %get3A_126, %mul3A_129 : vector<16xi32>
      %add3A_131 = arith.addi %get3A_122, %mul3A_130 : vector<16xi32>
      %add3A_132 = arith.constant 2048 : i32
      %add3A_133 = arith.addi %add3A_132, %mul3A_119 : i32
      %get3A_134 = arith.index_cast %add3A_133 : i32 to index
      %get3A_135 = tpu.vector_load %arg12[%get3A_134] {strides = array<i32>} : memref<32768xi32, #tpu.memory_space<vmem>>, vector<16xi32>,
      %add3A_136 = arith.addi %add3A_127, %get3A_135 : vector<16xi32>
      %gt3A_137 = arith.constant 9 : i32
      %gt3A_138 = arith.cmpi sgt, %arg1, %gt3A_137 : i32
      %convert_element_type3A_139 = arith.extui %gt3A_138 : i1 to i32
      %mul3A_140 = vector.broadcast %convert_element_type3A_139 : i32 to vector<16xi32>
      %mul3A_141 = arith.muli %get3A_135, %mul3A_140 : vector<16xi32>
      %add3A_142 = arith.addi %add3A_131, %mul3A_141 : vector<16xi32>
      %add3A_143 = arith.constant 4096 : i32
      %add3A_144 = arith.addi %add3A_143, %mul3A_119 : i32
      %get3A_145 = arith.index_cast %add3A_144 : i32 to index
      %get3A_146 = tpu.vector_load %arg12[%get3A_145] {strides = array<i32>} : memref<32768xi32, #tpu.memory_space<vmem>>, vector<16xi32>,
      %add3A_147 = arith.addi %add3A_136, %get3A_146 : vector<16xi32>
      %gt3A_148 = arith.constant 10 : i32
      %gt3A_149 = arith.cmpi sgt, %arg1, %gt3A_148 : i32
      %convert_element_type3A_150 = arith.extui %gt3A_149 : i1 to i32
      %mul3A_151 = vector.broadcast %convert_element_type3A_150 : i32 to vector<16xi32>
      %mul3A_152 = arith.muli %get3A_146, %mul3A_151 : vector<16xi32>
      %add3A_153 = arith.addi %add3A_142, %mul3A_152 : vector<16xi32>
      %add3A_154 = arith.constant 6144 : i32
      %add3A_155 = arith.addi %add3A_154, %mul3A_119 : i32
      %get3A_156 = arith.index_cast %add3A_155 : i32 to index
      %get3A_157 = tpu.vector_load %arg12[%get3A_156] {strides = array<i32>} : memref<32768xi32, #tpu.memory_space<vmem>>, vector<16xi32>,
      %add3A_158 = arith.addi %add3A_147, %get3A_157 : vector<16xi32>
      %gt3A_159 = arith.constant 11 : i32
      %gt3A_160 = arith.cmpi sgt, %arg1, %gt3A_159 : i32
      %convert_element_type3A_161 = arith.extui %gt3A_160 : i1 to i32
      %mul3A_162 = vector.broadcast %convert_element_type3A_161 : i32 to vector<16xi32>
      %mul3A_163 = arith.muli %get3A_157, %mul3A_162 : vector<16xi32>
      %add3A_164 = arith.addi %add3A_153, %mul3A_163 : vector<16xi32>
      %add3A_165 = arith.constant 8192 : i32
      %add3A_166 = arith.addi %add3A_165, %mul3A_119 : i32
      %get3A_167 = arith.index_cast %add3A_166 : i32 to index
      %get3A_168 = tpu.vector_load %arg12[%get3A_167] {strides = array<i32>} : memref<32768xi32, #tpu.memory_space<vmem>>, vector<16xi32>,
      %add3A_169 = arith.addi %add3A_158, %get3A_168 : vector<16xi32>
      %gt3A_170 = arith.constant 12 : i32
      %gt3A_171 = arith.cmpi sgt, %arg1, %gt3A_170 : i32
      %convert_element_type3A_172 = arith.extui %gt3A_171 : i1 to i32
      %mul3A_173 = vector.broadcast %convert_element_type3A_172 : i32 to vector<16xi32>
      %mul3A_174 = arith.muli %get3A_168, %mul3A_173 : vector<16xi32>
      %add3A_175 = arith.addi %add3A_164, %mul3A_174 : vector<16xi32>
      %add3A_176 = arith.constant 10240 : i32
      %add3A_177 = arith.addi %add3A_176, %mul3A_119 : i32
      %get3A_178 = arith.index_cast %add3A_177 : i32 to index
      %get3A_179 = tpu.vector_load %arg12[%get3A_178] {strides = array<i32>} : memref<32768xi32, #tpu.memory_space<vmem>>, vector<16xi32>,
      %add3A_180 = arith.addi %add3A_169, %get3A_179 : vector<16xi32>
      %gt3A_181 = arith.constant 13 : i32
      %gt3A_182 = arith.cmpi sgt, %arg1, %gt3A_181 : i32
      %convert_element_type3A_183 = arith.extui %gt3A_182 : i1 to i32
      %mul3A_184 = vector.broadcast %convert_element_type3A_183 : i32 to vector<16xi32>
      %mul3A_185 = arith.muli %get3A_179, %mul3A_184 : vector<16xi32>
      %add3A_186 = arith.addi %add3A_175, %mul3A_185 : vector<16xi32>
      %add3A_187 = arith.constant 12288 : i32
      %add3A_188 = arith.addi %add3A_187, %mul3A_119 : i32
      %get3A_189 = arith.index_cast %add3A_188 : i32 to index
      %get3A_190 = tpu.vector_load %arg12[%get3A_189] {strides = array<i32>} : memref<32768xi32, #tpu.memory_space<vmem>>, vector<16xi32>,
      %add3A_191 = arith.addi %add3A_180, %get3A_190 : vector<16xi32>
      %gt3A_192 = arith.constant 14 : i32
      %gt3A_193 = arith.cmpi sgt, %arg1, %gt3A_192 : i32
      %convert_element_type3A_194 = arith.extui %gt3A_193 : i1 to i32
      %mul3A_195 = vector.broadcast %convert_element_type3A_194 : i32 to vector<16xi32>
      %mul3A_196 = arith.muli %get3A_190, %mul3A_195 : vector<16xi32>
      %add3A_197 = arith.addi %add3A_186, %mul3A_196 : vector<16xi32>
      %add3A_198 = arith.constant 14336 : i32
      %add3A_199 = arith.addi %add3A_198, %mul3A_119 : i32
      %get3A_200 = arith.index_cast %add3A_199 : i32 to index
      %get3A_201 = tpu.vector_load %arg12[%get3A_200] {strides = array<i32>} : memref<32768xi32, #tpu.memory_space<vmem>>, vector<16xi32>,
      %add3A_202 = arith.addi %add3A_191, %get3A_201 : vector<16xi32>
      %gt3A_203 = arith.constant 15 : i32
      %gt3A_204 = arith.cmpi sgt, %arg1, %gt3A_203 : i32
      %convert_element_type3A_205 = arith.extui %gt3A_204 : i1 to i32
      %mul3A_206 = vector.broadcast %convert_element_type3A_205 : i32 to vector<16xi32>
      %mul3A_207 = arith.muli %get3A_201, %mul3A_206 : vector<16xi32>
      %add3A_208 = arith.addi %add3A_197, %mul3A_207 : vector<16xi32>
      %swap3A = arith.index_cast %mul3A_119 : i32 to index
      %swap3A_209 = tpu.vector_load %arg10[%swap3A] {strides = array<i32>} : memref<4096xi32, #tpu.memory_space<vmem>>, vector<16xi32>,
      tpu.vector_store %arg10[%swap3A], %add3A_202 {strides = array<i32>} : memref<4096xi32, #tpu.memory_space<vmem>>, vector<16xi32>,
      %swap3A_210 = arith.index_cast %mul3A_119 : i32 to index
      %swap3A_211 = tpu.vector_load %arg11[%swap3A_210] {strides = array<i32>} : memref<4096xi32, #tpu.memory_space<vmem>>, vector<16xi32>,
      tpu.vector_store %arg11[%swap3A_210], %add3A_208 {strides = array<i32>} : memref<4096xi32, #tpu.memory_space<vmem>>, vector<16xi32>,
      %scan3A_212 = arith.constant 0 : i32
      scf.yield %scan3A_212 : i32
    }
    %scan3A_79 = arith.constant 128 : i32
    %scan3A_80 = arith.constant 0 : i32
    %scan3A_81 = arith.constant 0 : i32
    %scan3A_82 = arith.constant 128 : i32
    %scan3A_83 = arith.addi %scan3A_81, %scan3A_82 : i32
    %scan3A_84 = arith.constant 1 : i32
    %scan3A_85 = scf.for %scan3A_116 = %scan3A_81 to %scan3A_83 step %scan3A_84 iter_args(%scan3A_117 = %scan3A_80) -> (i32)  : i32 {
      %mul3A_118 = arith.constant 16 : i32
      %mul3A_119 = arith.muli %scan3A_116, %mul3A_118 : i32
      %get3A = arith.index_cast %mul3A_119 : i32 to index
      %get3A_120 = tpu.vector_load %arg10[%get3A] {strides = array<i32>} : memref<4096xi32, #tpu.memory_space<vmem>>, vector<16xi32>,
      %broadcast_in_dim3A_121 = arith.constant true
      %broadcast_in_dim3A_122 = vector.broadcast %broadcast_in_dim3A_121 : i1 to vector<16xi1>
      %masked_cumsum3A = tpu.scan <sum>, %get3A_120 masked %broadcast_in_dim3A_122 : vector<16xi32>, vector<16xi1> -> vector<16xi32>
      %sub3A = arith.subi %masked_cumsum3A, %get3A_120 : vector<16xi32>
      %add3A_123 = vector.broadcast %scan3A_117 : i32 to vector<16xi32>
      %add3A_124 = arith.addi %sub3A, %add3A_123 : vector<16xi32>
      %get3A_125 = arith.index_cast %mul3A_119 : i32 to index
      %get3A_126 = tpu.vector_load %arg11[%get3A_125] {strides = array<i32>} : memref<4096xi32, #tpu.memory_space<vmem>>, vector<16xi32>,
      %add3A_127 = arith.addi %add3A_124, %get3A_126 : vector<16xi32>
      %swap3A = arith.index_cast %mul3A_119 : i32 to index
      %swap3A_128 = tpu.vector_load %arg9[%swap3A] {strides = array<i32>} : memref<4096xi32, #tpu.memory_space<vmem>>, vector<16xi32>,
      tpu.vector_store %arg9[%swap3A], %add3A_127 {strides = array<i32>} : memref<4096xi32, #tpu.memory_space<vmem>>, vector<16xi32>,
      %reduce_sum3A = arith.constant true
      %reduce_sum3A_129 = vector.broadcast %reduce_sum3A : i1 to vector<16xi1>
      %reduce_sum3A_130 = tpu.scan <sum>, %get3A_120 masked %reduce_sum3A_129 : vector<16xi32>, vector<16xi1> -> vector<16xi32>
      %reduce_sum3A_131 = vector.extract %reduce_sum3A_130[15] : i32 from vector<16xi32>
      %add3A_132 = arith.addi %scan3A_117, %reduce_sum3A_131 : i32
      scf.yield %add3A_132 : i32
    }
    %scan3A_86 = arith.constant 128 : i32
    %barrier3A_87 = arith.constant 0 : index
    tpu.barrier barrier_id(%barrier3A_87)
    %scan3A_88 = arith.constant 0 : i32
    %scan3A_89 = arith.constant 0 : i32
    %scan3A_90 = arith.constant 128 : i32
    %scan3A_91 = arith.addi %scan3A_89, %scan3A_90 : i32
    %scan3A_92 = arith.constant 1 : i32
    %scan3A_93 = scf.for %scan3A_116 = %scan3A_89 to %scan3A_91 step %scan3A_92 iter_args(%scan3A_117 = %scan3A_88) -> (i32)  : i32 {
      %mul3A_118 = arith.constant 8 : i32
      %mul3A_119 = arith.muli %scan3A_116, %mul3A_118 : i32
      %add3A_120 = arith.constant 0 : i32
      %add3A_121 = arith.addi %mul3A_119, %add3A_120 : i32
      %mul3A_122 = arith.constant 16 : i32
      %mul3A_123 = arith.muli %add3A_121, %mul3A_122 : i32
      %get3A = arith.index_cast %mul3A_123 : i32 to index
      %get3A_124 = tpu.vector_load %arg6[%get3A] {strides = array<i32>} : memref<16384xi32, #tpu.memory_space<vmem>>, vector<16xi32>,
      %shift_right_logical3A = arith.constant 18 : i32
      %shift_right_logical3A_125 = vector.broadcast %shift_right_logical3A : i32 to vector<16xi32>
      %shift_right_logical3A_126 = arith.shrui %get3A_124, %shift_right_logical3A_125 : vector<16xi32>
      %broadcast_in_dim3A_127 = arith.constant true
      %broadcast_in_dim3A_128 = vector.broadcast %broadcast_in_dim3A_127 : i1 to vector<16xi1>
      %unique3A, %unique3A_129 = tpu.scan_count mask(%broadcast_in_dim3A_128 : vector<16xi1>) value(%shift_right_logical3A_126 : vector<16xi32>) : vector<16xi1>, vector<16xi32>
      %gather3A = tpu.vector_load_idx %arg9[%shift_right_logical3A_126] : memref<4096xi32, #tpu.memory_space<vmem>>[vector<16xi32>], vector<16xi32>,
      %add3A_130 = arith.addi %gather3A, %unique3A_129 : vector<16xi32>
      %sub3A = arith.constant 1 : i32
      %sub3A_131 = vector.broadcast %sub3A : i32 to vector<16xi32>
      %sub3A_132 = arith.subi %add3A_130, %sub3A_131 : vector<16xi32>
      %swap3A = arith.index_cast %mul3A_123 : i32 to index
      %swap3A_133 = tpu.vector_load %arg7[%swap3A] {strides = array<i32>} : memref<16384xi32, #tpu.memory_space<vmem>>, vector<16xi32>,
      tpu.vector_store %arg7[%swap3A], %sub3A_132 {strides = array<i32>} : memref<16384xi32, #tpu.memory_space<vmem>>, vector<16xi32>,
      tpu.vector_store_idx %arg9[%shift_right_logical3A_126], %unique3A_129 masked %unique3A {add = true} : memref<4096xi32, #tpu.memory_space<vmem>>[vector<16xi32>], vector<16xi32>, vector<16xi1>
      %get3A_134 = arith.index_cast %mul3A_123 : i32 to index
      %get3A_135 = tpu.vector_load %arg6[%get3A_134] {strides = array<i32>} : memref<16384xi32, #tpu.memory_space<vmem>>, vector<16xi32>,
      %and3A = arith.constant 262143 : i32
      %and3A_136 = vector.broadcast %and3A : i32 to vector<16xi32>
      %and3A_137 = arith.andi %get3A_135, %and3A_136 : vector<16xi32>
      %swap3A_138 = arith.index_cast %mul3A_123 : i32 to index
      %swap3A_139 = tpu.vector_load %arg6[%swap3A_138] {strides = array<i32>} : memref<16384xi32, #tpu.memory_space<vmem>>, vector<16xi32>,
      tpu.vector_store %arg6[%swap3A_138], %and3A_137 {strides = array<i32>} : memref<16384xi32, #tpu.memory_space<vmem>>, vector<16xi32>,
      %mul3A_140 = arith.constant 8 : i32
      %mul3A_141 = arith.muli %scan3A_116, %mul3A_140 : i32
      %add3A_142 = arith.constant 1 : i32
      %add3A_143 = arith.addi %mul3A_141, %add3A_142 : i32
      %mul3A_144 = arith.constant 16 : i32
      %mul3A_145 = arith.muli %add3A_143, %mul3A_144 : i32
      %get3A_146 = arith.index_cast %mul3A_145 : i32 to index
      %get3A_147 = tpu.vector_load %arg6[%get3A_146] {strides = array<i32>} : memref<16384xi32, #tpu.memory_space<vmem>>, vector<16xi32>,
      %shift_right_logical3A_148 = arith.constant 18 : i32
      %shift_right_logical3A_149 = vector.broadcast %shift_right_logical3A_148 : i32 to vector<16xi32>
      %shift_right_logical3A_150 = arith.shrui %get3A_147, %shift_right_logical3A_149 : vector<16xi32>
      %broadcast_in_dim3A_151 = arith.constant true
      %broadcast_in_dim3A_152 = vector.broadcast %broadcast_in_dim3A_151 : i1 to vector<16xi1>
      %unique3A_153, %unique3A_154 = tpu.scan_count mask(%broadcast_in_dim3A_152 : vector<16xi1>) value(%shift_right_logical3A_150 : vector<16xi32>) : vector<16xi1>, vector<16xi32>
      %gather3A_155 = tpu.vector_load_idx %arg9[%shift_right_logical3A_150] : memref<4096xi32, #tpu.memory_space<vmem>>[vector<16xi32>], vector<16xi32>,
      %add3A_156 = arith.addi %gather3A_155, %unique3A_154 : vector<16xi32>
      %sub3A_157 = arith.constant 1 : i32
      %sub3A_158 = vector.broadcast %sub3A_157 : i32 to vector<16xi32>
      %sub3A_159 = arith.subi %add3A_156, %sub3A_158 : vector<16xi32>
      %swap3A_160 = arith.index_cast %mul3A_145 : i32 to index
      %swap3A_161 = tpu.vector_load %arg7[%swap3A_160] {strides = array<i32>} : memref<16384xi32, #tpu.memory_space<vmem>>, vector<16xi32>,
      tpu.vector_store %arg7[%swap3A_160], %sub3A_159 {strides = array<i32>} : memref<16384xi32, #tpu.memory_space<vmem>>, vector<16xi32>,
      tpu.vector_store_idx %arg9[%shift_right_logical3A_150], %unique3A_154 masked %unique3A_153 {add = true} : memref<4096xi32, #tpu.memory_space<vmem>>[vector<16xi32>], vector<16xi32>, vector<16xi1>
      %get3A_162 = arith.index_cast %mul3A_145 : i32 to index
      %get3A_163 = tpu.vector_load %arg6[%get3A_162] {strides = array<i32>} : memref<16384xi32, #tpu.memory_space<vmem>>, vector<16xi32>,
      %and3A_164 = arith.constant 262143 : i32
      %and3A_165 = vector.broadcast %and3A_164 : i32 to vector<16xi32>
      %and3A_166 = arith.andi %get3A_163, %and3A_165 : vector<16xi32>
      %swap3A_167 = arith.index_cast %mul3A_145 : i32 to index
      %swap3A_168 = tpu.vector_load %arg6[%swap3A_167] {strides = array<i32>} : memref<16384xi32, #tpu.memory_space<vmem>>, vector<16xi32>,
      tpu.vector_store %arg6[%swap3A_167], %and3A_166 {strides = array<i32>} : memref<16384xi32, #tpu.memory_space<vmem>>, vector<16xi32>,
      %mul3A_169 = arith.constant 8 : i32
      %mul3A_170 = arith.muli %scan3A_116, %mul3A_169 : i32
      %add3A_171 = arith.constant 2 : i32
      %add3A_172 = arith.addi %mul3A_170, %add3A_171 : i32
      %mul3A_173 = arith.constant 16 : i32
      %mul3A_174 = arith.muli %add3A_172, %mul3A_173 : i32
      %get3A_175 = arith.index_cast %mul3A_174 : i32 to index
      %get3A_176 = tpu.vector_load %arg6[%get3A_175] {strides = array<i32>} : memref<16384xi32, #tpu.memory_space<vmem>>, vector<16xi32>,
      %shift_right_logical3A_177 = arith.constant 18 : i32
      %shift_right_logical3A_178 = vector.broadcast %shift_right_logical3A_177 : i32 to vector<16xi32>
      %shift_right_logical3A_179 = arith.shrui %get3A_176, %shift_right_logical3A_178 : vector<16xi32>
      %broadcast_in_dim3A_180 = arith.constant true
      %broadcast_in_dim3A_181 = vector.broadcast %broadcast_in_dim3A_180 : i1 to vector<16xi1>
      %unique3A_182, %unique3A_183 = tpu.scan_count mask(%broadcast_in_dim3A_181 : vector<16xi1>) value(%shift_right_logical3A_179 : vector<16xi32>) : vector<16xi1>, vector<16xi32>
      %gather3A_184 = tpu.vector_load_idx %arg9[%shift_right_logical3A_179] : memref<4096xi32, #tpu.memory_space<vmem>>[vector<16xi32>], vector<16xi32>,
      %add3A_185 = arith.addi %gather3A_184, %unique3A_183 : vector<16xi32>
      %sub3A_186 = arith.constant 1 : i32
      %sub3A_187 = vector.broadcast %sub3A_186 : i32 to vector<16xi32>
      %sub3A_188 = arith.subi %add3A_185, %sub3A_187 : vector<16xi32>
      %swap3A_189 = arith.index_cast %mul3A_174 : i32 to index
      %swap3A_190 = tpu.vector_load %arg7[%swap3A_189] {strides = array<i32>} : memref<16384xi32, #tpu.memory_space<vmem>>, vector<16xi32>,
      tpu.vector_store %arg7[%swap3A_189], %sub3A_188 {strides = array<i32>} : memref<16384xi32, #tpu.memory_space<vmem>>, vector<16xi32>,
      tpu.vector_store_idx %arg9[%shift_right_logical3A_179], %unique3A_183 masked %unique3A_182 {add = true} : memref<4096xi32, #tpu.memory_space<vmem>>[vector<16xi32>], vector<16xi32>, vector<16xi1>
      %get3A_191 = arith.index_cast %mul3A_174 : i32 to index
      %get3A_192 = tpu.vector_load %arg6[%get3A_191] {strides = array<i32>} : memref<16384xi32, #tpu.memory_space<vmem>>, vector<16xi32>,
      %and3A_193 = arith.constant 262143 : i32
      %and3A_194 = vector.broadcast %and3A_193 : i32 to vector<16xi32>
      %and3A_195 = arith.andi %get3A_192, %and3A_194 : vector<16xi32>
      %swap3A_196 = arith.index_cast %mul3A_174 : i32 to index
      %swap3A_197 = tpu.vector_load %arg6[%swap3A_196] {strides = array<i32>} : memref<16384xi32, #tpu.memory_space<vmem>>, vector<16xi32>,
      tpu.vector_store %arg6[%swap3A_196], %and3A_195 {strides = array<i32>} : memref<16384xi32, #tpu.memory_space<vmem>>, vector<16xi32>,
      %mul3A_198 = arith.constant 8 : i32
      %mul3A_199 = arith.muli %scan3A_116, %mul3A_198 : i32
      %add3A_200 = arith.constant 3 : i32
      %add3A_201 = arith.addi %mul3A_199, %add3A_200 : i32
      %mul3A_202 = arith.constant 16 : i32
      %mul3A_203 = arith.muli %add3A_201, %mul3A_202 : i32
      %get3A_204 = arith.index_cast %mul3A_203 : i32 to index
      %get3A_205 = tpu.vector_load %arg6[%get3A_204] {strides = array<i32>} : memref<16384xi32, #tpu.memory_space<vmem>>, vector<16xi32>,
      %shift_right_logical3A_206 = arith.constant 18 : i32
      %shift_right_logical3A_207 = vector.broadcast %shift_right_logical3A_206 : i32 to vector<16xi32>
      %shift_right_logical3A_208 = arith.shrui %get3A_205, %shift_right_logical3A_207 : vector<16xi32>
      %broadcast_in_dim3A_209 = arith.constant true
      %broadcast_in_dim3A_210 = vector.broadcast %broadcast_in_dim3A_209 : i1 to vector<16xi1>
      %unique3A_211, %unique3A_212 = tpu.scan_count mask(%broadcast_in_dim3A_210 : vector<16xi1>) value(%shift_right_logical3A_208 : vector<16xi32>) : vector<16xi1>, vector<16xi32>
      %gather3A_213 = tpu.vector_load_idx %arg9[%shift_right_logical3A_208] : memref<4096xi32, #tpu.memory_space<vmem>>[vector<16xi32>], vector<16xi32>,
      %add3A_214 = arith.addi %gather3A_213, %unique3A_212 : vector<16xi32>
      %sub3A_215 = arith.constant 1 : i32
      %sub3A_216 = vector.broadcast %sub3A_215 : i32 to vector<16xi32>
      %sub3A_217 = arith.subi %add3A_214, %sub3A_216 : vector<16xi32>
      %swap3A_218 = arith.index_cast %mul3A_203 : i32 to index
      %swap3A_219 = tpu.vector_load %arg7[%swap3A_218] {strides = array<i32>} : memref<16384xi32, #tpu.memory_space<vmem>>, vector<16xi32>,
      tpu.vector_store %arg7[%swap3A_218], %sub3A_217 {strides = array<i32>} : memref<16384xi32, #tpu.memory_space<vmem>>, vector<16xi32>,
      tpu.vector_store_idx %arg9[%shift_right_logical3A_208], %unique3A_212 masked %unique3A_211 {add = true} : memref<4096xi32, #tpu.memory_space<vmem>>[vector<16xi32>], vector<16xi32>, vector<16xi1>
      %get3A_220 = arith.index_cast %mul3A_203 : i32 to index
      %get3A_221 = tpu.vector_load %arg6[%get3A_220] {strides = array<i32>} : memref<16384xi32, #tpu.memory_space<vmem>>, vector<16xi32>,
      %and3A_222 = arith.constant 262143 : i32
      %and3A_223 = vector.broadcast %and3A_222 : i32 to vector<16xi32>
      %and3A_224 = arith.andi %get3A_221, %and3A_223 : vector<16xi32>
      %swap3A_225 = arith.index_cast %mul3A_203 : i32 to index
      %swap3A_226 = tpu.vector_load %arg6[%swap3A_225] {strides = array<i32>} : memref<16384xi32, #tpu.memory_space<vmem>>, vector<16xi32>,
      tpu.vector_store %arg6[%swap3A_225], %and3A_224 {strides = array<i32>} : memref<16384xi32, #tpu.memory_space<vmem>>, vector<16xi32>,
      %mul3A_227 = arith.constant 8 : i32
      %mul3A_228 = arith.muli %scan3A_116, %mul3A_227 : i32
      %add3A_229 = arith.constant 4 : i32
      %add3A_230 = arith.addi %mul3A_228, %add3A_229 : i32
      %mul3A_231 = arith.constant 16 : i32
      %mul3A_232 = arith.muli %add3A_230, %mul3A_231 : i32
      %get3A_233 = arith.index_cast %mul3A_232 : i32 to index
      %get3A_234 = tpu.vector_load %arg6[%get3A_233] {strides = array<i32>} : memref<16384xi32, #tpu.memory_space<vmem>>, vector<16xi32>,
      %shift_right_logical3A_235 = arith.constant 18 : i32
      %shift_right_logical3A_236 = vector.broadcast %shift_right_logical3A_235 : i32 to vector<16xi32>
      %shift_right_logical3A_237 = arith.shrui %get3A_234, %shift_right_logical3A_236 : vector<16xi32>
      %broadcast_in_dim3A_238 = arith.constant true
      %broadcast_in_dim3A_239 = vector.broadcast %broadcast_in_dim3A_238 : i1 to vector<16xi1>
      %unique3A_240, %unique3A_241 = tpu.scan_count mask(%broadcast_in_dim3A_239 : vector<16xi1>) value(%shift_right_logical3A_237 : vector<16xi32>) : vector<16xi1>, vector<16xi32>
      %gather3A_242 = tpu.vector_load_idx %arg9[%shift_right_logical3A_237] : memref<4096xi32, #tpu.memory_space<vmem>>[vector<16xi32>], vector<16xi32>,
      %add3A_243 = arith.addi %gather3A_242, %unique3A_241 : vector<16xi32>
      %sub3A_244 = arith.constant 1 : i32
      %sub3A_245 = vector.broadcast %sub3A_244 : i32 to vector<16xi32>
      %sub3A_246 = arith.subi %add3A_243, %sub3A_245 : vector<16xi32>
      %swap3A_247 = arith.index_cast %mul3A_232 : i32 to index
      %swap3A_248 = tpu.vector_load %arg7[%swap3A_247] {strides = array<i32>} : memref<16384xi32, #tpu.memory_space<vmem>>, vector<16xi32>,
      tpu.vector_store %arg7[%swap3A_247], %sub3A_246 {strides = array<i32>} : memref<16384xi32, #tpu.memory_space<vmem>>, vector<16xi32>,
      tpu.vector_store_idx %arg9[%shift_right_logical3A_237], %unique3A_241 masked %unique3A_240 {add = true} : memref<4096xi32, #tpu.memory_space<vmem>>[vector<16xi32>], vector<16xi32>, vector<16xi1>
      %get3A_249 = arith.index_cast %mul3A_232 : i32 to index
      %get3A_250 = tpu.vector_load %arg6[%get3A_249] {strides = array<i32>} : memref<16384xi32, #tpu.memory_space<vmem>>, vector<16xi32>,
      %and3A_251 = arith.constant 262143 : i32
      %and3A_252 = vector.broadcast %and3A_251 : i32 to vector<16xi32>
      %and3A_253 = arith.andi %get3A_250, %and3A_252 : vector<16xi32>
      %swap3A_254 = arith.index_cast %mul3A_232 : i32 to index
      %swap3A_255 = tpu.vector_load %arg6[%swap3A_254] {strides = array<i32>} : memref<16384xi32, #tpu.memory_space<vmem>>, vector<16xi32>,
      tpu.vector_store %arg6[%swap3A_254], %and3A_253 {strides = array<i32>} : memref<16384xi32, #tpu.memory_space<vmem>>, vector<16xi32>,
      %mul3A_256 = arith.constant 8 : i32
      %mul3A_257 = arith.muli %scan3A_116, %mul3A_256 : i32
      %add3A_258 = arith.constant 5 : i32
      %add3A_259 = arith.addi %mul3A_257, %add3A_258 : i32
      %mul3A_260 = arith.constant 16 : i32
      %mul3A_261 = arith.muli %add3A_259, %mul3A_260 : i32
      %get3A_262 = arith.index_cast %mul3A_261 : i32 to index
      %get3A_263 = tpu.vector_load %arg6[%get3A_262] {strides = array<i32>} : memref<16384xi32, #tpu.memory_space<vmem>>, vector<16xi32>,
      %shift_right_logical3A_264 = arith.constant 18 : i32
      %shift_right_logical3A_265 = vector.broadcast %shift_right_logical3A_264 : i32 to vector<16xi32>
      %shift_right_logical3A_266 = arith.shrui %get3A_263, %shift_right_logical3A_265 : vector<16xi32>
      %broadcast_in_dim3A_267 = arith.constant true
      %broadcast_in_dim3A_268 = vector.broadcast %broadcast_in_dim3A_267 : i1 to vector<16xi1>
      %unique3A_269, %unique3A_270 = tpu.scan_count mask(%broadcast_in_dim3A_268 : vector<16xi1>) value(%shift_right_logical3A_266 : vector<16xi32>) : vector<16xi1>, vector<16xi32>
      %gather3A_271 = tpu.vector_load_idx %arg9[%shift_right_logical3A_266] : memref<4096xi32, #tpu.memory_space<vmem>>[vector<16xi32>], vector<16xi32>,
      %add3A_272 = arith.addi %gather3A_271, %unique3A_270 : vector<16xi32>
      %sub3A_273 = arith.constant 1 : i32
      %sub3A_274 = vector.broadcast %sub3A_273 : i32 to vector<16xi32>
      %sub3A_275 = arith.subi %add3A_272, %sub3A_274 : vector<16xi32>
      %swap3A_276 = arith.index_cast %mul3A_261 : i32 to index
      %swap3A_277 = tpu.vector_load %arg7[%swap3A_276] {strides = array<i32>} : memref<16384xi32, #tpu.memory_space<vmem>>, vector<16xi32>,
      tpu.vector_store %arg7[%swap3A_276], %sub3A_275 {strides = array<i32>} : memref<16384xi32, #tpu.memory_space<vmem>>, vector<16xi32>,
      tpu.vector_store_idx %arg9[%shift_right_logical3A_266], %unique3A_270 masked %unique3A_269 {add = true} : memref<4096xi32, #tpu.memory_space<vmem>>[vector<16xi32>], vector<16xi32>, vector<16xi1>
      %get3A_278 = arith.index_cast %mul3A_261 : i32 to index
      %get3A_279 = tpu.vector_load %arg6[%get3A_278] {strides = array<i32>} : memref<16384xi32, #tpu.memory_space<vmem>>, vector<16xi32>,
      %and3A_280 = arith.constant 262143 : i32
      %and3A_281 = vector.broadcast %and3A_280 : i32 to vector<16xi32>
      %and3A_282 = arith.andi %get3A_279, %and3A_281 : vector<16xi32>
      %swap3A_283 = arith.index_cast %mul3A_261 : i32 to index
      %swap3A_284 = tpu.vector_load %arg6[%swap3A_283] {strides = array<i32>} : memref<16384xi32, #tpu.memory_space<vmem>>, vector<16xi32>,
      tpu.vector_store %arg6[%swap3A_283], %and3A_282 {strides = array<i32>} : memref<16384xi32, #tpu.memory_space<vmem>>, vector<16xi32>,
      %mul3A_285 = arith.constant 8 : i32
      %mul3A_286 = arith.muli %scan3A_116, %mul3A_285 : i32
      %add3A_287 = arith.constant 6 : i32
      %add3A_288 = arith.addi %mul3A_286, %add3A_287 : i32
      %mul3A_289 = arith.constant 16 : i32
      %mul3A_290 = arith.muli %add3A_288, %mul3A_289 : i32
      %get3A_291 = arith.index_cast %mul3A_290 : i32 to index
      %get3A_292 = tpu.vector_load %arg6[%get3A_291] {strides = array<i32>} : memref<16384xi32, #tpu.memory_space<vmem>>, vector<16xi32>,
      %shift_right_logical3A_293 = arith.constant 18 : i32
      %shift_right_logical3A_294 = vector.broadcast %shift_right_logical3A_293 : i32 to vector<16xi32>
      %shift_right_logical3A_295 = arith.shrui %get3A_292, %shift_right_logical3A_294 : vector<16xi32>
      %broadcast_in_dim3A_296 = arith.constant true
      %broadcast_in_dim3A_297 = vector.broadcast %broadcast_in_dim3A_296 : i1 to vector<16xi1>
      %unique3A_298, %unique3A_299 = tpu.scan_count mask(%broadcast_in_dim3A_297 : vector<16xi1>) value(%shift_right_logical3A_295 : vector<16xi32>) : vector<16xi1>, vector<16xi32>
      %gather3A_300 = tpu.vector_load_idx %arg9[%shift_right_logical3A_295] : memref<4096xi32, #tpu.memory_space<vmem>>[vector<16xi32>], vector<16xi32>,
      %add3A_301 = arith.addi %gather3A_300, %unique3A_299 : vector<16xi32>
      %sub3A_302 = arith.constant 1 : i32
      %sub3A_303 = vector.broadcast %sub3A_302 : i32 to vector<16xi32>
      %sub3A_304 = arith.subi %add3A_301, %sub3A_303 : vector<16xi32>
      %swap3A_305 = arith.index_cast %mul3A_290 : i32 to index
      %swap3A_306 = tpu.vector_load %arg7[%swap3A_305] {strides = array<i32>} : memref<16384xi32, #tpu.memory_space<vmem>>, vector<16xi32>,
      tpu.vector_store %arg7[%swap3A_305], %sub3A_304 {strides = array<i32>} : memref<16384xi32, #tpu.memory_space<vmem>>, vector<16xi32>,
      tpu.vector_store_idx %arg9[%shift_right_logical3A_295], %unique3A_299 masked %unique3A_298 {add = true} : memref<4096xi32, #tpu.memory_space<vmem>>[vector<16xi32>], vector<16xi32>, vector<16xi1>
      %get3A_307 = arith.index_cast %mul3A_290 : i32 to index
      %get3A_308 = tpu.vector_load %arg6[%get3A_307] {strides = array<i32>} : memref<16384xi32, #tpu.memory_space<vmem>>, vector<16xi32>,
      %and3A_309 = arith.constant 262143 : i32
      %and3A_310 = vector.broadcast %and3A_309 : i32 to vector<16xi32>
      %and3A_311 = arith.andi %get3A_308, %and3A_310 : vector<16xi32>
      %swap3A_312 = arith.index_cast %mul3A_290 : i32 to index
      %swap3A_313 = tpu.vector_load %arg6[%swap3A_312] {strides = array<i32>} : memref<16384xi32, #tpu.memory_space<vmem>>, vector<16xi32>,
      tpu.vector_store %arg6[%swap3A_312], %and3A_311 {strides = array<i32>} : memref<16384xi32, #tpu.memory_space<vmem>>, vector<16xi32>,
      %mul3A_314 = arith.constant 8 : i32
      %mul3A_315 = arith.muli %scan3A_116, %mul3A_314 : i32
      %add3A_316 = arith.constant 7 : i32
      %add3A_317 = arith.addi %mul3A_315, %add3A_316 : i32
      %mul3A_318 = arith.constant 16 : i32
      %mul3A_319 = arith.muli %add3A_317, %mul3A_318 : i32
      %get3A_320 = arith.index_cast %mul3A_319 : i32 to index
      %get3A_321 = tpu.vector_load %arg6[%get3A_320] {strides = array<i32>} : memref<16384xi32, #tpu.memory_space<vmem>>, vector<16xi32>,
      %shift_right_logical3A_322 = arith.constant 18 : i32
      %shift_right_logical3A_323 = vector.broadcast %shift_right_logical3A_322 : i32 to vector<16xi32>
      %shift_right_logical3A_324 = arith.shrui %get3A_321, %shift_right_logical3A_323 : vector<16xi32>
      %broadcast_in_dim3A_325 = arith.constant true
      %broadcast_in_dim3A_326 = vector.broadcast %broadcast_in_dim3A_325 : i1 to vector<16xi1>
      %unique3A_327, %unique3A_328 = tpu.scan_count mask(%broadcast_in_dim3A_326 : vector<16xi1>) value(%shift_right_logical3A_324 : vector<16xi32>) : vector<16xi1>, vector<16xi32>
      %gather3A_329 = tpu.vector_load_idx %arg9[%shift_right_logical3A_324] : memref<4096xi32, #tpu.memory_space<vmem>>[vector<16xi32>], vector<16xi32>,
      %add3A_330 = arith.addi %gather3A_329, %unique3A_328 : vector<16xi32>
      %sub3A_331 = arith.constant 1 : i32
      %sub3A_332 = vector.broadcast %sub3A_331 : i32 to vector<16xi32>
      %sub3A_333 = arith.subi %add3A_330, %sub3A_332 : vector<16xi32>
      %swap3A_334 = arith.index_cast %mul3A_319 : i32 to index
      %swap3A_335 = tpu.vector_load %arg7[%swap3A_334] {strides = array<i32>} : memref<16384xi32, #tpu.memory_space<vmem>>, vector<16xi32>,
      tpu.vector_store %arg7[%swap3A_334], %sub3A_333 {strides = array<i32>} : memref<16384xi32, #tpu.memory_space<vmem>>, vector<16xi32>,
      tpu.vector_store_idx %arg9[%shift_right_logical3A_324], %unique3A_328 masked %unique3A_327 {add = true} : memref<4096xi32, #tpu.memory_space<vmem>>[vector<16xi32>], vector<16xi32>, vector<16xi1>
      %get3A_336 = arith.index_cast %mul3A_319 : i32 to index
      %get3A_337 = tpu.vector_load %arg6[%get3A_336] {strides = array<i32>} : memref<16384xi32, #tpu.memory_space<vmem>>, vector<16xi32>,
      %and3A_338 = arith.constant 262143 : i32
      %and3A_339 = vector.broadcast %and3A_338 : i32 to vector<16xi32>
      %and3A_340 = arith.andi %get3A_337, %and3A_339 : vector<16xi32>
      %swap3A_341 = arith.index_cast %mul3A_319 : i32 to index
      %swap3A_342 = tpu.vector_load %arg6[%swap3A_341] {strides = array<i32>} : memref<16384xi32, #tpu.memory_space<vmem>>, vector<16xi32>,
      tpu.vector_store %arg6[%swap3A_341], %and3A_340 {strides = array<i32>} : memref<16384xi32, #tpu.memory_space<vmem>>, vector<16xi32>,
      %scan3A_343 = arith.constant 0 : i32
      scf.yield %scan3A_343 : i32
    }
    %scan3A_94 = arith.constant 128 : i32
    %dma_start3A_95 = arith.constant 0 : i32
    %dma_start3A_96 = tpu.memref_slice %arg14[%dma_start3A_95] : memref<262144xi32, #tpu.memory_space<vmem_shared>> -> memref<262144xi32, #tpu.memory_space<vmem_shared>>
    tpu.enqueue_indirect_dma source(%arg6 : memref<16384xi32, #tpu.memory_space<vmem>>) target(%dma_start3A_96 : memref<262144xi32, #tpu.memory_space<vmem_shared>>) offsets(%arg7 : memref<16384xi32, #tpu.memory_space<vmem>>) semaphore(%arg15 : memref<!tpu.dma_semaphore, #tpu.memory_space<semaphore_mem>>)
    %dma_wait3A_97 = arith.constant 0 : i32
    %dma_wait3A_98 = tpu.memref_slice %arg14[%dma_wait3A_97] : memref<262144xi32, #tpu.memory_space<vmem_shared>> -> memref<262144xi32, #tpu.memory_space<vmem_shared>>
    tpu.wait_indirect_dma semaphore(%arg15 : memref<!tpu.dma_semaphore, #tpu.memory_space<semaphore_mem>>) src(%arg6 : memref<16384xi32, #tpu.memory_space<vmem>>) dst(%dma_wait3A_98 : memref<262144xi32, #tpu.memory_space<vmem_shared>>)
    %barrier3A_99 = arith.constant 0 : index
    tpu.barrier barrier_id(%barrier3A_99)
    %mul3A_100 = arith.constant 16 : i32
    %mul3A_101 = arith.muli %arg0, %mul3A_100 : i32
    %add3A = arith.addi %mul3A_101, %arg1 : i32
    %mul3A_102 = arith.constant 8192 : i32
    %mul3A_103 = arith.muli %add3A, %mul3A_102 : i32
    "tpu.region"() ({
      %run_scoped3A = tpu.sem_alloc : memref<!tpu.dma_semaphore, #tpu.memory_space<semaphore_mem>>
      %dma_start3A_116 = arith.constant 0 : i32
      %dma_start3A_117 = tpu.memref_slice %arg6[%dma_start3A_116] : memref<16384xi32, #tpu.memory_space<vmem>> -> memref<8192xi32, #tpu.memory_space<vmem>>
      %dma_start3A_118 = tpu.memref_slice %arg14[%mul3A_103] : memref<262144xi32, #tpu.memory_space<vmem_shared>> -> memref<8192xi32, #tpu.memory_space<vmem_shared>>
      %dma_start3A_119 = arith.constant 0 : i32
      %dma_start3A_120 = tpu.memref_slice %arg6[%dma_start3A_119] : memref<16384xi32, #tpu.memory_space<vmem>> -> memref<8192xi32, #tpu.memory_space<vmem>>
      %dma_start3A_121 = tpu.memref_slice %arg14[%mul3A_103] : memref<262144xi32, #tpu.memory_space<vmem_shared>> -> memref<8192xi32, #tpu.memory_space<vmem_shared>>
      tpu.enqueue_dma source(%dma_start3A_121 : memref<8192xi32, #tpu.memory_space<vmem_shared>>) target(%dma_start3A_120 : memref<8192xi32, #tpu.memory_space<vmem>>) target_semaphore(%run_scoped3A : memref<!tpu.dma_semaphore, #tpu.memory_space<semaphore_mem>>)
      %dma_wait3A_122 = arith.constant 0 : i32
      %dma_wait3A_123 = tpu.memref_slice %arg6[%dma_wait3A_122] : memref<16384xi32, #tpu.memory_space<vmem>> -> memref<8192xi32, #tpu.memory_space<vmem>>
      %dma_wait3A_124 = tpu.memref_slice %arg14[%mul3A_103] : memref<262144xi32, #tpu.memory_space<vmem_shared>> -> memref<8192xi32, #tpu.memory_space<vmem_shared>>
      %dma_wait3A_125 = arith.constant 0 : i32
      %dma_wait3A_126 = tpu.memref_slice %arg6[%dma_wait3A_125] : memref<16384xi32, #tpu.memory_space<vmem>> -> memref<8192xi32, #tpu.memory_space<vmem>>
      %dma_wait3A_127 = tpu.memref_slice %arg14[%mul3A_103] : memref<262144xi32, #tpu.memory_space<vmem_shared>> -> memref<8192xi32, #tpu.memory_space<vmem_shared>>
      tpu.wait_dma2 semaphore(%run_scoped3A : memref<!tpu.dma_semaphore, #tpu.memory_space<semaphore_mem>>) src(%dma_wait3A_127 : memref<8192xi32, #tpu.memory_space<vmem_shared>>) dst(%dma_wait3A_126 : memref<8192xi32, #tpu.memory_space<vmem>>)
      tpu.yield
    }) : () -> ()
    "tpu.region"() ({
      %run_scoped3A = tpu.sem_alloc : memref<!tpu.dma_semaphore, #tpu.memory_space<semaphore_mem>>
      %dma_start3A_116 = arith.constant 0 : i32
      %dma_start3A_117 = tpu.memref_slice %arg6[%dma_start3A_116] : memref<16384xi32, #tpu.memory_space<vmem>> -> memref<8192xi32, #tpu.memory_space<vmem>>
      %dma_start3A_118 = tpu.memref_slice %arg4[%mul3A_103] : memref<262144xi32, #tpu.memory_space<hbm>> -> memref<8192xi32, #tpu.memory_space<hbm>>
      %dma_start3A_119 = tpu.memref_slice %arg4[%mul3A_103] : memref<262144xi32, #tpu.memory_space<hbm>> -> memref<8192xi32, #tpu.memory_space<hbm>>
      %dma_start3A_120 = arith.constant 0 : i32
      %dma_start3A_121 = tpu.memref_slice %arg6[%dma_start3A_120] : memref<16384xi32, #tpu.memory_space<vmem>> -> memref<8192xi32, #tpu.memory_space<vmem>>
      tpu.enqueue_dma source(%dma_start3A_121 : memref<8192xi32, #tpu.memory_space<vmem>>) target(%dma_start3A_119 : memref<8192xi32, #tpu.memory_space<hbm>>) target_semaphore(%run_scoped3A : memref<!tpu.dma_semaphore, #tpu.memory_space<semaphore_mem>>)
      %dma_wait3A_122 = arith.constant 0 : i32
      %dma_wait3A_123 = tpu.memref_slice %arg6[%dma_wait3A_122] : memref<16384xi32, #tpu.memory_space<vmem>> -> memref<8192xi32, #tpu.memory_space<vmem>>
      %dma_wait3A_124 = tpu.memref_slice %arg4[%mul3A_103] : memref<262144xi32, #tpu.memory_space<hbm>> -> memref<8192xi32, #tpu.memory_space<hbm>>
      %dma_wait3A_125 = tpu.memref_slice %arg4[%mul3A_103] : memref<262144xi32, #tpu.memory_space<hbm>> -> memref<8192xi32, #tpu.memory_space<hbm>>
      %dma_wait3A_126 = arith.constant 0 : i32
      %dma_wait3A_127 = tpu.memref_slice %arg6[%dma_wait3A_126] : memref<16384xi32, #tpu.memory_space<vmem>> -> memref<8192xi32, #tpu.memory_space<vmem>>
      tpu.wait_dma2 semaphore(%run_scoped3A : memref<!tpu.dma_semaphore, #tpu.memory_space<semaphore_mem>>) src(%dma_wait3A_127 : memref<8192xi32, #tpu.memory_space<vmem>>) dst(%dma_wait3A_125 : memref<8192xi32, #tpu.memory_space<hbm>>)
      tpu.yield
    }) : () -> ()
    %dma_start3A_104 = arith.constant 0 : i32
    %dma_start3A_105 = tpu.memref_slice %arg5[%dma_start3A_104] : memref<16384xf32, #tpu.memory_space<vmem>> -> memref<8192xf32, #tpu.memory_space<vmem>>
    %dma_start3A_106 = arith.constant 0 : i32
    %dma_start3A_107 = tpu.memref_slice %arg6[%dma_start3A_106] : memref<16384xi32, #tpu.memory_space<vmem>> -> memref<8192xi32, #tpu.memory_space<vmem>>
    %dma_start3A_108 = arith.constant 0 : i32
    %dma_start3A_109 = tpu.memref_slice %arg2[%dma_start3A_108] : memref<262144xf32, #tpu.memory_space<hbm>> -> memref<262144xf32, #tpu.memory_space<hbm>>
    tpu.enqueue_indirect_dma source(%dma_start3A_109 : memref<262144xf32, #tpu.memory_space<hbm>>) target(%dma_start3A_105 : memref<8192xf32, #tpu.memory_space<vmem>>) offsets(%dma_start3A_107 : memref<8192xi32, #tpu.memory_space<vmem>>) semaphore(%arg15 : memref<!tpu.dma_semaphore, #tpu.memory_space<semaphore_mem>>)
    %dma_wait3A_110 = arith.constant 0 : i32
    %dma_wait3A_111 = tpu.memref_slice %arg5[%dma_wait3A_110] : memref<16384xf32, #tpu.memory_space<vmem>> -> memref<8192xf32, #tpu.memory_space<vmem>>
    %dma_wait3A_112 = arith.constant 0 : i32
    %dma_wait3A_113 = tpu.memref_slice %arg6[%dma_wait3A_112] : memref<16384xi32, #tpu.memory_space<vmem>> -> memref<8192xi32, #tpu.memory_space<vmem>>
    %dma_wait3A_114 = arith.constant 0 : i32
    %dma_wait3A_115 = tpu.memref_slice %arg2[%dma_wait3A_114] : memref<262144xf32, #tpu.memory_space<hbm>> -> memref<262144xf32, #tpu.memory_space<hbm>>
    tpu.wait_indirect_dma semaphore(%arg15 : memref<!tpu.dma_semaphore, #tpu.memory_space<semaphore_mem>>) src(%dma_wait3A_115 : memref<262144xf32, #tpu.memory_space<hbm>>) dst(%dma_wait3A_111 : memref<8192xf32, #tpu.memory_space<vmem>>)
    "tpu.region"() ({
      %run_scoped3A = tpu.sem_alloc : memref<!tpu.dma_semaphore, #tpu.memory_space<semaphore_mem>>
      %dma_start3A_116 = arith.constant 0 : i32
      %dma_start3A_117 = tpu.memref_slice %arg5[%dma_start3A_116] : memref<16384xf32, #tpu.memory_space<vmem>> -> memref<8192xf32, #tpu.memory_space<vmem>>
      %dma_start3A_118 = tpu.memref_slice %arg3[%mul3A_103] : memref<262144xf32, #tpu.memory_space<hbm>> -> memref<8192xf32, #tpu.memory_space<hbm>>
      %dma_start3A_119 = tpu.memref_slice %arg3[%mul3A_103] : memref<262144xf32, #tpu.memory_space<hbm>> -> memref<8192xf32, #tpu.memory_space<hbm>>
      %dma_start3A_120 = arith.constant 0 : i32
      %dma_start3A_121 = tpu.memref_slice %arg5[%dma_start3A_120] : memref<16384xf32, #tpu.memory_space<vmem>> -> memref<8192xf32, #tpu.memory_space<vmem>>
      tpu.enqueue_dma source(%dma_start3A_121 : memref<8192xf32, #tpu.memory_space<vmem>>) target(%dma_start3A_119 : memref<8192xf32, #tpu.memory_space<hbm>>) target_semaphore(%run_scoped3A : memref<!tpu.dma_semaphore, #tpu.memory_space<semaphore_mem>>)
      %dma_wait3A_122 = arith.constant 0 : i32
      %dma_wait3A_123 = tpu.memref_slice %arg5[%dma_wait3A_122] : memref<16384xf32, #tpu.memory_space<vmem>> -> memref<8192xf32, #tpu.memory_space<vmem>>
      %dma_wait3A_124 = tpu.memref_slice %arg3[%mul3A_103] : memref<262144xf32, #tpu.memory_space<hbm>> -> memref<8192xf32, #tpu.memory_space<hbm>>
      %dma_wait3A_125 = tpu.memref_slice %arg3[%mul3A_103] : memref<262144xf32, #tpu.memory_space<hbm>> -> memref<8192xf32, #tpu.memory_space<hbm>>
      %dma_wait3A_126 = arith.constant 0 : i32
      %dma_wait3A_127 = tpu.memref_slice %arg5[%dma_wait3A_126] : memref<16384xf32, #tpu.memory_space<vmem>> -> memref<8192xf32, #tpu.memory_space<vmem>>
      tpu.wait_dma2 semaphore(%run_scoped3A : memref<!tpu.dma_semaphore, #tpu.memory_space<semaphore_mem>>) src(%dma_wait3A_127 : memref<8192xf32, #tpu.memory_space<vmem>>) dst(%dma_wait3A_125 : memref<8192xf32, #tpu.memory_space<hbm>>)
      tpu.yield
    }) : () -> ()
    return
  }
}

#map = affine_map<(d0, d1) -> (0, 0)>
#map1 = affine_map<(d0, d1) -> (0)>
module attributes {stable_mosaic.version = 14 : i64} {
  func.func @_gather_body(%arg0: i32, %arg1: i32, %arg2: memref<262144x64xf32, #tpu.memory_space<hbm>>, %arg3: memref<262144xi32, #tpu.memory_space<hbm>>, %arg4: memref<262144x64xf32, #tpu.memory_space<hbm>>, %arg5: memref<512xi32, #tpu.memory_space<vmem>>, %arg6: memref<512xi32, #tpu.memory_space<vmem>>, %arg7: memref<512x64xf32, #tpu.memory_space<vmem>>, %arg8: memref<512x64xf32, #tpu.memory_space<vmem>>, %arg9: memref<!tpu.dma_semaphore, #tpu.memory_space<semaphore_mem>>, %arg10: memref<!tpu.dma_semaphore, #tpu.memory_space<semaphore_mem>>) attributes {dimension_semantics = [#tpu.dimension_semantics<core_parallel>, #tpu.dimension_semantics<subcore_parallel>], iteration_bounds = array<i64: 2, 16>, scalar_prefetch = 0 : i64, scratch_operands = 6 : i64, tpu.core_type = #tpu.core_type<sc_vector_subcore>, window_params = [{transform_indices = #map}, {transform_indices = #map1}, {transform_indices = #map}]} {
    %mul3A = arith.constant 16 : i32
    %mul3A_0 = arith.muli %arg0, %mul3A : i32
    %add3A = arith.addi %mul3A_0, %arg1 : i32
    %mul3A_1 = arith.constant 8192 : i32
    %mul3A_2 = arith.muli %add3A, %mul3A_1 : i32
    %add3A_3 = arith.constant 0 : i32
    %add3A_4 = arith.addi %mul3A_2, %add3A_3 : i32
    "tpu.region"() ({
      %run_scoped3A = tpu.sem_alloc : memref<!tpu.dma_semaphore, #tpu.memory_space<semaphore_mem>>
      %dma_start3A_15 = tpu.memref_slice %arg3[%add3A_4] : memref<262144xi32, #tpu.memory_space<hbm>> -> memref<512xi32, #tpu.memory_space<hbm>>
      %dma_start3A_16 = tpu.memref_slice %arg3[%add3A_4] : memref<262144xi32, #tpu.memory_space<hbm>> -> memref<512xi32, #tpu.memory_space<hbm>>
      tpu.enqueue_dma source(%dma_start3A_16 : memref<512xi32, #tpu.memory_space<hbm>>) target(%arg5 : memref<512xi32, #tpu.memory_space<vmem>>) target_semaphore(%run_scoped3A : memref<!tpu.dma_semaphore, #tpu.memory_space<semaphore_mem>>)
      %dma_wait3A_17 = tpu.memref_slice %arg3[%add3A_4] : memref<262144xi32, #tpu.memory_space<hbm>> -> memref<512xi32, #tpu.memory_space<hbm>>
      %dma_wait3A_18 = tpu.memref_slice %arg3[%add3A_4] : memref<262144xi32, #tpu.memory_space<hbm>> -> memref<512xi32, #tpu.memory_space<hbm>>
      tpu.wait_dma2 semaphore(%run_scoped3A : memref<!tpu.dma_semaphore, #tpu.memory_space<semaphore_mem>>) src(%dma_wait3A_18 : memref<512xi32, #tpu.memory_space<hbm>>) dst(%arg5 : memref<512xi32, #tpu.memory_space<vmem>>)
      tpu.yield
    }) : () -> ()
    %dma_start3A = arith.constant 0 : i32
    %dma_start3A_5 = arith.constant 0 : i32
    %dma_start3A_6 = tpu.memref_slice %arg2[%dma_start3A, %dma_start3A_5] : memref<262144x64xf32, #tpu.memory_space<hbm>> -> memref<262144x64xf32, #tpu.memory_space<hbm>>
    tpu.enqueue_indirect_dma source(%dma_start3A_6 : memref<262144x64xf32, #tpu.memory_space<hbm>>) target(%arg7 : memref<512x64xf32, #tpu.memory_space<vmem>>) offsets(%arg5 : memref<512xi32, #tpu.memory_space<vmem>>) semaphore(%arg9 : memref<!tpu.dma_semaphore, #tpu.memory_space<semaphore_mem>>)
    %scan3A = arith.constant 0 : i32
    %scan3A_7 = arith.constant 0 : i32
    %scan3A_8 = arith.constant 8 : i32
    %scan3A_9 = arith.addi %scan3A_7, %scan3A_8 : i32
    %scan3A_10 = arith.constant 1 : i32
    %scan3A_11 = scf.for %scan3A_15 = %scan3A_7 to %scan3A_9 step %scan3A_10 iter_args(%scan3A_16 = %scan3A) -> (i32)  : i32 {
      %mul3A_17 = arith.constant 2 : i32
      %mul3A_18 = arith.muli %scan3A_15, %mul3A_17 : i32
      %add3A_19 = arith.constant 0 : i32
      %add3A_20 = arith.addi %mul3A_18, %add3A_19 : i32
      %add3A_21 = arith.constant 1 : i32
      %add3A_22 = arith.addi %add3A_20, %add3A_21 : i32
      %min3A = arith.constant 15 : i32
      %min3A_23 = arith.minsi %add3A_22, %min3A : i32
      %mul3A_24 = arith.constant 512 : i32
      %mul3A_25 = arith.muli %min3A_23, %mul3A_24 : i32
      %add3A_26 = arith.addi %mul3A_2, %mul3A_25 : i32
      "tpu.region"() ({
        %run_scoped3A = tpu.sem_alloc : memref<!tpu.dma_semaphore, #tpu.memory_space<semaphore_mem>>
        %dma_start3A_57 = tpu.memref_slice %arg3[%add3A_26] : memref<262144xi32, #tpu.memory_space<hbm>> -> memref<512xi32, #tpu.memory_space<hbm>>
        %dma_start3A_58 = tpu.memref_slice %arg3[%add3A_26] : memref<262144xi32, #tpu.memory_space<hbm>> -> memref<512xi32, #tpu.memory_space<hbm>>
        tpu.enqueue_dma source(%dma_start3A_58 : memref<512xi32, #tpu.memory_space<hbm>>) target(%arg6 : memref<512xi32, #tpu.memory_space<vmem>>) target_semaphore(%run_scoped3A : memref<!tpu.dma_semaphore, #tpu.memory_space<semaphore_mem>>)
        %dma_wait3A_59 = tpu.memref_slice %arg3[%add3A_26] : memref<262144xi32, #tpu.memory_space<hbm>> -> memref<512xi32, #tpu.memory_space<hbm>>
        %dma_wait3A_60 = tpu.memref_slice %arg3[%add3A_26] : memref<262144xi32, #tpu.memory_space<hbm>> -> memref<512xi32, #tpu.memory_space<hbm>>
        tpu.wait_dma2 semaphore(%run_scoped3A : memref<!tpu.dma_semaphore, #tpu.memory_space<semaphore_mem>>) src(%dma_wait3A_60 : memref<512xi32, #tpu.memory_space<hbm>>) dst(%arg6 : memref<512xi32, #tpu.memory_space<vmem>>)
        tpu.yield
      }) : () -> ()
      %dma_start3A_27 = arith.constant 0 : i32
      %dma_start3A_28 = arith.constant 0 : i32
      %dma_start3A_29 = tpu.memref_slice %arg2[%dma_start3A_27, %dma_start3A_28] : memref<262144x64xf32, #tpu.memory_space<hbm>> -> memref<262144x64xf32, #tpu.memory_space<hbm>>
      tpu.enqueue_indirect_dma source(%dma_start3A_29 : memref<262144x64xf32, #tpu.memory_space<hbm>>) target(%arg8 : memref<512x64xf32, #tpu.memory_space<vmem>>) offsets(%arg6 : memref<512xi32, #tpu.memory_space<vmem>>) semaphore(%arg10 : memref<!tpu.dma_semaphore, #tpu.memory_space<semaphore_mem>>)
      %dma_wait3A_30 = arith.constant 0 : i32
      %dma_wait3A_31 = arith.constant 0 : i32
      %dma_wait3A_32 = tpu.memref_slice %arg2[%dma_wait3A_30, %dma_wait3A_31] : memref<262144x64xf32, #tpu.memory_space<hbm>> -> memref<262144x64xf32, #tpu.memory_space<hbm>>
      tpu.wait_indirect_dma semaphore(%arg9 : memref<!tpu.dma_semaphore, #tpu.memory_space<semaphore_mem>>) src(%dma_wait3A_32 : memref<262144x64xf32, #tpu.memory_space<hbm>>) dst(%arg7 : memref<512x64xf32, #tpu.memory_space<vmem>>)
      %mul3A_33 = arith.constant 512 : i32
      %mul3A_34 = arith.muli %add3A_20, %mul3A_33 : i32
      %add3A_35 = arith.addi %mul3A_2, %mul3A_34 : i32
      "tpu.region"() ({
        %run_scoped3A = tpu.sem_alloc : memref<!tpu.dma_semaphore, #tpu.memory_space<semaphore_mem>>
        %dma_start3A_57 = arith.constant 0 : i32
        %dma_start3A_58 = tpu.memref_slice %arg4[%add3A_35, %dma_start3A_57] : memref<262144x64xf32, #tpu.memory_space<hbm>> -> memref<512x64xf32, #tpu.memory_space<hbm>>
        %dma_start3A_59 = arith.constant 0 : i32
        %dma_start3A_60 = tpu.memref_slice %arg4[%add3A_35, %dma_start3A_59] : memref<262144x64xf32, #tpu.memory_space<hbm>> -> memref<512x64xf32, #tpu.memory_space<hbm>>
        tpu.enqueue_dma source(%arg7 : memref<512x64xf32, #tpu.memory_space<vmem>>) target(%dma_start3A_60 : memref<512x64xf32, #tpu.memory_space<hbm>>) target_semaphore(%run_scoped3A : memref<!tpu.dma_semaphore, #tpu.memory_space<semaphore_mem>>)
        %dma_wait3A_61 = arith.constant 0 : i32
        %dma_wait3A_62 = tpu.memref_slice %arg4[%add3A_35, %dma_wait3A_61] : memref<262144x64xf32, #tpu.memory_space<hbm>> -> memref<512x64xf32, #tpu.memory_space<hbm>>
        %dma_wait3A_63 = arith.constant 0 : i32
        %dma_wait3A_64 = tpu.memref_slice %arg4[%add3A_35, %dma_wait3A_63] : memref<262144x64xf32, #tpu.memory_space<hbm>> -> memref<512x64xf32, #tpu.memory_space<hbm>>
        tpu.wait_dma2 semaphore(%run_scoped3A : memref<!tpu.dma_semaphore, #tpu.memory_space<semaphore_mem>>) src(%arg7 : memref<512x64xf32, #tpu.memory_space<vmem>>) dst(%dma_wait3A_64 : memref<512x64xf32, #tpu.memory_space<hbm>>)
        tpu.yield
      }) : () -> ()
      %mul3A_36 = arith.constant 2 : i32
      %mul3A_37 = arith.muli %scan3A_15, %mul3A_36 : i32
      %add3A_38 = arith.constant 1 : i32
      %add3A_39 = arith.addi %mul3A_37, %add3A_38 : i32
      %add3A_40 = arith.constant 1 : i32
      %add3A_41 = arith.addi %add3A_39, %add3A_40 : i32
      %min3A_42 = arith.constant 15 : i32
      %min3A_43 = arith.minsi %add3A_41, %min3A_42 : i32
      %mul3A_44 = arith.constant 512 : i32
      %mul3A_45 = arith.muli %min3A_43, %mul3A_44 : i32
      %add3A_46 = arith.addi %mul3A_2, %mul3A_45 : i32
      "tpu.region"() ({
        %run_scoped3A = tpu.sem_alloc : memref<!tpu.dma_semaphore, #tpu.memory_space<semaphore_mem>>
        %dma_start3A_57 = tpu.memref_slice %arg3[%add3A_46] : memref<262144xi32, #tpu.memory_space<hbm>> -> memref<512xi32, #tpu.memory_space<hbm>>
        %dma_start3A_58 = tpu.memref_slice %arg3[%add3A_46] : memref<262144xi32, #tpu.memory_space<hbm>> -> memref<512xi32, #tpu.memory_space<hbm>>
        tpu.enqueue_dma source(%dma_start3A_58 : memref<512xi32, #tpu.memory_space<hbm>>) target(%arg5 : memref<512xi32, #tpu.memory_space<vmem>>) target_semaphore(%run_scoped3A : memref<!tpu.dma_semaphore, #tpu.memory_space<semaphore_mem>>)
        %dma_wait3A_59 = tpu.memref_slice %arg3[%add3A_46] : memref<262144xi32, #tpu.memory_space<hbm>> -> memref<512xi32, #tpu.memory_space<hbm>>
        %dma_wait3A_60 = tpu.memref_slice %arg3[%add3A_46] : memref<262144xi32, #tpu.memory_space<hbm>> -> memref<512xi32, #tpu.memory_space<hbm>>
        tpu.wait_dma2 semaphore(%run_scoped3A : memref<!tpu.dma_semaphore, #tpu.memory_space<semaphore_mem>>) src(%dma_wait3A_60 : memref<512xi32, #tpu.memory_space<hbm>>) dst(%arg5 : memref<512xi32, #tpu.memory_space<vmem>>)
        tpu.yield
      }) : () -> ()
      %dma_start3A_47 = arith.constant 0 : i32
      %dma_start3A_48 = arith.constant 0 : i32
      %dma_start3A_49 = tpu.memref_slice %arg2[%dma_start3A_47, %dma_start3A_48] : memref<262144x64xf32, #tpu.memory_space<hbm>> -> memref<262144x64xf32, #tpu.memory_space<hbm>>
      tpu.enqueue_indirect_dma source(%dma_start3A_49 : memref<262144x64xf32, #tpu.memory_space<hbm>>) target(%arg7 : memref<512x64xf32, #tpu.memory_space<vmem>>) offsets(%arg5 : memref<512xi32, #tpu.memory_space<vmem>>) semaphore(%arg9 : memref<!tpu.dma_semaphore, #tpu.memory_space<semaphore_mem>>)
      %dma_wait3A_50 = arith.constant 0 : i32
      %dma_wait3A_51 = arith.constant 0 : i32
      %dma_wait3A_52 = tpu.memref_slice %arg2[%dma_wait3A_50, %dma_wait3A_51] : memref<262144x64xf32, #tpu.memory_space<hbm>> -> memref<262144x64xf32, #tpu.memory_space<hbm>>
      tpu.wait_indirect_dma semaphore(%arg10 : memref<!tpu.dma_semaphore, #tpu.memory_space<semaphore_mem>>) src(%dma_wait3A_52 : memref<262144x64xf32, #tpu.memory_space<hbm>>) dst(%arg8 : memref<512x64xf32, #tpu.memory_space<vmem>>)
      %mul3A_53 = arith.constant 512 : i32
      %mul3A_54 = arith.muli %add3A_39, %mul3A_53 : i32
      %add3A_55 = arith.addi %mul3A_2, %mul3A_54 : i32
      "tpu.region"() ({
        %run_scoped3A = tpu.sem_alloc : memref<!tpu.dma_semaphore, #tpu.memory_space<semaphore_mem>>
        %dma_start3A_57 = arith.constant 0 : i32
        %dma_start3A_58 = tpu.memref_slice %arg4[%add3A_55, %dma_start3A_57] : memref<262144x64xf32, #tpu.memory_space<hbm>> -> memref<512x64xf32, #tpu.memory_space<hbm>>
        %dma_start3A_59 = arith.constant 0 : i32
        %dma_start3A_60 = tpu.memref_slice %arg4[%add3A_55, %dma_start3A_59] : memref<262144x64xf32, #tpu.memory_space<hbm>> -> memref<512x64xf32, #tpu.memory_space<hbm>>
        tpu.enqueue_dma source(%arg8 : memref<512x64xf32, #tpu.memory_space<vmem>>) target(%dma_start3A_60 : memref<512x64xf32, #tpu.memory_space<hbm>>) target_semaphore(%run_scoped3A : memref<!tpu.dma_semaphore, #tpu.memory_space<semaphore_mem>>)
        %dma_wait3A_61 = arith.constant 0 : i32
        %dma_wait3A_62 = tpu.memref_slice %arg4[%add3A_55, %dma_wait3A_61] : memref<262144x64xf32, #tpu.memory_space<hbm>> -> memref<512x64xf32, #tpu.memory_space<hbm>>
        %dma_wait3A_63 = arith.constant 0 : i32
        %dma_wait3A_64 = tpu.memref_slice %arg4[%add3A_55, %dma_wait3A_63] : memref<262144x64xf32, #tpu.memory_space<hbm>> -> memref<512x64xf32, #tpu.memory_space<hbm>>
        tpu.wait_dma2 semaphore(%run_scoped3A : memref<!tpu.dma_semaphore, #tpu.memory_space<semaphore_mem>>) src(%arg8 : memref<512x64xf32, #tpu.memory_space<vmem>>) dst(%dma_wait3A_64 : memref<512x64xf32, #tpu.memory_space<hbm>>)
        tpu.yield
      }) : () -> ()
      %scan3A_56 = arith.constant 0 : i32
      scf.yield %scan3A_56 : i32
    }
    %scan3A_12 = arith.constant 8 : i32
    %dma_wait3A = arith.constant 0 : i32
    %dma_wait3A_13 = arith.constant 0 : i32
    %dma_wait3A_14 = tpu.memref_slice %arg2[%dma_wait3A, %dma_wait3A_13] : memref<262144x64xf32, #tpu.memory_space<hbm>> -> memref<262144x64xf32, #tpu.memory_space<hbm>>
    tpu.wait_indirect_dma semaphore(%arg9 : memref<!tpu.dma_semaphore, #tpu.memory_space<semaphore_mem>>) src(%dma_wait3A_14 : memref<262144x64xf32, #tpu.memory_space<hbm>>) dst(%arg7 : memref<512x64xf32, #tpu.memory_space<vmem>>)
    return
  }
}

</mosaic_0001>

<sc_bundles>
// kernel: _sorter.4.cloned.1.call-start
scs
__scs_entry_jumppad:
0x0: {  	(pc) =	sbr.rel $0x88, $3  }
0x1: {  	(tag) =	ssettag $0x0;
	lr =	simm.s32 $0x1  }
0x2: {  	[smem:$0x3F9F] =	sst lr;
	_ =	strace $0xD0000000  }
0x3: {  	_ = 	snop  }
0x4: {  	_ = 	snop  }
0x5: {  	_ = 	snop  }
0x6: {  	_ = 	snop  }
0x7: {  	_ = 	snop  }
__scs_overlays_trampoline_lowered:
0x8: {  	[smem:$0x3FAE] =	sst s0  }
0x9: {  	[smem:$0x3FAF] =	sst s1  }
0xa: {  	[smem:$0x3FB0] =	sst s2  }
0xb: {  	[smem:$0x3FB1] =	sst s3  }
0xc: {  	[smem:$0x3FB2] =	sst s4  }
0xd: {  	[smem:$0x3FB3] =	sst s5  }
0xe: {  	[smem:$0x3FB4] =	sst s6  }
0xf: {  	[smem:$0x3FB5] =	sst s7  }
0x10: {  	[smem:$0x3FB6] =	sst s8  }
0x11: {  	[smem:$0x3FB7] =	sst s9;
	s0 =	simm.s32 @!p0 $0x0  }
0x12: {  	s1 =	sld [smem:$0x3F9D];
	s0 =	simm.s32 @p0 $0x1  }
0x13: {  	[smem:$0x3FB8] =	sst s0;
	s0 =	simm.s32 @!p1 $0x0  }
0x14: {  	s2 =	sld [smem:$0x3F9C];
	s0 =	simm.s32 @p1 $0x1  }
0x15: {  	[smem:$0x3FB9] =	sst s0;
	s0 =	simm.s32 @!p2 $0x0  }
0x16: {  	s3 =	sld [smem:$0x3FDB];
	s0 =	simm.s32 @p2 $0x1  }
0x17: {  	s4 =	simm.s32 $0x1BF5;
	[smem:$0x3FBB] =	sst s0  }
0x18: {  	s0 =	sld [smem:$0x3F9E];
	_ =	swait.ge [sflag:s4], $0x0  }
0x19: {  	s7 =	sld [smem:$0x3F9F]  }
0x1a: {  	s8 =	sadd.s32 $0xFFFFE003, lr  }
0x1b: {  	s9 =	sadd.s32 $0xFFFFFEF7, lr;
	s5 =	simm.s32 $0xFFFFFFFF;
	p2 =	slt.u32 s8, $0xFFFFF086  }
0x1c: {  	p1 =	slt.u32 s9, $0xF7A;
	s5 =	simm.s32 @!p2 $0x0  }
0x1d: {  	s5 =	simm.s32 @p1 $0x1;
	p0 =	seq.s32 s7, s2  }
0x1e: {  	s7 =	smul.u32 @!p0 $0xF7A, s2;
	p2 =	seq.s32 @!p0 s5, $0x0  }
0x1f: {  	s9 =	smul.u32 $0xF7A, s1;
	s8 =	simm.s32 @!p0 $0x1BF5;
	p2 =	por !p2, p0  }
0x20: {  	[sflag:s8] =	ssyncset.s32 @!p0 $0xFFFFF086;
	s6 =	sadd.s32 @!p0 s3, s7;
	s7 =	simm.s32 @!p0 $0x108  }
0x21: {  	s3 =	sadd.s32 s3, s9;
	s6 =	sadd.s32 @!p0 $0x88, s6;
	s7 =	simm.s32 @p2 $0x1082  }
0x22: {  	[simem:s7], [sflag:s8] =	dma.local @!p0 [hbm:s6], $0xF7A  }
0x23: {  	s9 =	sor.u32 $0xD0000000, s2;
	s6 =	simm.s32 $0x108;
	_ =	swait.ge @!p0 [sflag:s8], $0x0  }
0x24: {  	s3 =	sadd.s32 $0x88, s3;
	s6 =	simm.s32 @!p1 $0x1082;
	[sflag:s4] =	ssyncset.s32 $0xFFFFF086  }
0x25: {  	[simem:s6], [sflag:s4] =	dma.local [hbm:s3], $0xF7A  }
0x26: {  	[smem:$0x3F9F] =	sst s1;
	(tag) =	ssettag s2;
	_ =	strace s9  }
0x27: {  	s1 =	sld [smem:$0x3FAF]  }
0x28: {  	s2 =	sld [smem:$0x3FB0]  }
0x29: {  	s4 =	sld [smem:$0x3FB2]  }
0x2a: {  	p0 =	seq.s32 s5, $0x0;
	s5 =	sld [smem:$0x3FB3]  }
0x2b: {  	s6 =	sld [smem:$0x3FB4]  }
0x2c: {  	s7 =	sld [smem:$0x3FB5]  }
0x2d: {  	s3 =	simm.s32 $0x108;
	s8 =	sld [smem:$0x3FB6]  }
0x2e: {  	s3 =	simm.s32 @!p0 $0x1082;
	s9 =	sld [smem:$0x3FB7]  }
0x2f: {  	lr =	sadd.s32 s0, s3;
	s0 =	sld [smem:$0x3FAE]  }
0x30: {  	s3 =	sld [smem:$0x3FB1]  }
0x31: {  	[smem:$0x3FBA] =	sst s10  }
0x32: {  	s10 =	sld [smem:$0x3FB8];
	_ =	sdelay $0x3  }
0x33: {  	p0 =	seq.s32 s10, $0x1;
	s10 =	sld [smem:$0x3FBA];
	_ =	sdelay $0x3  }
0x34: {  	[smem:$0x3FBA] =	sst s10  }
0x35: {  	s10 =	sld [smem:$0x3FB9];
	_ =	sdelay $0x3  }
0x36: {  	p1 =	seq.s32 s10, $0x1;
	s10 =	sld [smem:$0x3FBA];
	_ =	sdelay $0x3  }
0x37: {  	[smem:$0x3FBA] =	sst s10  }
0x38: {  	s10 =	sld [smem:$0x3FBB]  }
0x39: {  	_ = 	snop;
	(pc) =	sbr.ind lr, $3  }
0x3a: {  	_ = 	snop  }
0x3b: {  	_ = 	snop  }
0x3c: {  	p2 =	seq.s32 s10, $0x1;
	s10 =	sld [smem:$0x3FBA]  }
0x3d: {  	_ =	shalt  }
0x3e: {  	_ =	shalt  }
0x3f: {  	_ =	shalt  }
0x40: {  	_ =	shalt  }
0x41: {  	_ =	shalt  }
0x42: {  	_ =	shalt  }
0x43: {  	_ =	shalt  }
0x44: {  	_ =	shalt  }
0x45: {  	_ =	shalt  }
0x46: {  	_ =	shalt  }
0x47: {  	_ =	shalt  }
0x48: {  	_ =	shalt  }
0x49: {  	_ =	shalt  }
0x4a: {  	_ =	shalt  }
0x4b: {  	_ =	shalt  }
0x4c: {  	_ =	shalt  }
0x4d: {  	_ =	shalt  }
0x4e: {  	_ =	shalt  }
0x4f: {  	_ =	shalt  }
0x50: {  	_ =	shalt  }
0x51: {  	_ =	shalt  }
0x52: {  	_ =	shalt  }
0x53: {  	_ =	shalt  }
0x54: {  	_ =	shalt  }
0x55: {  	_ =	shalt  }
0x56: {  	_ =	shalt  }
0x57: {  	_ =	shalt  }
0x58: {  	_ =	shalt  }
0x59: {  	_ =	shalt  }
0x5a: {  	_ =	shalt  }
0x5b: {  	_ =	shalt  }
0x5c: {  	_ =	shalt  }
0x5d: {  	_ =	shalt  }
0x5e: {  	_ =	shalt  }
0x5f: {  	_ =	shalt  }
0x60: {  	_ =	shalt  }
0x61: {  	_ =	shalt  }
0x62: {  	_ =	shalt  }
0x63: {  	_ =	shalt  }
0x64: {  	_ =	shalt  }
0x65: {  	_ =	shalt  }
0x66: {  	_ =	shalt  }
0x67: {  	_ =	shalt  }
0x68: {  	_ =	shalt  }
0x69: {  	_ =	shalt  }
0x6a: {  	_ =	shalt  }
0x6b: {  	_ =	shalt  }
0x6c: {  	_ =	shalt  }
0x6d: {  	_ =	shalt  }
0x6e: {  	_ =	shalt  }
0x6f: {  	_ =	shalt  }
0x70: {  	_ =	shalt  }
0x71: {  	_ =	shalt  }
0x72: {  	_ =	shalt  }
0x73: {  	_ =	shalt  }
0x74: {  	_ =	shalt  }
0x75: {  	_ =	shalt  }
0x76: {  	_ =	shalt  }
0x77: {  	_ =	shalt  }
0x78: {  	_ =	shalt  }
0x79: {  	_ =	shalt  }
0x7a: {  	_ =	shalt  }
0x7b: {  	_ =	shalt  }
0x7c: {  	_ =	shalt  }
0x7d: {  	_ =	shalt  }
0x7e: {  	_ =	shalt  }
0x7f: {  	_ =	shalt  }
0x80: {  	_ =	shalt  }
0x81: {  	_ =	shalt  }
0x82: {  	_ =	shalt  }
0x83: {  	_ =	shalt  }
0x84: {  	_ =	shalt  }
0x85: {  	_ =	shalt  }
0x86: {  	_ =	shalt  }
0x87: {  	_ =	shalt  }
.Lfunc_end0:
.L_simem_size_0:
called_computation.1_lowered:
.L_overlay_start_0:
0x88: {  	s2 =	sld [smem:$0x3FD9]  }
0x89: {  	s3 =	sld [smem:$0x3FFE];
	_ =	sdelay $0x1  }
0x8a: {  	s1 =	srdreg.scid  }
0x8b: {  	s0 =	sand.u32 $0x1, s1  }
0x8c: {  	s14 =	sshll.u32 s0, $0xA;
	s2 =	sadd.s32 s3, s2  }
0x8d: {  	s2 =	sadd.s32 s2, s14  }
0x8e: {  	[smem:$0x3FC6] =	sst s2  }
0x8f: {  	_ = 	snop  }
0x90: {  	s2 =	sld [smem:$0x3FD0];
	_ =	sdelay $0x2  }
0x91: {  	s4 =	simm.s32 $0xA;
	s5 =	simm.s32 $0x10;
	s15 =	sld [smem:$0x3FC9]  }
0x92: {  	[smem:s5], [sflag:s4] =	dma.local [hbm:s2], $0x1  }
0x93: {  	_ =	swait.eq [sflag:s4], $0x1  }
0x94: {  	[sflag:s4] =	ssyncset.done $0x0  }
0x95: {  	[sflag:s4] =	ssyncadd.s32 $0xFFFFFFFF  }
0x96: {  	s16 =	sld [smem:$0x10];
	(tm) =	ssettm $0x1  }
0x97: {  	s17 =	sld [smem:$0x3FFB];
	_ =	sdelay $0x3  }
0x98: {  	_ =	strace s17  }
0x99: {  	s4 =	sld [smem:$0x3FFC];
	_ =	sdelay $0x3  }
0x9a: {  	_ =	strace s4  }
0x9b: {  	s4 =	sld [smem:$0x3FFD];
	_ =	sdelay $0x3  }
0x9c: {  	_ =	strace s4  }
0x9d: {  	_ =	strace $0x8FFFFFFF  }
0x9e: {  	s18 =	sld [smem:$0x3FDB];
	_ =	sdelay $0x1  }
0x9f: {  	s19 =	simm.s32 $_scs_section_size  }
0xa0: {  	s6 =	simm.s32 $_size__tile_overlayer_lowered;
	s7 =	simm.s32 $_tile_overlayer_lowered  }
0xa1: {  	s22 =	simm.s32 $0x1BFF;
	s21 =	sshll.u32 s7, $0x1;
	s4 =	sadd.s32 s19, s18  }
0xa2: {  	s8 =	simm.s32 $0x0;
	s20 =	sshll.u32 s6, $0x1;
	s6 =	sadd.s32 s21, s4  }
0xa3: {  	[timem:s8], [sflag:s22] =	dma.local [hbm:s6], s20  }
0xa4: {  	_ =	swait.ge [sflag:s22], s20  }
0xa5: {  	s5 =	ssub.s32 $0x0, s20;
	[sflag:s22] =	ssyncset.done $0x0  }
0xa6: {  	[sflag:s22] =	ssyncadd.s32 s5;
	_ =	sdelay $0x1  }
0xa7: {  	s23 =	simm.s32 $0x1B8B  }
0xa8: {  	_ =	swait.ge [sflag:s23], $0x1  }
0xa9: {  	[sflag:s23] =	ssyncset.done $0x0  }
0xaa: {  	s25 =	simm.s32 $0x1B8E;
	s24 =	sld [smem:$0x3FFE];
	[sflag:s23] =	ssyncadd.s32 $0xFFFFFFFF  }
0xab: {  	s26 =	simm.s32 $execute0_lowered;
	[smem:$0x3FD2] =	sst s25  }
0xac: {  	s6 =	sshll.u32 s26, $0x1;
	_ =	strace $0x80000046;
	[dreg:$0x1] =	wrdreg $0xFFFFFFFF  }
0xad: {  	s28 =	simm.s32 $_size_execute0_lowered;
	s4 =	sadd.s32 s4, s6;
	[dreg:$0x0] =	wrdreg $0x0  }
0xae: {  	s6 =	sshll.u32 s28, $0x1;
	[dreg:$0x2] =	wrdreg s4  }
0xaf: {  	[dreg:$0x3] =	wrdreg s6  }
0xb0: {  	[dreg:$0x4] =	wrdreg $0xC0  }
0xb1: {  	_ =	task [dreg:s8], $0x5FFFF  }
0xb2: {  	[dreg:$0x1] =	wrdreg $0xFFFFFFFF  }
0xb3: {  	[dreg:$0x0] =	wrdreg $0x60  }
0xb4: {  	[dreg:$0x2] =	wrdreg s15  }
0xb5: {  	[dreg:$0x3] =	wrdreg s16  }
0xb6: {  	[dreg:$0x4] =	wrdreg s24  }
0xb7: {  	[dreg:$0x5] =	wrdreg $0x180000  }
0xb8: {  	[dreg:$0x6] =	wrdreg $0x190000  }
0xb9: {  	[dreg:$0x7] =	wrdreg $0x9  }
0xba: {  	_ =	task.clear_ibuf [dreg:s8], $0x8FFFF;
	_ =	strace $0x90000046  }
0xbb: {  	s29 =	simm.s32 $0x9;
	_ =	strace $0x80000048  }
0xbc: {  	_ =	swait.ge [sflag:s29], $0x1  }
0xbd: {  	[sflag:s29] =	ssyncadd.s32 $0xFFFFFFFF  }
0xbe: {  	_ =	strace $0x90000048  }
0xbf: {  	_ =	sfence  }
0xc0: {  	s30 =	sld [smem:$0x0];
	_ =	sdelay $0x2  }
0xc1: {  	s31 =	sshll.u32 s1, $0xD;
	s1 =	sshrl.u32 s1, $0x2  }
0xc2: {  	s3 =	sand.u32 $0x4000, s31;
	s1 =	sadd.s32 s1, s30  }
0xc3: {  	s0 =	sor.u32 s3, s0;
	s1 =	sshll.u32 s1, $0x11  }
0xc4: {  	s0 =	sor.u32 s1, s0  }
0xc5: {  	s0 =	sadd.s32 $0x8F2B, s0  }
0xc6: {  	[sflag:s0] =	ssyncadd.remote.s32 $0x1  }
0xc7: {  	_ =	sfence.sel $0xFFFF  }
0xc8: {  	[dreg:$0x0] =	wrdreg $0xFFFFFFFF;
	(pc) =	sbr.abs _section_cstart, $3  }
0xc9: {  	[dreg:$0x1] =	wrdreg $0xFFFFFFFF  }
0xca: {  	_ =	task.clear_ibuf [dreg:s8], $0x2FFFF;
	_ =	strace $0x9FFFFFFF  }
0xcb: {  	(tm) =	ssettm $0x7FFFFFFF  }
tec
execute0_lowered:
.L_overlay_start_1:
0x0: {  	(tag) =	ssettag $0x1  }
0x1: {  	s0 =	rddreg [dreg:$0x0]  }
0x2: {  	s15 =	rddreg [dreg:$0x1]  }
0x3: {  	s5 =	rddreg [dreg:$0x2];
	s2 =	srdreg.scid  }
0x4: {  	s1 =	rddreg [dreg:$0x3];
	s6 =	stileid.u32  }
0x5: {  	s3 =	rddreg [dreg:$0x4];
	s4 =	simm.s32 $0x0;
	s10 =	simm.s32 $0x1  }
0x6: {  	s11 =	simm.s32 $0x1;
	s12 =	simm.s32 $0x1;
	s18 =	simm.s32 $0x1  }
0x7: {  	s19 =	simm.s32 $0x1;
	s20 =	simm.s32 $0x1;
	s21 =	simm.s32 $0x1  }
0x8: {  	s22 =	simm.s32 $0x1;
	s23 =	simm.s32 $0x1;
	s24 =	simm.s32 $0x1  }
0x9: {  	s25 =	simm.s32 $0x1;
	s26 =	simm.s32 $0x1;
	s7 =	sand.u32 $0x1, s2  }
0xa: {  	s8 =	sshll.u32 s6, $0xD;
	[smem:$0x7FF] =	sst s4;
	p0 =	sgt.u32 s6, $0x1  }
0xb: {  	s29 =	sshll.u32 s6, $0xB;
	p1 =	sgt.u32 s6, $0x3;
	s9 =	sshll.u32 s7, $0x11  }
0xc: {  	s7 =	ssub.s32 $0x2, s7;
	_ =	strace $0x80000047;
	s11 =	simm.s32 @!p1 $0x0  }
0xd: {  	p1 =	sgt.u32 s6, $0x5;
	s31 =	sshrl.u32 s8, $0x2;
	s13 =	sor.u32 s8, s9  }
0xe: {  	s28 =	sshrl.u32 s7, $0x1;
	s9 =	simm.s32 $0x1;
	s18 =	simm.s32 @!p1 $0x0  }
0xf: {  	p1 =	sgt.u32 s6, $0x7;
	s8 =	simm.s32 $0x1;
	s16 =	sshrl.u32 s13, $0x3  }
0x10: {  	s17 =	ssub.s32 s7, s28;
	s9 =	simm.s32 @!p0 $0x0;
	p0 =	sgt.u32 s6, $0x2  }
0x11: {  	s20 =	simm.s32 @!p1 $0x0;
	p1 =	sgt.u32 s6, $0x9;
	s28 =	simm.s32 $0x1  }
0x12: {  	v5 =	vmov s18;
	s13 =	sadd.s32 s13, s3;
	s18 =	simm.s32 $0xC000;
	s14 =	sadd.s32 s16, s5  }
0x13: {  	s10 =	simm.s32 @!p0 $0x0;
	p0 =	sgt.u32 s6, $0x4;
	s22 =	simm.s32 @!p1 $0x0  }
0x14: {  	p1 =	sgt.u32 s6, $0xB;
	s5 =	sshll.u32 s6, $0xE;
	v1 =	vmov s9;
	s9 =	sadd.s32 $0x8000, s1  }
0x15: {  	s15 =	sadd.s32 s15, s16;
	s16 =	smax.u32 s17, $0x1;
	s17 =	simm.s32 $0x2  }
0x16: {  	v7 =	vmov s20;
	s20 =	simm.s32 $0xD000;
	s12 =	simm.s32 @!p0 $0x0;
	p0 =	sgt.u32 s6, $0x6  }
0x17: {  	s24 =	simm.s32 @!p1 $0x0;
	p1 =	sgt.u32 s6, $0xD;
	s30 =	sshrl.u32 s5, $0x2  }
0x18: {  	v3 =	vmov s11;
	v2 =	vmov s10;
	s10 =	sadd.s32 s31, s1;
	s11 =	sadd.s32 s5, s3;
	s14 =	sadd.s32 $0x1000, s14  }
0x19: {  	v9 =	vmov s22;
	s22 =	simm.s32 $0x4000;
	s19 =	simm.s32 @!p0 $0x0;
	p0 =	sgt.u32 s6, $0x8  }
0x1a: {  	s26 =	simm.s32 @!p1 $0x0;
	s21 =	simm.s32 @!p0 $0x0;
	p0 =	sgt.u32 s6, $0xA  }
0x1b: {  	p1 =	seq.s32 s6, $0xF;
	s23 =	simm.s32 @!p0 $0x0;
	p0 =	sgt.u32 s6, $0xC  }
0x1c: {  	v15 =	vimm.s32 $0x0;
	s7 =	sadd.s32 s30, s1;
	v4 =	vmov s12;
	s12 =	sadd.s32 $0x4000, s1;
	s25 =	simm.s32 @!p0 $0x0  }
0x1d: {  	v16 =	vlaneseq.u32;
	v11 =	vmov s24;
	v6 =	vmov s19;
	p0 =	sne.s32 s6, $0x0;
	s6 =	sadd.s32 s0, s29;
	s29 =	simm.s32 $0x1  }
0x1e: {  	s24 =	simm.s32 $0x0;
	v13 =	vmov s26;
	v8 =	vmov s21;
	v10 =	vmov s23;
	s28 =	simm.s32 @!p0 $0x0;
	s29 =	simm.s32 @!p1 $0x0  }
0x1f: {  	s19 =	simm.s32 $0x10000;
	s21 =	simm.s32 $0x8000;
	s23 =	simm.s32 $0x2000;
	v12 =	vmov s25;
	v0 =	vmov s28;
	v14 =	vmov s29  }
.LBB2_1:
0x20: {  	[tilespmem:s4], [sflag:$0x2] =	stream.linear.gather [hbm4b:s6+s4], $0x4000, $0x38;
	[tilespmem:$0x1D000] =	vst v63  }
0x21: {  	_ =	swait.ge [sflag:s17], $0x4000  }
0x22: {  	[sflag:s17] =	ssyncset.done $0x0  }
0x23: {  	s25 =	simm.s32 $0x0;
	[sflag:s17] =	ssyncadd.s32 $0xFFFFC000  }
.LBB2_2:
0x24: {  	p1 =	sne.s32 s25, $0x3FC0  }
.Ltmp0:
0x25: {  	_ = 	snop;
	(pc) =	sbr.rel @p1 .LBB2_2-.Ltmp0, $3  }
0x26: {  	_ =	sdelay $0x1  }
0x27: {  	s26 =	sshra.s32 s25, $0x2  }
0x28: {  	s25 =	sadd.s32 $0x40, s25;
	[tilespmem:s26+$0xC000] =	vst v15  }
0x29: {  	s25 =	simm.s32 $0x0  }
.LBB2_4:
0x2a: {  	s26 =	sshra.s32 s25, $0x2  }
0x2b: {  	v17 =	vld [tilespmem:s26+$0x0];
	_ =	sdelay $0x4  }
0x2c: {  	v17 =	vmul.f32 $8.388608000e+06, v17;
	_ =	sdelay $0x1  }
0x2d: {  	v17 =	vtrunc.f32 v17  }
0x2e: {  	v17 =	vcvt.f32.s32 v17;
	_ =	sdelay $0x1  }
0x2f: {  	v18 =	vand.u32 $0xFFF, v17  }
0x30: {  	(xrf1) =	vunique.msk.u32 $0xffff, v18;
	_ =	sdelay $0xd  }
0x31: {  	_, v19, vm0 =	vpop (xrf1);
	_ =	sdelay $0x4  }
0x32: {  	[tilespmem:s26+$0x0] =	vst v17  }
0x33: {  	[tilespmem:v18+s18+$0x0] =	vst.idx.add.s32.msk vm0, v19  }
0x34: {  	v17 =	vld [tilespmem:s26+$0x10];
	_ =	sdelay $0x4  }
0x35: {  	v17 =	vmul.f32 $8.388608000e+06, v17;
	_ =	sdelay $0x1  }
0x36: {  	v17 =	vtrunc.f32 v17  }
0x37: {  	v17 =	vcvt.f32.s32 v17;
	_ =	sdelay $0x1  }
0x38: {  	v18 =	vand.u32 $0xFFF, v17  }
0x39: {  	(xrf1) =	vunique.msk.u32 $0xffff, v18;
	_ =	sdelay $0xd  }
0x3a: {  	_, v19, vm0 =	vpop (xrf1);
	_ =	sdelay $0x4  }
0x3b: {  	[tilespmem:s26+$0x10] =	vst v17  }
0x3c: {  	[tilespmem:v18+s18+$0x0] =	vst.idx.add.s32.msk vm0, v19  }
0x3d: {  	v17 =	vld [tilespmem:s26+$0x20];
	_ =	sdelay $0x4  }
0x3e: {  	v17 =	vmul.f32 $8.388608000e+06, v17;
	_ =	sdelay $0x1  }
0x3f: {  	v17 =	vtrunc.f32 v17  }
0x40: {  	v17 =	vcvt.f32.s32 v17;
	_ =	sdelay $0x1  }
0x41: {  	v18 =	vand.u32 $0xFFF, v17  }
0x42: {  	(xrf1) =	vunique.msk.u32 $0xffff, v18;
	_ =	sdelay $0xd  }
0x43: {  	_, v19, vm0 =	vpop (xrf1);
	_ =	sdelay $0x4  }
0x44: {  	[tilespmem:s26+$0x20] =	vst v17  }
0x45: {  	[tilespmem:v18+s18+$0x0] =	vst.idx.add.s32.msk vm0, v19  }
0x46: {  	v17 =	vld [tilespmem:s26+$0x30];
	_ =	sdelay $0x4  }
0x47: {  	v17 =	vmul.f32 $8.388608000e+06, v17;
	_ =	sdelay $0x1  }
0x48: {  	v17 =	vtrunc.f32 v17  }
0x49: {  	v17 =	vcvt.f32.s32 v17;
	_ =	sdelay $0x1  }
0x4a: {  	v18 =	vand.u32 $0xFFF, v17  }
0x4b: {  	(xrf1) =	vunique.msk.u32 $0xffff, v18;
	_ =	sdelay $0xd  }
0x4c: {  	_, v19, vm0 =	vpop (xrf1);
	_ =	sdelay $0x4  }
0x4d: {  	[tilespmem:s26+$0x30] =	vst v17  }
0x4e: {  	[tilespmem:v18+s18+$0x0] =	vst.idx.add.s32.msk vm0, v19  }
0x4f: {  	v17 =	vld [tilespmem:s26+$0x40];
	_ =	sdelay $0x4  }
0x50: {  	v17 =	vmul.f32 $8.388608000e+06, v17;
	_ =	sdelay $0x1  }
0x51: {  	v17 =	vtrunc.f32 v17  }
0x52: {  	v17 =	vcvt.f32.s32 v17;
	_ =	sdelay $0x1  }
0x53: {  	v18 =	vand.u32 $0xFFF, v17  }
0x54: {  	(xrf1) =	vunique.msk.u32 $0xffff, v18;
	_ =	sdelay $0xd  }
0x55: {  	_, v19, vm0 =	vpop (xrf1);
	_ =	sdelay $0x4  }
0x56: {  	[tilespmem:s26+$0x40] =	vst v17  }
0x57: {  	[tilespmem:v18+s18+$0x0] =	vst.idx.add.s32.msk vm0, v19  }
0x58: {  	v17 =	vld [tilespmem:s26+$0x50];
	_ =	sdelay $0x4  }
0x59: {  	v17 =	vmul.f32 $8.388608000e+06, v17;
	_ =	sdelay $0x1  }
0x5a: {  	v17 =	vtrunc.f32 v17  }
0x5b: {  	v17 =	vcvt.f32.s32 v17;
	_ =	sdelay $0x1  }
0x5c: {  	v18 =	vand.u32 $0xFFF, v17  }
0x5d: {  	(xrf1) =	vunique.msk.u32 $0xffff, v18;
	_ =	sdelay $0xd  }
0x5e: {  	_, v19, vm0 =	vpop (xrf1);
	_ =	sdelay $0x4  }
0x5f: {  	[tilespmem:s26+$0x50] =	vst v17  }
0x60: {  	[tilespmem:v18+s18+$0x0] =	vst.idx.add.s32.msk vm0, v19  }
0x61: {  	v17 =	vld [tilespmem:s26+$0x60];
	_ =	sdelay $0x4  }
0x62: {  	v17 =	vmul.f32 $8.388608000e+06, v17;
	_ =	sdelay $0x1  }
0x63: {  	v17 =	vtrunc.f32 v17  }
0x64: {  	v17 =	vcvt.f32.s32 v17;
	_ =	sdelay $0x1  }
0x65: {  	v18 =	vand.u32 $0xFFF, v17  }
0x66: {  	(xrf1) =	vunique.msk.u32 $0xffff, v18;
	_ =	sdelay $0xd  }
0x67: {  	_, v19, vm0 =	vpop (xrf1);
	_ =	sdelay $0x4  }
0x68: {  	[tilespmem:s26+$0x60] =	vst v17  }
0x69: {  	[tilespmem:v18+s18+$0x0] =	vst.idx.add.s32.msk vm0, v19  }
0x6a: {  	v17 =	vld [tilespmem:s26+$0x70];
	_ =	sdelay $0x4  }
0x6b: {  	v17 =	vmul.f32 $8.388608000e+06, v17;
	_ =	sdelay $0x1  }
0x6c: {  	v17 =	vtrunc.f32 v17  }
0x6d: {  	v17 =	vcvt.f32.s32 v17;
	_ =	sdelay $0x1  }
0x6e: {  	v18 =	vand.u32 $0xFFF, v17  }
0x6f: {  	(xrf1) =	vunique.msk.u32 $0xffff, v18;
	_ =	sdelay $0xd  }
0x70: {  	_, v19, vm0 =	vpop (xrf1)  }
0x71: {  	p1 =	sne.s32 s25, $0xFE00  }
.Ltmp1:
0x72: {  	_ = 	snop;
	(pc) =	sbr.rel @p1 .LBB2_4-.Ltmp1, $3  }
0x73: {  	_ =	sdelay $0x1  }
0x74: {  	[tilespmem:s26+$0x70] =	vst v17  }
0x75: {  	s25 =	sadd.s32 $0x200, s25;
	[tilespmem:v18+s18+$0x0] =	vst.idx.add.s32.msk vm0, v19  }
0x76: {  	[spmem:s7] =	stream.linear.scatter [tilespmem:s18], [sflag:$0x2], $0x1000, $0x38;
	[tilespmem:$0x1D000] =	vst v63  }
0x77: {  	_ =	swait.ge [sflag:s17], $0x1000  }
0x78: {  	[sflag:s17] =	ssyncset.done $0x0  }
0x79: {  	[sflag:s17] =	ssyncadd.s32 $0xFFFFF000  }
0x7a: {  	[bflag:$0x0] =	sbarrier.arrive $0xFFFF  }
0x7b: {  	[tilespmem:s19], [sflag:$0x2] =	stream.linear.gather [spmem:s1], $0x8000, $0x38;
	[tilespmem:$0x1D000] =	vst v63  }
0x7c: {  	_ =	swait.ge [sflag:s17], $0x8000  }
0x7d: {  	[sflag:s17] =	ssyncset.done $0x0  }
0x7e: {  	s25 =	simm.s32 $0x0;
	[sflag:s17] =	ssyncadd.s32 $0xFFFF8000  }
0x7f: {  	v17 =	vld [tilespmem:s25+$0x10000]  }
0x80: {  	v20 =	vld [tilespmem:s25+$0x11000]  }
0x81: {  	v24 =	vld [tilespmem:s25+$0x12000]  }
0x82: {  	v22 =	vld [tilespmem:s25+$0x13000]  }
0x83: {  	v21 =	vld [tilespmem:s25+$0x14000]  }
0x84: {  	v18 =	vld [tilespmem:s25+$0x15000]  }
0x85: {  	v19 =	vld [tilespmem:s25+$0x16000];
	v25 =	vmul.u32 v0, v17;
	v26 =	vmul.u32 v1, v20  }
0x86: {  	s26 =	simm.s32 $0x10;
	v27 =	vadd.s32 v17, v20;
	v23 =	vmul.u32 v2, v24;
	v20 =	vld [tilespmem:s25+$0x17000]  }
0x87: {  	s28 =	simm.s32 $0x80;
	v17 =	vld [tilespmem:s26+$0x10000];
	v25 =	vadd.s32 v25, v26;
	v26 =	vadd.s32 v24, v27;
	v24 =	vmul.u32 v3, v22  }
.LBB2_6:
0x88: {  	p1 =	sne.s32 s28, $0x3FC0;
	v27 =	vld [tilespmem:s26+$0x11000];
	v23 =	vadd.s32 v23, v25;
	v22 =	vadd.s32 v22, v26;
	v25 =	vmul.u32 v4, v21  }
0x89: {  	v26 =	vld [tilespmem:s26+$0x12000];
	v23 =	vadd.s32 v24, v23;
	v21 =	vadd.s32 v21, v22;
	v24 =	vmul.u32 v5, v18  }
0x8a: {  	v22 =	vld [tilespmem:s26+$0x13000];
	v23 =	vadd.s32 v25, v23;
	v18 =	vadd.s32 v18, v21;
	v25 =	vmul.u32 v6, v19  }
.Ltmp2:
0x8b: {  	v21 =	vld [tilespmem:s26+$0x14000];
	v23 =	vadd.s32 v24, v23;
	v19 =	vadd.s32 v19, v18;
	v24 =	vmul.u32 v7, v20;
	(pc) =	sbr.rel @p1 .LBB2_6-.Ltmp2, $4  }
0x8c: {  	v18 =	vld [tilespmem:s26+$0x15000];
	v23 =	vadd.s32 v25, v23;
	v20 =	vadd.s32 v20, v19  }
0x8d: {  	v25 =	vmul.u32 v0, v17;
	v28 =	vmul.u32 v1, v27;
	v19 =	vld [tilespmem:s26+$0x16000];
	v24 =	vadd.s32 v24, v23;
	[tilespmem:s25+$0xE000] =	vst v20  }
0x8e: {  	v27 =	vadd.s32 v17, v27;
	v23 =	vmul.u32 v2, v26;
	v20 =	vld [tilespmem:s26+$0x17000];
	[tilespmem:s25+$0xF000] =	vst v24;
	s25 =	smov.u32 s26;
	s26 =	sshra.s32 s28, $0x2  }
0x8f: {  	s28 =	sadd.s32 $0x40, s28;
	v26 =	vadd.s32 v26, v27;
	v17 =	vld [tilespmem:s26+$0x10000];
	v25 =	vadd.s32 v25, v28;
	v24 =	vmul.u32 v3, v22  }
0x90: {  	v27 =	vld [tilespmem:s26+$0x11000];
	v22 =	vadd.s32 v22, v26  }
0x91: {  	v52 =	vld [tilespmem:s26+$0x12000];
	v23 =	vadd.s32 v23, v25;
	v53 =	vmul.u32 v4, v21;
	v21 =	vadd.s32 v21, v22  }
0x92: {  	v22 =	vld [tilespmem:s26+$0x13000];
	v23 =	vadd.s32 v24, v23;
	v54 =	vmul.u32 v5, v18;
	v18 =	vadd.s32 v18, v21  }
0x93: {  	v21 =	vld [tilespmem:s26+$0x14000];
	v23 =	vadd.s32 v53, v23;
	v55 =	vmul.u32 v6, v19;
	v18 =	vadd.s32 v19, v18  }
0x94: {  	v19 =	vld [tilespmem:s26+$0x15000];
	v23 =	vadd.s32 v54, v23;
	v56 =	vmul.u32 v7, v20;
	v18 =	vadd.s32 v20, v18  }
0x95: {  	v20 =	vld [tilespmem:s26+$0x16000];
	v23 =	vadd.s32 v55, v23;
	v57 =	vmul.u32 v0, v17;
	v28 =	vmul.u32 v1, v27;
	[tilespmem:s25+$0xE000] =	vst v18  }
0x96: {  	v18 =	vadd.s32 v56, v23;
	v17 =	vadd.s32 v17, v27;
	v23 =	vmul.u32 v2, v52;
	v58 =	vld [tilespmem:s26+$0x17000]  }
0x97: {  	v17 =	vadd.s32 v52, v17;
	v59 =	vmul.u32 v3, v22;
	v25 =	vadd.s32 v57, v28  }
0x98: {  	v17 =	vadd.s32 v22, v17;
	v22 =	vmul.u32 v4, v21;
	v23 =	vadd.s32 v23, v25  }
0x99: {  	v17 =	vadd.s32 v21, v17;
	v21 =	vmul.u32 v5, v19;
	v23 =	vadd.s32 v59, v23  }
0x9a: {  	v17 =	vadd.s32 v19, v17;
	v19 =	vmul.u32 v6, v20;
	v22 =	vadd.s32 v22, v23  }
0x9b: {  	v17 =	vadd.s32 v20, v17;
	v21 =	vadd.s32 v21, v22;
	v20 =	vmul.u32 v7, v58  }
0x9c: {  	[tilespmem:s25+$0xF000] =	vst v18;
	v17 =	vadd.s32 v58, v17;
	v18 =	vadd.s32 v19, v21  }
0x9d: {  	[tilespmem:s26+$0xE000] =	vst v17;
	v18 =	vadd.s32 v20, v18  }
0x9e: {  	[tilespmem:s26+$0xF000] =	vst v18  }
0x9f: {  	[tilespmem:s19], [sflag:$0x2] =	stream.linear.gather [spmem:s9], $0x8000, $0x38;
	[tilespmem:$0x1D000] =	vst v63  }
0xa0: {  	_ =	swait.ge [sflag:s17], $0x8000  }
0xa1: {  	[sflag:s17] =	ssyncset.done $0x0  }
0xa2: {  	s25 =	simm.s32 $0x0;
	[sflag:s17] =	ssyncadd.s32 $0xFFFF8000  }
0xa3: {  	v17 =	vld [tilespmem:s25+$0x12000]  }
0xa4: {  	v18 =	vld [tilespmem:s25+$0x11000]  }
0xa5: {  	v19 =	vld [tilespmem:s25+$0x10000]  }
0xa6: {  	v20 =	vld [tilespmem:s25+$0xF000]  }
0xa7: {  	v21 =	vld [tilespmem:s25+$0xE000]  }
0xa8: {  	v22 =	vld [tilespmem:s25+$0x13000]  }
0xa9: {  	v23 =	vld [tilespmem:s25+$0x14000]  }
0xaa: {  	v61 =	vld [tilespmem:s25+$0x15000];
	v60 =	vmul.u32 v8, v19  }
0xab: {  	v63 =	vld [tilespmem:s25+$0x16000];
	v62 =	vmul.u32 v9, v18  }
0xac: {  	v19 =	vadd.s32 v21, v19;
	v21 =	vmul.u32 v10, v17;
	v20 =	vadd.s32 v20, v60  }
0xad: {  	v18 =	vadd.s32 v18, v19;
	v19 =	vadd.s32 v62, v20;
	v20 =	vmul.u32 v11, v22  }
0xae: {  	v17 =	vadd.s32 v17, v18;
	v18 =	vadd.s32 v21, v19;
	v19 =	vmul.u32 v12, v23;
	v21 =	vld [tilespmem:s25+$0x17000]  }
0xaf: {  	v17 =	vadd.s32 v22, v17;
	v18 =	vadd.s32 v20, v18;
	v20 =	vmul.u32 v13, v61  }
0xb0: {  	s28 =	simm.s32 $0x10;
	v22 =	vadd.s32 v23, v17;
	v18 =	vadd.s32 v19, v18;
	v19 =	vmul.u32 v14, v63  }
0xb1: {  	v17 =	vld [tilespmem:s28+$0x12000];
	v22 =	vadd.s32 v61, v22;
	v20 =	vadd.s32 v20, v18  }
0xb2: {  	v22 =	vadd.s32 v63, v22;
	v18 =	vld [tilespmem:s28+$0x11000];
	v23 =	vadd.s32 v19, v20  }
0xb3: {  	s29 =	simm.s32 $0x80;
	s30 =	simm.s32 $0x0;
	s26 =	simm.s32 $0x0;
	v19 =	vld [tilespmem:s28+$0x10000];
	v20 =	vadd.s32 v21, v22;
	[tilespmem:s25+$0xF000] =	vst v23  }
.LBB2_8:
0xb4: {  	p1 =	sne.s32 s29, $0x3FC0;
	v21 =	vld [tilespmem:s28+$0xF000];
	[tilespmem:s30+$0xE000] =	vst v20;
	s30 =	smov.u32 s28  }
0xb5: {  	v20 =	vld [tilespmem:s30+$0xE000]  }
0xb6: {  	v22 =	vld [tilespmem:s30+$0x13000]  }
0xb7: {  	v23 =	vld [tilespmem:s30+$0x14000]  }
0xb8: {  	v24 =	vmul.u32 v8, v19;
	v25 =	vld [tilespmem:s30+$0x15000]  }
0xb9: {  	v26 =	vmul.u32 v9, v18;
	v27 =	vld [tilespmem:s30+$0x16000]  }
0xba: {  	v19 =	vadd.s32 v20, v19;
	v20 =	vadd.s32 v21, v24;
	v21 =	vmul.u32 v10, v17  }
0xbb: {  	v18 =	vadd.s32 v18, v19;
	v19 =	vadd.s32 v26, v20;
	v20 =	vmul.u32 v11, v22  }
0xbc: {  	v17 =	vadd.s32 v17, v18;
	v18 =	vadd.s32 v21, v19;
	v19 =	vmul.u32 v12, v23;
	v21 =	vld [tilespmem:s30+$0x17000]  }
.Ltmp3:
0xbd: {  	v17 =	vadd.s32 v22, v17;
	v18 =	vadd.s32 v20, v18;
	v20 =	vmul.u32 v13, v25;
	(pc) =	sbr.rel @p1 .LBB2_8-.Ltmp3, $4  }
0xbe: {  	s28 =	sshra.s32 s29, $0x2;
	v22 =	vadd.s32 v23, v17;
	v18 =	vadd.s32 v19, v18;
	v19 =	vmul.u32 v14, v27  }
0xbf: {  	v17 =	vld [tilespmem:s28+$0x12000];
	v22 =	vadd.s32 v25, v22;
	v20 =	vadd.s32 v20, v18  }
0xc0: {  	v18 =	vld [tilespmem:s28+$0x11000];
	v22 =	vadd.s32 v27, v22;
	v23 =	vadd.s32 v19, v20  }
0xc1: {  	s29 =	sadd.s32 $0x40, s29;
	v19 =	vld [tilespmem:s28+$0x10000];
	v20 =	vadd.s32 v21, v22;
	[tilespmem:s30+$0xF000] =	vst v23  }
0xc2: {  	v21 =	vld [tilespmem:s28+$0xF000];
	[tilespmem:s30+$0xE000] =	vst v20  }
0xc3: {  	v20 =	vld [tilespmem:s28+$0xE000]  }
0xc4: {  	v22 =	vld [tilespmem:s28+$0x13000]  }
0xc5: {  	v23 =	vld [tilespmem:s28+$0x14000]  }
0xc6: {  	v25 =	vld [tilespmem:s28+$0x15000];
	v24 =	vmul.u32 v8, v19  }
0xc7: {  	v27 =	vld [tilespmem:s28+$0x16000];
	v26 =	vmul.u32 v9, v18  }
0xc8: {  	v19 =	vadd.s32 v20, v19;
	v20 =	vadd.s32 v21, v24;
	v21 =	vmul.u32 v10, v17  }
0xc9: {  	v18 =	vadd.s32 v18, v19;
	v19 =	vadd.s32 v26, v20;
	v20 =	vmul.u32 v11, v22  }
0xca: {  	v17 =	vadd.s32 v17, v18;
	v18 =	vadd.s32 v21, v19;
	v19 =	vmul.u32 v12, v23;
	v21 =	vld [tilespmem:s28+$0x17000]  }
0xcb: {  	v17 =	vadd.s32 v22, v17;
	v18 =	vadd.s32 v20, v18;
	v20 =	vmul.u32 v13, v25  }
0xcc: {  	v17 =	vadd.s32 v23, v17;
	v18 =	vadd.s32 v19, v18;
	v19 =	vmul.u32 v14, v27  }
0xcd: {  	v17 =	vadd.s32 v25, v17;
	v18 =	vadd.s32 v20, v18  }
0xce: {  	v17 =	vadd.s32 v27, v17;
	v18 =	vadd.s32 v19, v18  }
0xcf: {  	v17 =	vadd.s32 v21, v17;
	[tilespmem:s28+$0xF000] =	vst v18  }
0xd0: {  	[tilespmem:s28+$0xE000] =	vst v17  }
0xd1: {  	s28 =	simm.s32 $0x10;
	v19 =	vld [tilespmem:s25+$0xE000]  }
0xd2: {  	v17 =	vld [tilespmem:s28+$0xE000];
	_ =	sdelay $0x3  }
0xd3: {  	(xrf0) =	vadd.scan.msk.s32 $0xffff, v19  }
0xd4: {  	(xrf0) =	vadd.scan.msk.s32 $0xffff, v17;
	_ =	sdelay $0x4  }
0xd5: {  	s29 =	simm.s32 $0x20;
	v20, _, _ =	vpop (xrf0)  }
0xd6: {  	v25 =	vld [tilespmem:s29+$0xE000];
	(v2sf) =	vpush v20, $0xF;
	v23, _, _ =	vpop (xrf0)  }
0xd7: {  	(v2sf) =	vpush v23, $0xF;
	_ =	sdelay $0x2  }
0xd8: {  	v26 =	vld [tilespmem:s25+$0xF000]  }
0xd9: {  	s30 =	simm.s32 $0x30;
	v18 =	vld [tilespmem:s28+$0xF000];
	(xrf0) =	vadd.scan.msk.s32 $0xffff, v25  }
0xda: {  	v21 =	vld [tilespmem:s30+$0xE000]  }
0xdb: {  	v22 =	vld [tilespmem:s29+$0xF000]  }
0xdc: {  	v24 =	vld [tilespmem:s30+$0xF000];
	_ =	sdelay $0x1  }
0xdd: {  	s31 =	simm.s32 $0x100  }
.LBB2_10:
0xde: {  	s2 =	sshra.s32 s31, $0x2;
	p1 =	sne.s32 s31, $0x3FC0;
	s31 =	sadd.s32 $0x40, s31;
	(xrf0) =	vadd.scan.msk.s32 $0xffff, v21;
	v27, _, _ =	vpop (xrf0);
	v28 =	vsub.s32 s26, v19;
	v19 =	vmov v17;
	v17 =	vmov v25  }
.Ltmp4:
0xdf: {  	v25 =	vmovc v21;
	(v2sf) =	vpush v27, $0xF;
	v28 =	vadd.s32 v26, v28;
	v21 =	vld [tilespmem:s2+$0xE000];
	v26 =	vmovc v18;
	v18 =	vmov v22;
	(pc) =	sbr.rel @p1 .LBB2_10-.Ltmp4, $4  }
0xe0: {  	v22 =	vmovc v24;
	v28 =	vadd.s32 v20, v28;
	v20 =	vmov v23;
	v23 =	vmov v27;
	v24 =	vld [tilespmem:s2+$0xF000]  }
0xe1: {  	[tilespmem:s25+$0xD000] =	vst v28;
	s25 =	smov.u32 s28;
	s28 =	smov.u32 s29;
	s29 =	smov.u32 s30  }
0xe2: {  	s30 =	smov.u32 s2;
	s0 =	spop (v2sf)  }
0xe3: {  	s26 =	sadd.s32 s26, s0  }
0xe4: {  	(xrf0) =	vadd.scan.msk.s32 $0xffff, v21  }
0xe5: {  	v27, _, _ =	vpop (xrf0)  }
0xe6: {  	(v2sf) =	vpush v27, $0xF;
	_ =	sdelay $0x3  }
0xe7: {  	v28, _, _ =	vpop (xrf0)  }
0xe8: {  	(v2sf) =	vpush v28, $0xF;
	_ =	sdelay $0x7  }
0xe9: {  	s0 =	spop (v2sf)  }
0xea: {  	v19 =	vsub.s32 s26, v19;
	s0 =	sadd.s32 s26, s0;
	s2 =	spop (v2sf)  }
0xeb: {  	v19 =	vadd.s32 v26, v19;
	v17 =	vsub.s32 s0, v17;
	s0 =	sadd.s32 s0, s2;
	s26 =	spop (v2sf)  }
0xec: {  	v19 =	vadd.s32 v20, v19;
	v17 =	vadd.s32 v18, v17;
	v25 =	vsub.s32 s0, v25;
	s0 =	sadd.s32 s0, s26  }
0xed: {  	[tilespmem:s25+$0xD000] =	vst v19;
	v17 =	vadd.s32 v23, v17;
	v18 =	vadd.s32 v22, v25;
	v19 =	vsub.s32 s0, v21  }
0xee: {  	[tilespmem:s28+$0xD000] =	vst v17;
	v17 =	vadd.s32 v27, v18;
	v18 =	vadd.s32 v24, v19  }
0xef: {  	[tilespmem:s29+$0xD000] =	vst v17;
	v17 =	vadd.s32 v28, v18  }
0xf0: {  	s25 =	simm.s32 $0x0;
	s28 =	simm.s32 $0x40;
	[tilespmem:s30+$0xD000] =	vst v17;
	s31 =	spop (v2sf)  }
0xf1: {  	s29 =	simm.s32 $0x8040;
	s26 =	simm.s32 $0x4040;
	[bflag:$0x0] =	sbarrier.arrive $0xFFFF  }
.LBB2_12:
0xf2: {  	v17 =	vld [tilespmem:s28+$0xFFFFFFC0];
	_ =	sdelay $0x4  }
0xf3: {  	v17 =	vand.u32 $0xFFF, v17  }
0xf4: {  	(xrf1) =	vunique.msk.u32 $0xffff, v17;
	_ =	sdelay $0xb  }
0xf5: {  	v18 =	vld.idx.msk [tilespmem:v17+s20+$0x0], $0xffff;
	_ =	sdelay $0x1  }
0xf6: {  	_, v19, vm0 =	vpop (xrf1);
	_ =	sdelay $0x2  }
0xf7: {  	v18 =	vadd.s32 v19, v18  }
0xf8: {  	v18 =	vadd.s32 $0xFFFFFFFF, v18  }
0xf9: {  	[tilespmem:s29+$0xFFFFFFC0] =	vst v18  }
0xfa: {  	[tilespmem:v17+s20+$0x0] =	vst.idx.add.s32.msk vm0, v19  }
0xfb: {  	v17 =	vld [tilespmem:s28+$0xFFFFFFC0];
	_ =	sdelay $0x4  }
0xfc: {  	v17 =	vshll.u32 v17, $0x6  }
0xfd: {  	s30 =	sadd.s32 s25, s5;
	v17 =	vand.u32 $0xFFFC0000, v17  }
0xfe: {  	v17 =	vor.u32 s30, v17  }
0xff: {  	v17 =	vor.u32 v16, v17  }
0x100: {  	[tilespmem:s26+$0xFFFFFFC0] =	vst v17  }
0x101: {  	v17 =	vld [tilespmem:s28+$0xFFFFFFD0];
	_ =	sdelay $0x4  }
0x102: {  	v17 =	vand.u32 $0xFFF, v17  }
0x103: {  	(xrf1) =	vunique.msk.u32 $0xffff, v17;
	_ =	sdelay $0xb  }
0x104: {  	v18 =	vld.idx.msk [tilespmem:v17+s20+$0x0], $0xffff;
	_ =	sdelay $0x1  }
0x105: {  	_, v19, vm0 =	vpop (xrf1);
	_ =	sdelay $0x2  }
0x106: {  	v18 =	vadd.s32 v19, v18  }
0x107: {  	v18 =	vadd.s32 $0xFFFFFFFF, v18  }
0x108: {  	[tilespmem:s29+$0xFFFFFFD0] =	vst v18  }
0x109: {  	[tilespmem:v17+s20+$0x0] =	vst.idx.add.s32.msk vm0, v19  }
0x10a: {  	v17 =	vld [tilespmem:s28+$0xFFFFFFD0];
	_ =	sdelay $0x4  }
0x10b: {  	v17 =	vshll.u32 v17, $0x6  }
0x10c: {  	s0 =	sadd.s32 $0x10, s30;
	v17 =	vand.u32 $0xFFFC0000, v17  }
0x10d: {  	v17 =	vor.u32 s0, v17  }
0x10e: {  	v17 =	vor.u32 v16, v17  }
0x10f: {  	[tilespmem:s26+$0xFFFFFFD0] =	vst v17  }
0x110: {  	v17 =	vld [tilespmem:s28+$0xFFFFFFE0];
	_ =	sdelay $0x4  }
0x111: {  	v17 =	vand.u32 $0xFFF, v17  }
0x112: {  	(xrf1) =	vunique.msk.u32 $0xffff, v17;
	_ =	sdelay $0xb  }
0x113: {  	v18 =	vld.idx.msk [tilespmem:v17+s20+$0x0], $0xffff;
	_ =	sdelay $0x1  }
0x114: {  	_, v19, vm0 =	vpop (xrf1);
	_ =	sdelay $0x2  }
0x115: {  	v18 =	vadd.s32 v19, v18  }
0x116: {  	v18 =	vadd.s32 $0xFFFFFFFF, v18  }
0x117: {  	[tilespmem:s29+$0xFFFFFFE0] =	vst v18  }
0x118: {  	[tilespmem:v17+s20+$0x0] =	vst.idx.add.s32.msk vm0, v19  }
0x119: {  	v17 =	vld [tilespmem:s28+$0xFFFFFFE0];
	_ =	sdelay $0x4  }
0x11a: {  	v17 =	vshll.u32 v17, $0x6  }
0x11b: {  	s2 =	sadd.s32 $0x20, s30;
	v17 =	vand.u32 $0xFFFC0000, v17  }
0x11c: {  	v17 =	vor.u32 s2, v17  }
0x11d: {  	v17 =	vor.u32 v16, v17  }
0x11e: {  	[tilespmem:s26+$0xFFFFFFE0] =	vst v17  }
0x11f: {  	v17 =	vld [tilespmem:s28+$0xFFFFFFF0];
	_ =	sdelay $0x4  }
0x120: {  	v17 =	vand.u32 $0xFFF, v17  }
0x121: {  	(xrf1) =	vunique.msk.u32 $0xffff, v17;
	_ =	sdelay $0xb  }
0x122: {  	v18 =	vld.idx.msk [tilespmem:v17+s20+$0x0], $0xffff;
	_ =	sdelay $0x1  }
0x123: {  	_, v19, vm0 =	vpop (xrf1);
	_ =	sdelay $0x2  }
0x124: {  	v18 =	vadd.s32 v19, v18  }
0x125: {  	v18 =	vadd.s32 $0xFFFFFFFF, v18  }
0x126: {  	[tilespmem:s29+$0xFFFFFFF0] =	vst v18  }
0x127: {  	[tilespmem:v17+s20+$0x0] =	vst.idx.add.s32.msk vm0, v19  }
0x128: {  	v17 =	vld [tilespmem:s28+$0xFFFFFFF0];
	_ =	sdelay $0x4  }
0x129: {  	v17 =	vshll.u32 v17, $0x6  }
0x12a: {  	s31 =	sadd.s32 $0x30, s30;
	v17 =	vand.u32 $0xFFFC0000, v17  }
0x12b: {  	v17 =	vor.u32 s31, v17  }
0x12c: {  	v17 =	vor.u32 v16, v17  }
0x12d: {  	[tilespmem:s26+$0xFFFFFFF0] =	vst v17  }
0x12e: {  	v17 =	vld [tilespmem:s28+$0x0];
	_ =	sdelay $0x4  }
0x12f: {  	v17 =	vand.u32 $0xFFF, v17  }
0x130: {  	(xrf1) =	vunique.msk.u32 $0xffff, v17;
	_ =	sdelay $0xb  }
0x131: {  	v18 =	vld.idx.msk [tilespmem:v17+s20+$0x0], $0xffff;
	_ =	sdelay $0x1  }
0x132: {  	_, v19, vm0 =	vpop (xrf1);
	_ =	sdelay $0x2  }
0x133: {  	v18 =	vadd.s32 v19, v18  }
0x134: {  	v18 =	vadd.s32 $0xFFFFFFFF, v18  }
0x135: {  	[tilespmem:s29+$0x0] =	vst v18  }
0x136: {  	[tilespmem:v17+s20+$0x0] =	vst.idx.add.s32.msk vm0, v19  }
0x137: {  	v17 =	vld [tilespmem:s28+$0x0];
	_ =	sdelay $0x4  }
0x138: {  	v17 =	vshll.u32 v17, $0x6  }
0x139: {  	s2 =	sadd.s32 $0x40, s30;
	v17 =	vand.u32 $0xFFFC0000, v17  }
0x13a: {  	v17 =	vor.u32 s2, v17  }
0x13b: {  	v17 =	vor.u32 v16, v17  }
0x13c: {  	[tilespmem:s26+$0x0] =	vst v17  }
0x13d: {  	v17 =	vld [tilespmem:s28+$0x10];
	_ =	sdelay $0x4  }
0x13e: {  	v17 =	vand.u32 $0xFFF, v17  }
0x13f: {  	(xrf1) =	vunique.msk.u32 $0xffff, v17;
	_ =	sdelay $0xb  }
0x140: {  	v18 =	vld.idx.msk [tilespmem:v17+s20+$0x0], $0xffff;
	_ =	sdelay $0x1  }
0x141: {  	_, v19, vm0 =	vpop (xrf1);
	_ =	sdelay $0x2  }
0x142: {  	v18 =	vadd.s32 v19, v18  }
0x143: {  	v18 =	vadd.s32 $0xFFFFFFFF, v18  }
0x144: {  	[tilespmem:s29+$0x10] =	vst v18  }
0x145: {  	[tilespmem:v17+s20+$0x0] =	vst.idx.add.s32.msk vm0, v19  }
0x146: {  	v17 =	vld [tilespmem:s28+$0x10];
	_ =	sdelay $0x4  }
0x147: {  	v17 =	vshll.u32 v17, $0x6  }
0x148: {  	s31 =	sadd.s32 $0x50, s30;
	v17 =	vand.u32 $0xFFFC0000, v17  }
0x149: {  	v17 =	vor.u32 s31, v17  }
0x14a: {  	v17 =	vor.u32 v16, v17  }
0x14b: {  	[tilespmem:s26+$0x10] =	vst v17  }
0x14c: {  	v17 =	vld [tilespmem:s28+$0x20];
	_ =	sdelay $0x4  }
0x14d: {  	v17 =	vand.u32 $0xFFF, v17  }
0x14e: {  	(xrf1) =	vunique.msk.u32 $0xffff, v17;
	_ =	sdelay $0xb  }
0x14f: {  	v18 =	vld.idx.msk [tilespmem:v17+s20+$0x0], $0xffff;
	_ =	sdelay $0x1  }
0x150: {  	_, v19, vm0 =	vpop (xrf1);
	_ =	sdelay $0x2  }
0x151: {  	v18 =	vadd.s32 v19, v18  }
0x152: {  	v18 =	vadd.s32 $0xFFFFFFFF, v18  }
0x153: {  	[tilespmem:s29+$0x20] =	vst v18  }
0x154: {  	[tilespmem:v17+s20+$0x0] =	vst.idx.add.s32.msk vm0, v19  }
0x155: {  	v17 =	vld [tilespmem:s28+$0x20];
	_ =	sdelay $0x4  }
0x156: {  	v17 =	vshll.u32 v17, $0x6  }
0x157: {  	s2 =	sadd.s32 $0x60, s30;
	v17 =	vand.u32 $0xFFFC0000, v17  }
0x158: {  	v17 =	vor.u32 s2, v17  }
0x159: {  	v17 =	vor.u32 v16, v17  }
0x15a: {  	[tilespmem:s26+$0x20] =	vst v17  }
0x15b: {  	v17 =	vld [tilespmem:s28+$0x30];
	_ =	sdelay $0x4  }
0x15c: {  	v17 =	vand.u32 $0xFFF, v17  }
0x15d: {  	(xrf1) =	vunique.msk.u32 $0xffff, v17;
	_ =	sdelay $0xb  }
0x15e: {  	v18 =	vld.idx.msk [tilespmem:v17+s20+$0x0], $0xffff;
	_ =	sdelay $0x1  }
0x15f: {  	_, v19, vm0 =	vpop (xrf1);
	_ =	sdelay $0x2  }
0x160: {  	v18 =	vadd.s32 v19, v18  }
0x161: {  	v18 =	vadd.s32 $0xFFFFFFFF, v18  }
0x162: {  	[tilespmem:s29+$0x30] =	vst v18  }
0x163: {  	[tilespmem:v17+s20+$0x0] =	vst.idx.add.s32.msk vm0, v19  }
0x164: {  	v17 =	vld [tilespmem:s28+$0x30];
	_ =	sdelay $0x3  }
0x165: {  	p1 =	sne.s32 s25, $0x3F80  }
.Ltmp5:
0x166: {  	v17 =	vshll.u32 v17, $0x6;
	(pc) =	sbr.rel @p1 .LBB2_12-.Ltmp5, $4  }
0x167: {  	s31 =	sadd.s32 $0x70, s30;
	v17 =	vand.u32 $0xFFFC0000, v17  }
0x168: {  	v17 =	vor.u32 s31, v17  }
0x169: {  	s25 =	sadd.s32 $0x80, s25;
	v17 =	vor.u32 v16, v17  }
0x16a: {  	s29 =	sadd.s32 $0x80, s29;
	s28 =	sadd.s32 $0x80, s28;
	[tilespmem:s26+$0x30] =	vst v17;
	s26 =	sadd.s32 $0x80, s26  }
0x16b: {  	[spmem:s3] =	stream.indirect.scatter [tilespmem:s22], [sflag:$0x1], $0x1, s21, s22, $0xb8;
	[tilespmem:$0x1D000] =	vst v63  }
0x16c: {  	_ =	swait.ge [sflag:s8], $0x4000  }
0x16d: {  	[sflag:s8] =	ssyncset.done $0x0  }
0x16e: {  	[sflag:s8] =	ssyncadd.s32 $0xFFFFC000  }
0x16f: {  	[bflag:$0x0] =	sbarrier.arrive $0xFFFF  }
0x170: {  	[tilespmem:s22], [sflag:$0x2] =	stream.linear.gather [spmem:s11], $0x4000, $0x38;
	[tilespmem:$0x1D000] =	vst v63  }
0x171: {  	_ =	swait.ge [sflag:s17], $0x4000  }
0x172: {  	s25 =	simm.s32 $0x0;
	[sflag:s17] =	ssyncset.done $0x0  }
0x173: {  	s26 =	simm.s32 $0x40;
	s28 =	simm.s32 $0x0;
	[sflag:s17] =	ssyncadd.s32 $0xFFFFC000  }
.LBB2_14:
0x174: {  	p1 =	sne.s32 s26, $0x1FC0;
	[tilespmem:s28+$0xC000] =	vst v15;
	s0 =	smov.u32 s26;
	s26 =	sadd.s32 $0x40, s26  }
.Ltmp6:
0x175: {  	(pc) =	sbr.rel @p1 .LBB2_14-.Ltmp6, $2  }
0x176: {  	_ =	sdelay $0x2  }
0x177: {  	s28 =	sshra.s32 s0, $0x2  }
0x178: {  	[tilespmem:s28+$0xC000] =	vst v15  }
.LBB2_16:
0x179: {  	s0 =	sshra.s32 s25, $0x2  }
0x17a: {  	v17 =	vld [tilespmem:s0+$0x4000];
	_ =	sdelay $0x4  }
0x17b: {  	v17 =	vshrl.u32 v17, $0x12  }
0x17c: {  	(xrf1) =	vunique.msk.u32 $0xffff, v17;
	_ =	sdelay $0xd  }
0x17d: {  	_, v18, vm0 =	vpop (xrf1);
	_ =	sdelay $0x5  }
0x17e: {  	[tilespmem:v17+s18+$0x0] =	vst.idx.add.s32.msk vm0, v18  }
0x17f: {  	v17 =	vld [tilespmem:s0+$0x4010];
	_ =	sdelay $0x4  }
0x180: {  	v17 =	vshrl.u32 v17, $0x12  }
0x181: {  	(xrf1) =	vunique.msk.u32 $0xffff, v17;
	_ =	sdelay $0xd  }
0x182: {  	_, v18, vm0 =	vpop (xrf1);
	_ =	sdelay $0x5  }
0x183: {  	[tilespmem:v17+s18+$0x0] =	vst.idx.add.s32.msk vm0, v18  }
0x184: {  	v17 =	vld [tilespmem:s0+$0x4020];
	_ =	sdelay $0x4  }
0x185: {  	v17 =	vshrl.u32 v17, $0x12  }
0x186: {  	(xrf1) =	vunique.msk.u32 $0xffff, v17;
	_ =	sdelay $0xd  }
0x187: {  	_, v18, vm0 =	vpop (xrf1);
	_ =	sdelay $0x5  }
0x188: {  	[tilespmem:v17+s18+$0x0] =	vst.idx.add.s32.msk vm0, v18  }
0x189: {  	v17 =	vld [tilespmem:s0+$0x4030];
	_ =	sdelay $0x4  }
0x18a: {  	v17 =	vshrl.u32 v17, $0x12  }
0x18b: {  	(xrf1) =	vunique.msk.u32 $0xffff, v17;
	_ =	sdelay $0xd  }
0x18c: {  	_, v18, vm0 =	vpop (xrf1);
	_ =	sdelay $0x5  }
0x18d: {  	[tilespmem:v17+s18+$0x0] =	vst.idx.add.s32.msk vm0, v18  }
0x18e: {  	v17 =	vld [tilespmem:s0+$0x4040];
	_ =	sdelay $0x4  }
0x18f: {  	v17 =	vshrl.u32 v17, $0x12  }
0x190: {  	(xrf1) =	vunique.msk.u32 $0xffff, v17;
	_ =	sdelay $0xd  }
0x191: {  	_, v18, vm0 =	vpop (xrf1);
	_ =	sdelay $0x5  }
0x192: {  	[tilespmem:v17+s18+$0x0] =	vst.idx.add.s32.msk vm0, v18  }
0x193: {  	v17 =	vld [tilespmem:s0+$0x4050];
	_ =	sdelay $0x4  }
0x194: {  	v17 =	vshrl.u32 v17, $0x12  }
0x195: {  	(xrf1) =	vunique.msk.u32 $0xffff, v17;
	_ =	sdelay $0xd  }
0x196: {  	_, v18, vm0 =	vpop (xrf1);
	_ =	sdelay $0x5  }
0x197: {  	[tilespmem:v17+s18+$0x0] =	vst.idx.add.s32.msk vm0, v18  }
0x198: {  	v17 =	vld [tilespmem:s0+$0x4060];
	_ =	sdelay $0x4  }
0x199: {  	v17 =	vshrl.u32 v17, $0x12  }
0x19a: {  	(xrf1) =	vunique.msk.u32 $0xffff, v17;
	_ =	sdelay $0xd  }
0x19b: {  	_, v18, vm0 =	vpop (xrf1);
	_ =	sdelay $0x5  }
0x19c: {  	[tilespmem:v17+s18+$0x0] =	vst.idx.add.s32.msk vm0, v18  }
0x19d: {  	v17 =	vld [tilespmem:s0+$0x4070];
	_ =	sdelay $0x4  }
0x19e: {  	v17 =	vshrl.u32 v17, $0x12  }
0x19f: {  	(xrf1) =	vunique.msk.u32 $0xffff, v17;
	_ =	sdelay $0xd  }
0x1a0: {  	_, v18, vm0 =	vpop (xrf1)  }
0x1a1: {  	p1 =	sne.s32 s25, $0xFE00  }
.Ltmp7:
0x1a2: {  	_ = 	snop;
	(pc) =	sbr.rel @p1 .LBB2_16-.Ltmp7, $2  }
0x1a3: {  	_ =	sdelay $0x2  }
0x1a4: {  	s25 =	sadd.s32 $0x200, s25;
	[tilespmem:v17+s18+$0x0] =	vst.idx.add.s32.msk vm0, v18  }
0x1a5: {  	[spmem:s10] =	stream.linear.scatter [tilespmem:s18], [sflag:$0x2], $0x800, $0x38;
	[tilespmem:$0x1D000] =	vst v63  }
0x1a6: {  	_ =	swait.ge [sflag:s17], $0x800  }
0x1a7: {  	[sflag:s17] =	ssyncset.done $0x0  }
0x1a8: {  	[sflag:s17] =	ssyncadd.s32 $0xFFFFF800  }
0x1a9: {  	[bflag:$0x0] =	sbarrier.arrive $0xFFFF  }
0x1aa: {  	[tilespmem:s19], [sflag:$0x2] =	stream.linear.gather [spmem:s1], $0x4000, $0x38;
	[tilespmem:$0x1D000] =	vst v63  }
0x1ab: {  	_ =	swait.ge [sflag:s17], $0x4000  }
0x1ac: {  	[sflag:s17] =	ssyncset.done $0x0  }
0x1ad: {  	s25 =	simm.s32 $0x0;
	[sflag:s17] =	ssyncadd.s32 $0xFFFFC000  }
0x1ae: {  	v17 =	vld [tilespmem:s25+$0x10000]  }
0x1af: {  	v20 =	vld [tilespmem:s25+$0x10800]  }
0x1b0: {  	v24 =	vld [tilespmem:s25+$0x11000]  }
0x1b1: {  	v22 =	vld [tilespmem:s25+$0x11800]  }
0x1b2: {  	v21 =	vld [tilespmem:s25+$0x12000]  }
0x1b3: {  	v18 =	vld [tilespmem:s25+$0x12800]  }
0x1b4: {  	v19 =	vld [tilespmem:s25+$0x13000];
	v25 =	vmul.u32 v0, v17;
	v26 =	vmul.u32 v1, v20  }
0x1b5: {  	s26 =	simm.s32 $0x10;
	v27 =	vadd.s32 v17, v20;
	v23 =	vmul.u32 v2, v24;
	v20 =	vld [tilespmem:s25+$0x13800]  }
0x1b6: {  	s28 =	simm.s32 $0x80;
	v17 =	vld [tilespmem:s26+$0x10000];
	v25 =	vadd.s32 v25, v26;
	v26 =	vadd.s32 v24, v27;
	v24 =	vmul.u32 v3, v22  }
.LBB2_18:
0x1b7: {  	p1 =	sne.s32 s28, $0x1FC0;
	v27 =	vld [tilespmem:s26+$0x10800];
	v23 =	vadd.s32 v23, v25;
	v22 =	vadd.s32 v22, v26;
	v25 =	vmul.u32 v4, v21  }
0x1b8: {  	v26 =	vld [tilespmem:s26+$0x11000];
	v23 =	vadd.s32 v24, v23;
	v21 =	vadd.s32 v21, v22;
	v24 =	vmul.u32 v5, v18  }
0x1b9: {  	v22 =	vld [tilespmem:s26+$0x11800];
	v23 =	vadd.s32 v25, v23;
	v18 =	vadd.s32 v18, v21;
	v25 =	vmul.u32 v6, v19  }
.Ltmp8:
0x1ba: {  	v21 =	vld [tilespmem:s26+$0x12000];
	v23 =	vadd.s32 v24, v23;
	v19 =	vadd.s32 v19, v18;
	v24 =	vmul.u32 v7, v20;
	(pc) =	sbr.rel @p1 .LBB2_18-.Ltmp8, $4  }
0x1bb: {  	v18 =	vld [tilespmem:s26+$0x12800];
	v23 =	vadd.s32 v25, v23;
	v20 =	vadd.s32 v20, v19  }
0x1bc: {  	v25 =	vmul.u32 v0, v17;
	v28 =	vmul.u32 v1, v27;
	v19 =	vld [tilespmem:s26+$0x13000];
	v24 =	vadd.s32 v24, v23;
	[tilespmem:s25+$0xE000] =	vst v20  }
0x1bd: {  	v27 =	vadd.s32 v17, v27;
	v23 =	vmul.u32 v2, v26;
	v20 =	vld [tilespmem:s26+$0x13800];
	[tilespmem:s25+$0xF000] =	vst v24;
	s25 =	smov.u32 s26;
	s26 =	sshra.s32 s28, $0x2  }
0x1be: {  	s28 =	sadd.s32 $0x40, s28;
	v26 =	vadd.s32 v26, v27;
	v17 =	vld [tilespmem:s26+$0x10000];
	v25 =	vadd.s32 v25, v28;
	v24 =	vmul.u32 v3, v22  }
0x1bf: {  	v27 =	vld [tilespmem:s26+$0x10800];
	v22 =	vadd.s32 v22, v26  }
0x1c0: {  	v52 =	vld [tilespmem:s26+$0x11000];
	v23 =	vadd.s32 v23, v25;
	v53 =	vmul.u32 v4, v21;
	v21 =	vadd.s32 v21, v22  }
0x1c1: {  	v22 =	vld [tilespmem:s26+$0x11800];
	v23 =	vadd.s32 v24, v23;
	v54 =	vmul.u32 v5, v18;
	v18 =	vadd.s32 v18, v21  }
0x1c2: {  	v21 =	vld [tilespmem:s26+$0x12000];
	v23 =	vadd.s32 v53, v23;
	v55 =	vmul.u32 v6, v19;
	v18 =	vadd.s32 v19, v18  }
0x1c3: {  	v19 =	vld [tilespmem:s26+$0x12800];
	v23 =	vadd.s32 v54, v23;
	v56 =	vmul.u32 v7, v20;
	v18 =	vadd.s32 v20, v18  }
0x1c4: {  	v20 =	vld [tilespmem:s26+$0x13000];
	v23 =	vadd.s32 v55, v23;
	v57 =	vmul.u32 v0, v17;
	v28 =	vmul.u32 v1, v27;
	[tilespmem:s25+$0xE000] =	vst v18  }
0x1c5: {  	v18 =	vadd.s32 v56, v23;
	v17 =	vadd.s32 v17, v27;
	v23 =	vmul.u32 v2, v52;
	v58 =	vld [tilespmem:s26+$0x13800]  }
0x1c6: {  	v17 =	vadd.s32 v52, v17;
	v59 =	vmul.u32 v3, v22;
	v25 =	vadd.s32 v57, v28  }
0x1c7: {  	v17 =	vadd.s32 v22, v17;
	v22 =	vmul.u32 v4, v21;
	v23 =	vadd.s32 v23, v25  }
0x1c8: {  	v17 =	vadd.s32 v21, v17;
	v21 =	vmul.u32 v5, v19;
	v23 =	vadd.s32 v59, v23  }
0x1c9: {  	v17 =	vadd.s32 v19, v17;
	v19 =	vmul.u32 v6, v20;
	v22 =	vadd.s32 v22, v23  }
0x1ca: {  	v17 =	vadd.s32 v20, v17;
	v21 =	vadd.s32 v21, v22;
	v20 =	vmul.u32 v7, v58  }
0x1cb: {  	[tilespmem:s25+$0xF000] =	vst v18;
	v17 =	vadd.s32 v58, v17;
	v18 =	vadd.s32 v19, v21  }
0x1cc: {  	[tilespmem:s26+$0xE000] =	vst v17;
	v18 =	vadd.s32 v20, v18  }
0x1cd: {  	[tilespmem:s26+$0xF000] =	vst v18  }
0x1ce: {  	[tilespmem:s19], [sflag:$0x2] =	stream.linear.gather [spmem:s12], $0x4000, $0x38;
	[tilespmem:$0x1D000] =	vst v63  }
0x1cf: {  	_ =	swait.ge [sflag:s17], $0x4000  }
0x1d0: {  	[sflag:s17] =	ssyncset.done $0x0  }
0x1d1: {  	s25 =	simm.s32 $0x0;
	[sflag:s17] =	ssyncadd.s32 $0xFFFFC000  }
0x1d2: {  	v17 =	vld [tilespmem:s25+$0x11000]  }
0x1d3: {  	v18 =	vld [tilespmem:s25+$0x10800]  }
0x1d4: {  	v19 =	vld [tilespmem:s25+$0x10000]  }
0x1d5: {  	v20 =	vld [tilespmem:s25+$0xF000]  }
0x1d6: {  	v21 =	vld [tilespmem:s25+$0xE000]  }
0x1d7: {  	v22 =	vld [tilespmem:s25+$0x11800]  }
0x1d8: {  	v23 =	vld [tilespmem:s25+$0x12000]  }
0x1d9: {  	v61 =	vld [tilespmem:s25+$0x12800];
	v60 =	vmul.u32 v8, v19  }
0x1da: {  	v63 =	vld [tilespmem:s25+$0x13000];
	v62 =	vmul.u32 v9, v18  }
0x1db: {  	v19 =	vadd.s32 v21, v19;
	v21 =	vmul.u32 v10, v17;
	v20 =	vadd.s32 v20, v60  }
0x1dc: {  	v18 =	vadd.s32 v18, v19;
	v19 =	vadd.s32 v62, v20;
	v20 =	vmul.u32 v11, v22  }
0x1dd: {  	v17 =	vadd.s32 v17, v18;
	v18 =	vadd.s32 v21, v19;
	v19 =	vmul.u32 v12, v23;
	v21 =	vld [tilespmem:s25+$0x13800]  }
0x1de: {  	v17 =	vadd.s32 v22, v17;
	v18 =	vadd.s32 v20, v18;
	v20 =	vmul.u32 v13, v61  }
0x1df: {  	s28 =	simm.s32 $0x10;
	v22 =	vadd.s32 v23, v17;
	v18 =	vadd.s32 v19, v18;
	v19 =	vmul.u32 v14, v63  }
0x1e0: {  	v17 =	vld [tilespmem:s28+$0x11000];
	v22 =	vadd.s32 v61, v22;
	v20 =	vadd.s32 v20, v18  }
0x1e1: {  	v22 =	vadd.s32 v63, v22;
	v18 =	vld [tilespmem:s28+$0x10800];
	v23 =	vadd.s32 v19, v20  }
0x1e2: {  	s29 =	simm.s32 $0x80;
	s30 =	simm.s32 $0x0;
	s26 =	simm.s32 $0x0;
	v19 =	vld [tilespmem:s28+$0x10000];
	v20 =	vadd.s32 v21, v22;
	[tilespmem:s25+$0xF000] =	vst v23  }
.LBB2_20:
0x1e3: {  	p1 =	sne.s32 s29, $0x1FC0;
	v21 =	vld [tilespmem:s28+$0xF000];
	[tilespmem:s30+$0xE000] =	vst v20;
	s30 =	smov.u32 s28  }
0x1e4: {  	v20 =	vld [tilespmem:s30+$0xE000]  }
0x1e5: {  	v22 =	vld [tilespmem:s30+$0x11800]  }
0x1e6: {  	v23 =	vld [tilespmem:s30+$0x12000]  }
0x1e7: {  	v24 =	vmul.u32 v8, v19;
	v25 =	vld [tilespmem:s30+$0x12800]  }
0x1e8: {  	v26 =	vmul.u32 v9, v18;
	v27 =	vld [tilespmem:s30+$0x13000]  }
0x1e9: {  	v19 =	vadd.s32 v20, v19;
	v20 =	vadd.s32 v21, v24;
	v21 =	vmul.u32 v10, v17  }
0x1ea: {  	v18 =	vadd.s32 v18, v19;
	v19 =	vadd.s32 v26, v20;
	v20 =	vmul.u32 v11, v22  }
0x1eb: {  	v17 =	vadd.s32 v17, v18;
	v18 =	vadd.s32 v21, v19;
	v19 =	vmul.u32 v12, v23;
	v21 =	vld [tilespmem:s30+$0x13800]  }
.Ltmp9:
0x1ec: {  	v17 =	vadd.s32 v22, v17;
	v18 =	vadd.s32 v20, v18;
	v20 =	vmul.u32 v13, v25;
	(pc) =	sbr.rel @p1 .LBB2_20-.Ltmp9, $4  }
0x1ed: {  	s28 =	sshra.s32 s29, $0x2;
	v22 =	vadd.s32 v23, v17;
	v18 =	vadd.s32 v19, v18;
	v19 =	vmul.u32 v14, v27  }
0x1ee: {  	v17 =	vld [tilespmem:s28+$0x11000];
	v22 =	vadd.s32 v25, v22;
	v20 =	vadd.s32 v20, v18  }
0x1ef: {  	v18 =	vld [tilespmem:s28+$0x10800];
	v22 =	vadd.s32 v27, v22;
	v23 =	vadd.s32 v19, v20  }
0x1f0: {  	s29 =	sadd.s32 $0x40, s29;
	v19 =	vld [tilespmem:s28+$0x10000];
	v20 =	vadd.s32 v21, v22;
	[tilespmem:s30+$0xF000] =	vst v23  }
0x1f1: {  	v21 =	vld [tilespmem:s28+$0xF000];
	[tilespmem:s30+$0xE000] =	vst v20  }
0x1f2: {  	v20 =	vld [tilespmem:s28+$0xE000]  }
0x1f3: {  	v22 =	vld [tilespmem:s28+$0x11800]  }
0x1f4: {  	v23 =	vld [tilespmem:s28+$0x12000]  }
0x1f5: {  	v25 =	vld [tilespmem:s28+$0x12800];
	v24 =	vmul.u32 v8, v19  }
0x1f6: {  	v27 =	vld [tilespmem:s28+$0x13000];
	v26 =	vmul.u32 v9, v18  }
0x1f7: {  	v19 =	vadd.s32 v20, v19;
	v20 =	vadd.s32 v21, v24;
	v21 =	vmul.u32 v10, v17  }
0x1f8: {  	v18 =	vadd.s32 v18, v19;
	v19 =	vadd.s32 v26, v20;
	v20 =	vmul.u32 v11, v22  }
0x1f9: {  	v17 =	vadd.s32 v17, v18;
	v18 =	vadd.s32 v21, v19;
	v19 =	vmul.u32 v12, v23;
	v21 =	vld [tilespmem:s28+$0x13800]  }
0x1fa: {  	v17 =	vadd.s32 v22, v17;
	v18 =	vadd.s32 v20, v18;
	v20 =	vmul.u32 v13, v25  }
0x1fb: {  	v17 =	vadd.s32 v23, v17;
	v18 =	vadd.s32 v19, v18;
	v19 =	vmul.u32 v14, v27  }
0x1fc: {  	v17 =	vadd.s32 v25, v17;
	v18 =	vadd.s32 v20, v18  }
0x1fd: {  	v17 =	vadd.s32 v27, v17;
	v18 =	vadd.s32 v19, v18  }
0x1fe: {  	v17 =	vadd.s32 v21, v17;
	[tilespmem:s28+$0xF000] =	vst v18  }
0x1ff: {  	[tilespmem:s28+$0xE000] =	vst v17  }
0x200: {  	s28 =	simm.s32 $0x10;
	v19 =	vld [tilespmem:s25+$0xE000]  }
0x201: {  	v17 =	vld [tilespmem:s28+$0xE000];
	_ =	sdelay $0x3  }
0x202: {  	(xrf0) =	vadd.scan.msk.s32 $0xffff, v19  }
0x203: {  	(xrf0) =	vadd.scan.msk.s32 $0xffff, v17;
	_ =	sdelay $0x4  }
0x204: {  	s29 =	simm.s32 $0x20;
	v20, _, _ =	vpop (xrf0)  }
0x205: {  	v25 =	vld [tilespmem:s29+$0xE000];
	(v2sf) =	vpush v20, $0xF;
	v23, _, _ =	vpop (xrf0)  }
0x206: {  	(v2sf) =	vpush v23, $0xF;
	_ =	sdelay $0x2  }
0x207: {  	v26 =	vld [tilespmem:s25+$0xF000]  }
0x208: {  	s30 =	simm.s32 $0x30;
	v18 =	vld [tilespmem:s28+$0xF000];
	(xrf0) =	vadd.scan.msk.s32 $0xffff, v25  }
0x209: {  	v21 =	vld [tilespmem:s30+$0xE000]  }
0x20a: {  	v22 =	vld [tilespmem:s29+$0xF000]  }
0x20b: {  	v24 =	vld [tilespmem:s30+$0xF000];
	_ =	sdelay $0x1  }
0x20c: {  	s31 =	simm.s32 $0x100  }
.LBB2_22:
0x20d: {  	s0 =	sshra.s32 s31, $0x2;
	p1 =	sne.s32 s31, $0x1FC0;
	s31 =	sadd.s32 $0x40, s31;
	(xrf0) =	vadd.scan.msk.s32 $0xffff, v21;
	v27, _, _ =	vpop (xrf0);
	v28 =	vsub.s32 s26, v19;
	v19 =	vmov v17;
	v17 =	vmov v25  }
.Ltmp10:
0x20e: {  	v25 =	vmovc v21;
	(v2sf) =	vpush v27, $0xF;
	v28 =	vadd.s32 v26, v28;
	v21 =	vld [tilespmem:s0+$0xE000];
	v26 =	vmovc v18;
	v18 =	vmov v22;
	(pc) =	sbr.rel @p1 .LBB2_22-.Ltmp10, $4  }
0x20f: {  	v22 =	vmovc v24;
	v28 =	vadd.s32 v20, v28;
	v20 =	vmov v23;
	v23 =	vmov v27;
	v24 =	vld [tilespmem:s0+$0xF000]  }
0x210: {  	[tilespmem:s25+$0xD000] =	vst v28;
	s25 =	smov.u32 s28;
	s28 =	smov.u32 s29;
	s29 =	smov.u32 s30  }
0x211: {  	s30 =	smov.u32 s0;
	s2 =	spop (v2sf)  }
0x212: {  	s26 =	sadd.s32 s26, s2  }
0x213: {  	(xrf0) =	vadd.scan.msk.s32 $0xffff, v21  }
0x214: {  	v27, _, _ =	vpop (xrf0)  }
0x215: {  	(v2sf) =	vpush v27, $0xF;
	_ =	sdelay $0x3  }
0x216: {  	v28, _, _ =	vpop (xrf0)  }
0x217: {  	(v2sf) =	vpush v28, $0xF;
	_ =	sdelay $0x7  }
0x218: {  	s0 =	spop (v2sf)  }
0x219: {  	v19 =	vsub.s32 s26, v19;
	s0 =	sadd.s32 s26, s0;
	s2 =	spop (v2sf)  }
0x21a: {  	v19 =	vadd.s32 v26, v19;
	v17 =	vsub.s32 s0, v17;
	s0 =	sadd.s32 s0, s2;
	s26 =	spop (v2sf)  }
0x21b: {  	v19 =	vadd.s32 v20, v19;
	v17 =	vadd.s32 v18, v17;
	v25 =	vsub.s32 s0, v25;
	s0 =	sadd.s32 s0, s26  }
0x21c: {  	[tilespmem:s25+$0xD000] =	vst v19;
	v17 =	vadd.s32 v23, v17;
	v18 =	vadd.s32 v22, v25;
	v19 =	vsub.s32 s0, v21  }
0x21d: {  	[tilespmem:s28+$0xD000] =	vst v17;
	v17 =	vadd.s32 v27, v18;
	v18 =	vadd.s32 v24, v19  }
0x21e: {  	[tilespmem:s29+$0xD000] =	vst v17;
	v17 =	vadd.s32 v28, v18  }
0x21f: {  	[tilespmem:s30+$0xD000] =	vst v17;
	s31 =	spop (v2sf)  }
0x220: {  	s25 =	simm.s32 $0x0;
	[bflag:$0x0] =	sbarrier.arrive $0xFFFF  }
.LBB2_24:
0x221: {  	s26 =	sshra.s32 s25, $0x2  }
0x222: {  	v17 =	vld [tilespmem:s26+$0x4000];
	_ =	sdelay $0x4  }
0x223: {  	v17 =	vshrl.u32 v17, $0x12  }
0x224: {  	(xrf1) =	vunique.msk.u32 $0xffff, v17;
	_ =	sdelay $0xb  }
0x225: {  	v18 =	vld.idx.msk [tilespmem:v17+s20+$0x0], $0xffff;
	_ =	sdelay $0x1  }
0x226: {  	_, v19, vm0 =	vpop (xrf1);
	_ =	sdelay $0x2  }
0x227: {  	v18 =	vadd.s32 v19, v18  }
0x228: {  	v18 =	vadd.s32 $0xFFFFFFFF, v18  }
0x229: {  	[tilespmem:s26+$0x8000] =	vst v18  }
0x22a: {  	[tilespmem:v17+s20+$0x0] =	vst.idx.add.s32.msk vm0, v19  }
0x22b: {  	v17 =	vld [tilespmem:s26+$0x4010];
	_ =	sdelay $0x4  }
0x22c: {  	v17 =	vshrl.u32 v17, $0x12  }
0x22d: {  	(xrf1) =	vunique.msk.u32 $0xffff, v17;
	_ =	sdelay $0x4  }
0x22e: {  	v18 =	vld [tilespmem:s26+$0x4000];
	_ =	sdelay $0x4  }
0x22f: {  	v18 =	vand.u32 $0x3FFFF, v18  }
0x230: {  	[tilespmem:s26+$0x4000] =	vst v18  }
0x231: {  	v18 =	vld.idx.msk [tilespmem:v17+s20+$0x0], $0xffff;
	_ =	sdelay $0x1  }
0x232: {  	_, v19, vm0 =	vpop (xrf1);
	_ =	sdelay $0x2  }
0x233: {  	v18 =	vadd.s32 v19, v18  }
0x234: {  	v18 =	vadd.s32 $0xFFFFFFFF, v18  }
0x235: {  	[tilespmem:s26+$0x8010] =	vst v18  }
0x236: {  	[tilespmem:v17+s20+$0x0] =	vst.idx.add.s32.msk vm0, v19  }
0x237: {  	v17 =	vld [tilespmem:s26+$0x4020];
	_ =	sdelay $0x4  }
0x238: {  	v17 =	vshrl.u32 v17, $0x12  }
0x239: {  	(xrf1) =	vunique.msk.u32 $0xffff, v17;
	_ =	sdelay $0x4  }
0x23a: {  	v18 =	vld [tilespmem:s26+$0x4010];
	_ =	sdelay $0x4  }
0x23b: {  	v18 =	vand.u32 $0x3FFFF, v18  }
0x23c: {  	[tilespmem:s26+$0x4010] =	vst v18  }
0x23d: {  	v18 =	vld.idx.msk [tilespmem:v17+s20+$0x0], $0xffff;
	_ =	sdelay $0x1  }
0x23e: {  	_, v19, vm0 =	vpop (xrf1);
	_ =	sdelay $0x2  }
0x23f: {  	v18 =	vadd.s32 v19, v18  }
0x240: {  	v18 =	vadd.s32 $0xFFFFFFFF, v18  }
0x241: {  	[tilespmem:s26+$0x8020] =	vst v18  }
0x242: {  	[tilespmem:v17+s20+$0x0] =	vst.idx.add.s32.msk vm0, v19  }
0x243: {  	v17 =	vld [tilespmem:s26+$0x4030];
	_ =	sdelay $0x4  }
0x244: {  	v17 =	vshrl.u32 v17, $0x12  }
0x245: {  	(xrf1) =	vunique.msk.u32 $0xffff, v17;
	_ =	sdelay $0x4  }
0x246: {  	v18 =	vld [tilespmem:s26+$0x4020];
	_ =	sdelay $0x4  }
0x247: {  	v18 =	vand.u32 $0x3FFFF, v18  }
0x248: {  	[tilespmem:s26+$0x4020] =	vst v18  }
0x249: {  	v18 =	vld.idx.msk [tilespmem:v17+s20+$0x0], $0xffff;
	_ =	sdelay $0x1  }
0x24a: {  	_, v19, vm0 =	vpop (xrf1);
	_ =	sdelay $0x2  }
0x24b: {  	v18 =	vadd.s32 v19, v18  }
0x24c: {  	v18 =	vadd.s32 $0xFFFFFFFF, v18  }
0x24d: {  	[tilespmem:s26+$0x8030] =	vst v18  }
0x24e: {  	[tilespmem:v17+s20+$0x0] =	vst.idx.add.s32.msk vm0, v19  }
0x24f: {  	v17 =	vld [tilespmem:s26+$0x4040];
	_ =	sdelay $0x4  }
0x250: {  	v17 =	vshrl.u32 v17, $0x12  }
0x251: {  	(xrf1) =	vunique.msk.u32 $0xffff, v17;
	_ =	sdelay $0x4  }
0x252: {  	v18 =	vld [tilespmem:s26+$0x4030];
	_ =	sdelay $0x4  }
0x253: {  	v18 =	vand.u32 $0x3FFFF, v18  }
0x254: {  	[tilespmem:s26+$0x4030] =	vst v18  }
0x255: {  	v18 =	vld.idx.msk [tilespmem:v17+s20+$0x0], $0xffff;
	_ =	sdelay $0x1  }
0x256: {  	_, v19, vm0 =	vpop (xrf1);
	_ =	sdelay $0x2  }
0x257: {  	v18 =	vadd.s32 v19, v18  }
0x258: {  	v18 =	vadd.s32 $0xFFFFFFFF, v18  }
0x259: {  	[tilespmem:s26+$0x8040] =	vst v18  }
0x25a: {  	[tilespmem:v17+s20+$0x0] =	vst.idx.add.s32.msk vm0, v19  }
0x25b: {  	v17 =	vld [tilespmem:s26+$0x4050];
	_ =	sdelay $0x4  }
0x25c: {  	v17 =	vshrl.u32 v17, $0x12  }
0x25d: {  	(xrf1) =	vunique.msk.u32 $0xffff, v17;
	_ =	sdelay $0x4  }
0x25e: {  	v18 =	vld [tilespmem:s26+$0x4040];
	_ =	sdelay $0x4  }
0x25f: {  	v18 =	vand.u32 $0x3FFFF, v18  }
0x260: {  	[tilespmem:s26+$0x4040] =	vst v18  }
0x261: {  	v18 =	vld.idx.msk [tilespmem:v17+s20+$0x0], $0xffff;
	_ =	sdelay $0x1  }
0x262: {  	_, v19, vm0 =	vpop (xrf1);
	_ =	sdelay $0x2  }
0x263: {  	v18 =	vadd.s32 v19, v18  }
0x264: {  	v18 =	vadd.s32 $0xFFFFFFFF, v18  }
0x265: {  	[tilespmem:s26+$0x8050] =	vst v18  }
0x266: {  	[tilespmem:v17+s20+$0x0] =	vst.idx.add.s32.msk vm0, v19  }
0x267: {  	v17 =	vld [tilespmem:s26+$0x4060];
	_ =	sdelay $0x4  }
0x268: {  	v17 =	vshrl.u32 v17, $0x12  }
0x269: {  	(xrf1) =	vunique.msk.u32 $0xffff, v17;
	_ =	sdelay $0x4  }
0x26a: {  	v18 =	vld [tilespmem:s26+$0x4050];
	_ =	sdelay $0x4  }
0x26b: {  	v18 =	vand.u32 $0x3FFFF, v18  }
0x26c: {  	[tilespmem:s26+$0x4050] =	vst v18  }
0x26d: {  	v18 =	vld.idx.msk [tilespmem:v17+s20+$0x0], $0xffff;
	_ =	sdelay $0x1  }
0x26e: {  	_, v19, vm0 =	vpop (xrf1);
	_ =	sdelay $0x2  }
0x26f: {  	v18 =	vadd.s32 v19, v18  }
0x270: {  	v18 =	vadd.s32 $0xFFFFFFFF, v18  }
0x271: {  	[tilespmem:s26+$0x8060] =	vst v18  }
0x272: {  	[tilespmem:v17+s20+$0x0] =	vst.idx.add.s32.msk vm0, v19  }
0x273: {  	v17 =	vld [tilespmem:s26+$0x4070];
	_ =	sdelay $0x4  }
0x274: {  	v17 =	vshrl.u32 v17, $0x12  }
0x275: {  	(xrf1) =	vunique.msk.u32 $0xffff, v17;
	_ =	sdelay $0x4  }
0x276: {  	v18 =	vld [tilespmem:s26+$0x4060];
	_ =	sdelay $0x4  }
0x277: {  	v18 =	vand.u32 $0x3FFFF, v18  }
0x278: {  	[tilespmem:s26+$0x4060] =	vst v18  }
0x279: {  	v18 =	vld.idx.msk [tilespmem:v17+s20+$0x0], $0xffff;
	_ =	sdelay $0x1  }
0x27a: {  	_, v19, vm0 =	vpop (xrf1);
	_ =	sdelay $0x2  }
0x27b: {  	v18 =	vadd.s32 v19, v18  }
0x27c: {  	v18 =	vadd.s32 $0xFFFFFFFF, v18  }
0x27d: {  	[tilespmem:s26+$0x8070] =	vst v18  }
0x27e: {  	[tilespmem:v17+s20+$0x0] =	vst.idx.add.s32.msk vm0, v19  }
0x27f: {  	v17 =	vld [tilespmem:s26+$0x4070]  }
0x280: {  	p1 =	sne.s32 s25, $0xFE00  }
.Ltmp11:
0x281: {  	_ = 	snop;
	(pc) =	sbr.rel @p1 .LBB2_24-.Ltmp11, $3  }
0x282: {  	_ =	sdelay $0x1  }
0x283: {  	v17 =	vand.u32 $0x3FFFF, v17  }
0x284: {  	s25 =	sadd.s32 $0x200, s25;
	[tilespmem:s26+$0x4070] =	vst v17  }
0x285: {  	[spmem:s3] =	stream.indirect.scatter [tilespmem:s22], [sflag:$0x1], $0x1, s21, s22, $0xb8;
	[tilespmem:$0x1D000] =	vst v63  }
0x286: {  	_ =	swait.ge [sflag:s8], $0x4000  }
0x287: {  	[sflag:s8] =	ssyncset.done $0x0  }
0x288: {  	[sflag:s8] =	ssyncadd.s32 $0xFFFFC000  }
0x289: {  	[bflag:$0x0] =	sbarrier.arrive $0xFFFF  }
0x28a: {  	[tilespmem:s22], [sflag:$0x2] =	stream.linear.gather [spmem:s13], $0x2000, $0x38;
	[tilespmem:$0x1D000] =	vst v63  }
0x28b: {  	_ =	swait.ge [sflag:s17], $0x2000  }
0x28c: {  	[sflag:s17] =	ssyncset.done $0x0  }
0x28d: {  	[sflag:s17] =	ssyncadd.s32 $0xFFFFE000  }
0x28e: {  	[hbm4b:s14+s4] =	stream.linear.scatter [tilespmem:s22], [sflag:$0x2], $0x2000, $0x38;
	[tilespmem:$0x1D000] =	vst v63  }
0x28f: {  	_ =	swait.ge [sflag:s17], $0x2000  }
0x290: {  	[sflag:s17] =	ssyncset.done $0x0  }
0x291: {  	[sflag:s17] =	ssyncadd.s32 $0xFFFFE000  }
0x292: {  	s0 =	rddreg [dreg:$0x0]  }
0x293: {  	[tilespmem:s4], [sflag:$0x1] =	stream.indirect.gather [hbm4b:s0+s23], $0x1, s22, s23, $0xb8;
	[tilespmem:$0x1D000] =	vst v63  }
0x294: {  	s24 =	sadd.s32 $0x1, s24;
	_ =	swait.ge [sflag:s8], $0x2000  }
0x295: {  	p1 =	sne.s32 s24, s16;
	[sflag:s8] =	ssyncset.done $0x0  }
.Ltmp12:
0x296: {  	[sflag:s8] =	ssyncadd.s32 $0xFFFFE000;
	(pc) =	sbr.rel @p1 .LBB2_1-.Ltmp12, $4  }
0x297: {  	[hbm4b:s15+s4] =	stream.linear.scatter [tilespmem:s4], [sflag:$0x2], $0x2000, $0x38;
	[tilespmem:$0x1D000] =	vst v63  }
0x298: {  	_ =	swait.ge [sflag:s17], $0x2000  }
0x299: {  	[sflag:s17] =	ssyncset.done $0x0  }
0x29a: {  	[sflag:s17] =	ssyncadd.s32 $0xFFFFE000  }
0x29b: {  	_ =	sfence.sel $0x180000  }
0x29c: {  	[bflag:$0x0] =	sbarrier.arrive $0xFFFF  }
0x29d: {  	_ =	strace $0x90000047  }
0x29e: {  	[bflag:$0x2] =	sbarrier.arrive $0xFFFF  }
0x29f: {  	s0 =	rddreg [dreg:$0x5]  }
0x2a0: {  	s0 =	sadd.s32 @!p0 $0x100000, s0  }
0x2a1: {  	[sflag:s0] =	ssyncadd.tile.s32 @!p0 $0x1;
	_ =	shalt  }
.Lfunc_end2:
_tile_overlayer_lowered:
.L_overlay_start_2:
0x2a2: {  	(tag) =	ssettag $0x2  }
0x2a3: {  	s0 =	rddreg [dreg:$0x0];
	s2 =	stileid.u32  }
0x2a4: {  	s1 =	rddreg [dreg:$0x1];
	p0 =	sne.s32 s2, $0x0  }
0x2a5: {  	s3 =	rddreg [dreg:$0x2];
	[bflag:$0x3] =	sbarrier.arrive $0xFFFF;
	s2 =	simm.s32 @!p0 $0x1C02  }
0x2a6: {  	[timem:s3], [sflag:s2] =	dma.local @!p0 [hbm:s0], s1  }
0x2a7: {  	s0 =	simm.s32 @!p0 $0x2  }
0x2a8: {  	_ =	swait.ge @!p0 [sflag:s0], s1  }
0x2a9: {  	s1 =	ssub.s32 @!p0 $0x0, s1;
	[sflag:s0] =	ssyncset.done @!p0 $0x0  }
0x2aa: {  	[sflag:s0] =	ssyncadd.s32 @!p0 s1  }
0x2ab: {  	[bflag:$0x3] =	sbarrier.arrive $0xFFFF  }
0x2ac: {  	_ =	shalt  }

// kernel: _sorter.7.cloned.1.call-start
scs
__scs_entry_jumppad:
0x0: {  	(pc) =	sbr.rel $0x88, $3  }
0x1: {  	(tag) =	ssettag $0x0;
	lr =	simm.s32 $0x1  }
0x2: {  	[smem:$0x3F9F] =	sst lr;
	_ =	strace $0xD0000000  }
0x3: {  	_ = 	snop  }
0x4: {  	_ = 	snop  }
0x5: {  	_ = 	snop  }
0x6: {  	_ = 	snop  }
0x7: {  	_ = 	snop  }
__scs_overlays_trampoline_lowered:
0x8: {  	[smem:$0x3FAE] =	sst s0  }
0x9: {  	[smem:$0x3FAF] =	sst s1  }
0xa: {  	[smem:$0x3FB0] =	sst s2  }
0xb: {  	[smem:$0x3FB1] =	sst s3  }
0xc: {  	[smem:$0x3FB2] =	sst s4  }
0xd: {  	[smem:$0x3FB3] =	sst s5  }
0xe: {  	[smem:$0x3FB4] =	sst s6  }
0xf: {  	[smem:$0x3FB5] =	sst s7  }
0x10: {  	[smem:$0x3FB6] =	sst s8  }
0x11: {  	[smem:$0x3FB7] =	sst s9;
	s0 =	simm.s32 @!p0 $0x0  }
0x12: {  	s1 =	sld [smem:$0x3F9D];
	s0 =	simm.s32 @p0 $0x1  }
0x13: {  	[smem:$0x3FB8] =	sst s0;
	s0 =	simm.s32 @!p1 $0x0  }
0x14: {  	s2 =	sld [smem:$0x3F9C];
	s0 =	simm.s32 @p1 $0x1  }
0x15: {  	[smem:$0x3FB9] =	sst s0;
	s0 =	simm.s32 @!p2 $0x0  }
0x16: {  	s3 =	sld [smem:$0x3FDB];
	s0 =	simm.s32 @p2 $0x1  }
0x17: {  	s4 =	simm.s32 $0x1BF5;
	[smem:$0x3FBB] =	sst s0  }
0x18: {  	s0 =	sld [smem:$0x3F9E];
	_ =	swait.ge [sflag:s4], $0x0  }
0x19: {  	s7 =	sld [smem:$0x3F9F]  }
0x1a: {  	s8 =	sadd.s32 $0xFFFFE003, lr  }
0x1b: {  	s9 =	sadd.s32 $0xFFFFFEF7, lr;
	s5 =	simm.s32 $0xFFFFFFFF;
	p2 =	slt.u32 s8, $0xFFFFF086  }
0x1c: {  	p1 =	slt.u32 s9, $0xF7A;
	s5 =	simm.s32 @!p2 $0x0  }
0x1d: {  	s5 =	simm.s32 @p1 $0x1;
	p0 =	seq.s32 s7, s2  }
0x1e: {  	s7 =	smul.u32 @!p0 $0xF7A, s2;
	p2 =	seq.s32 @!p0 s5, $0x0  }
0x1f: {  	s9 =	smul.u32 $0xF7A, s1;
	s8 =	simm.s32 @!p0 $0x1BF5;
	p2 =	por !p2, p0  }
0x20: {  	[sflag:s8] =	ssyncset.s32 @!p0 $0xFFFFF086;
	s6 =	sadd.s32 @!p0 s3, s7;
	s7 =	simm.s32 @!p0 $0x108  }
0x21: {  	s3 =	sadd.s32 s3, s9;
	s6 =	sadd.s32 @!p0 $0x88, s6;
	s7 =	simm.s32 @p2 $0x1082  }
0x22: {  	[simem:s7], [sflag:s8] =	dma.local @!p0 [hbm:s6], $0xF7A  }
0x23: {  	s9 =	sor.u32 $0xD0000000, s2;
	s6 =	simm.s32 $0x108;
	_ =	swait.ge @!p0 [sflag:s8], $0x0  }
0x24: {  	s3 =	sadd.s32 $0x88, s3;
	s6 =	simm.s32 @!p1 $0x1082;
	[sflag:s4] =	ssyncset.s32 $0xFFFFF086  }
0x25: {  	[simem:s6], [sflag:s4] =	dma.local [hbm:s3], $0xF7A  }
0x26: {  	[smem:$0x3F9F] =	sst s1;
	(tag) =	ssettag s2;
	_ =	strace s9  }
0x27: {  	s1 =	sld [smem:$0x3FAF]  }
0x28: {  	s2 =	sld [smem:$0x3FB0]  }
0x29: {  	s4 =	sld [smem:$0x3FB2]  }
0x2a: {  	p0 =	seq.s32 s5, $0x0;
	s5 =	sld [smem:$0x3FB3]  }
0x2b: {  	s6 =	sld [smem:$0x3FB4]  }
0x2c: {  	s7 =	sld [smem:$0x3FB5]  }
0x2d: {  	s3 =	simm.s32 $0x108;
	s8 =	sld [smem:$0x3FB6]  }
0x2e: {  	s3 =	simm.s32 @!p0 $0x1082;
	s9 =	sld [smem:$0x3FB7]  }
0x2f: {  	lr =	sadd.s32 s0, s3;
	s0 =	sld [smem:$0x3FAE]  }
0x30: {  	s3 =	sld [smem:$0x3FB1]  }
0x31: {  	[smem:$0x3FBA] =	sst s10  }
0x32: {  	s10 =	sld [smem:$0x3FB8];
	_ =	sdelay $0x3  }
0x33: {  	p0 =	seq.s32 s10, $0x1;
	s10 =	sld [smem:$0x3FBA];
	_ =	sdelay $0x3  }
0x34: {  	[smem:$0x3FBA] =	sst s10  }
0x35: {  	s10 =	sld [smem:$0x3FB9];
	_ =	sdelay $0x3  }
0x36: {  	p1 =	seq.s32 s10, $0x1;
	s10 =	sld [smem:$0x3FBA];
	_ =	sdelay $0x3  }
0x37: {  	[smem:$0x3FBA] =	sst s10  }
0x38: {  	s10 =	sld [smem:$0x3FBB]  }
0x39: {  	_ = 	snop;
	(pc) =	sbr.ind lr, $3  }
0x3a: {  	_ = 	snop  }
0x3b: {  	_ = 	snop  }
0x3c: {  	p2 =	seq.s32 s10, $0x1;
	s10 =	sld [smem:$0x3FBA]  }
0x3d: {  	_ =	shalt  }
0x3e: {  	_ =	shalt  }
0x3f: {  	_ =	shalt  }
0x40: {  	_ =	shalt  }
0x41: {  	_ =	shalt  }
0x42: {  	_ =	shalt  }
0x43: {  	_ =	shalt  }
0x44: {  	_ =	shalt  }
0x45: {  	_ =	shalt  }
0x46: {  	_ =	shalt  }
0x47: {  	_ =	shalt  }
0x48: {  	_ =	shalt  }
0x49: {  	_ =	shalt  }
0x4a: {  	_ =	shalt  }
0x4b: {  	_ =	shalt  }
0x4c: {  	_ =	shalt  }
0x4d: {  	_ =	shalt  }
0x4e: {  	_ =	shalt  }
0x4f: {  	_ =	shalt  }
0x50: {  	_ =	shalt  }
0x51: {  	_ =	shalt  }
0x52: {  	_ =	shalt  }
0x53: {  	_ =	shalt  }
0x54: {  	_ =	shalt  }
0x55: {  	_ =	shalt  }
0x56: {  	_ =	shalt  }
0x57: {  	_ =	shalt  }
0x58: {  	_ =	shalt  }
0x59: {  	_ =	shalt  }
0x5a: {  	_ =	shalt  }
0x5b: {  	_ =	shalt  }
0x5c: {  	_ =	shalt  }
0x5d: {  	_ =	shalt  }
0x5e: {  	_ =	shalt  }
0x5f: {  	_ =	shalt  }
0x60: {  	_ =	shalt  }
0x61: {  	_ =	shalt  }
0x62: {  	_ =	shalt  }
0x63: {  	_ =	shalt  }
0x64: {  	_ =	shalt  }
0x65: {  	_ =	shalt  }
0x66: {  	_ =	shalt  }
0x67: {  	_ =	shalt  }
0x68: {  	_ =	shalt  }
0x69: {  	_ =	shalt  }
0x6a: {  	_ =	shalt  }
0x6b: {  	_ =	shalt  }
0x6c: {  	_ =	shalt  }
0x6d: {  	_ =	shalt  }
0x6e: {  	_ =	shalt  }
0x6f: {  	_ =	shalt  }
0x70: {  	_ =	shalt  }
0x71: {  	_ =	shalt  }
0x72: {  	_ =	shalt  }
0x73: {  	_ =	shalt  }
0x74: {  	_ =	shalt  }
0x75: {  	_ =	shalt  }
0x76: {  	_ =	shalt  }
0x77: {  	_ =	shalt  }
0x78: {  	_ =	shalt  }
0x79: {  	_ =	shalt  }
0x7a: {  	_ =	shalt  }
0x7b: {  	_ =	shalt  }
0x7c: {  	_ =	shalt  }
0x7d: {  	_ =	shalt  }
0x7e: {  	_ =	shalt  }
0x7f: {  	_ =	shalt  }
0x80: {  	_ =	shalt  }
0x81: {  	_ =	shalt  }
0x82: {  	_ =	shalt  }
0x83: {  	_ =	shalt  }
0x84: {  	_ =	shalt  }
0x85: {  	_ =	shalt  }
0x86: {  	_ =	shalt  }
0x87: {  	_ =	shalt  }
.Lfunc_end0:
.L_simem_size_0:
called_computation.2_lowered:
.L_overlay_start_0:
0x88: {  	s2 =	sld [smem:$0x3FD9]  }
0x89: {  	s3 =	sld [smem:$0x3FFE];
	_ =	sdelay $0x1  }
0x8a: {  	s1 =	srdreg.scid  }
0x8b: {  	s0 =	sand.u32 $0x1, s1  }
0x8c: {  	s14 =	sshll.u32 s0, $0xA;
	s2 =	sadd.s32 s3, s2  }
0x8d: {  	s2 =	sadd.s32 s2, s14  }
0x8e: {  	[smem:$0x3FC6] =	sst s2  }
0x8f: {  	_ = 	snop  }
0x90: {  	s2 =	sld [smem:$0x3FD0];
	_ =	sdelay $0x2  }
0x91: {  	s15 =	simm.s32 $0xA;
	s4 =	simm.s32 $0x10  }
0x92: {  	[smem:s4], [sflag:s15] =	dma.local [hbm:s2], $0x1  }
0x93: {  	_ =	swait.eq [sflag:s15], $0x1  }
0x94: {  	[sflag:s15] =	ssyncset.done $0x0  }
0x95: {  	[sflag:s15] =	ssyncadd.s32 $0xFFFFFFFF  }
0x96: {  	s16 =	sld [smem:$0x11];
	(tm) =	ssettm $0x1  }
0x97: {  	s17 =	sld [smem:$0x3FFB];
	_ =	sdelay $0x3  }
0x98: {  	_ =	strace s17  }
0x99: {  	s3 =	sld [smem:$0x3FFC];
	_ =	sdelay $0x3  }
0x9a: {  	_ =	strace s3  }
0x9b: {  	s3 =	sld [smem:$0x3FFD];
	_ =	sdelay $0x3  }
0x9c: {  	_ =	strace s3  }
0x9d: {  	_ =	strace $0x8FFFFFFF  }
0x9e: {  	s18 =	sld [smem:$0x3FDB];
	_ =	sdelay $0x1  }
0x9f: {  	s19 =	simm.s32 $_scs_section_size  }
0xa0: {  	s5 =	simm.s32 $_size__tile_overlayer_lowered;
	s6 =	simm.s32 $_tile_overlayer_lowered  }
0xa1: {  	s22 =	simm.s32 $0x1BFF;
	s21 =	sshll.u32 s6, $0x1;
	s3 =	sadd.s32 s19, s18  }
0xa2: {  	s7 =	simm.s32 $0x0;
	s20 =	sshll.u32 s5, $0x1;
	s5 =	sadd.s32 s21, s3  }
0xa3: {  	[timem:s7], [sflag:s22] =	dma.local [hbm:s5], s20  }
0xa4: {  	_ =	swait.ge [sflag:s22], s20  }
0xa5: {  	s4 =	ssub.s32 $0x0, s20;
	[sflag:s22] =	ssyncset.done $0x0  }
0xa6: {  	[sflag:s22] =	ssyncadd.s32 s4;
	_ =	sdelay $0x1  }
0xa7: {  	s23 =	simm.s32 $0x1B8B  }
0xa8: {  	_ =	swait.ge [sflag:s23], $0x1  }
0xa9: {  	[sflag:s23] =	ssyncset.done $0x0  }
0xaa: {  	s25 =	simm.s32 $0x1B8E;
	s24 =	sld [smem:$0x3FFE];
	[sflag:s23] =	ssyncadd.s32 $0xFFFFFFFF  }
0xab: {  	s26 =	simm.s32 $execute0_lowered;
	[smem:$0x3FD2] =	sst s25  }
0xac: {  	s5 =	sshll.u32 s26, $0x1;
	_ =	strace $0x80000049;
	[dreg:$0x1] =	wrdreg $0xFFFFFFFF  }
0xad: {  	s28 =	simm.s32 $_size_execute0_lowered;
	s3 =	sadd.s32 s3, s5;
	[dreg:$0x0] =	wrdreg $0x0  }
0xae: {  	s5 =	sshll.u32 s28, $0x1;
	[dreg:$0x2] =	wrdreg s3  }
0xaf: {  	[dreg:$0x3] =	wrdreg s5  }
0xb0: {  	[dreg:$0x4] =	wrdreg $0xC0  }
0xb1: {  	_ =	task [dreg:s7], $0x5FFFF  }
0xb2: {  	[dreg:$0x1] =	wrdreg $0xFFFFFFFF  }
0xb3: {  	[dreg:$0x0] =	wrdreg $0x60  }
0xb4: {  	[dreg:$0x2] =	wrdreg s16  }
0xb5: {  	[dreg:$0x3] =	wrdreg s24  }
0xb6: {  	[dreg:$0x4] =	wrdreg $0x9  }
0xb7: {  	_ =	task.clear_ibuf [dreg:s7], $0x5FFFF;
	_ =	strace $0x90000049  }
0xb8: {  	s29 =	simm.s32 $0x9;
	_ =	strace $0x8000004B  }
0xb9: {  	_ =	swait.ge [sflag:s29], $0x1  }
0xba: {  	[sflag:s29] =	ssyncadd.s32 $0xFFFFFFFF  }
0xbb: {  	_ =	strace $0x9000004B  }
0xbc: {  	_ =	sfence  }
0xbd: {  	s30 =	sld [smem:$0x0];
	_ =	sdelay $0x2  }
0xbe: {  	s31 =	sshll.u32 s1, $0xD;
	s1 =	sshrl.u32 s1, $0x2  }
0xbf: {  	s3 =	sand.u32 $0x4000, s31;
	s1 =	sadd.s32 s1, s30  }
0xc0: {  	s0 =	sor.u32 s3, s0;
	s1 =	sshll.u32 s1, $0x11  }
0xc1: {  	s0 =	sor.u32 s1, s0  }
0xc2: {  	s0 =	sadd.s32 $0x8F2B, s0  }
0xc3: {  	[sflag:s0] =	ssyncadd.remote.s32 $0x1  }
0xc4: {  	_ =	sfence.sel $0xFFFF  }
0xc5: {  	[dreg:$0x0] =	wrdreg $0xFFFFFFFF;
	(pc) =	sbr.abs _section_cstart, $3  }
0xc6: {  	[dreg:$0x1] =	wrdreg $0xFFFFFFFF  }
0xc7: {  	_ =	task.clear_ibuf [dreg:s7], $0x2FFFF;
	_ =	strace $0x9FFFFFFF  }
0xc8: {  	(tm) =	ssettm $0x7FFFFFFF  }
0xc9: {  	_ =	shalt  }
tec
execute0_lowered:
.L_overlay_start_1:
0x0: {  	(tag) =	ssettag $0x1  }
0x1: {  	s1 =	rddreg [dreg:$0x0]  }
0x2: {  	s4 =	rddreg [dreg:$0x1]  }
0x3: {  	s0 =	rddreg [dreg:$0x2]  }
0x4: {  	s3 =	simm.s32 $0x0;
	s5 =	srdreg.scid;
	s2 =	stileid.u32  }
0x5: {  	s14 =	simm.s32 $0x400;
	s15 =	simm.s32 $0x8400;
	s16 =	simm.s32 $0x1  }
0x6: {  	s17 =	simm.s32 $0x2;
	s18 =	simm.s32 $0x0;
	[smem:$0x7FF] =	sst s3  }
0x7: {  	s7 =	sand.u32 $0x1, s5;
	s11 =	sadd.s32 $0x1000, s4;
	s6 =	sshll.u32 s2, $0xD  }
0x8: {  	s9 =	sadd.s32 $0x9000, s4;
	s29 =	sshll.u32 s2, $0x10;
	s5 =	sshll.u32 s7, $0x11  }
0x9: {  	_ =	strace $0x8000004A;
	s26 =	ssub.s32 $0x2, s7;
	s10 =	sor.u32 s6, s5  }
0xa: {  	s12 =	sshll.u32 s7, $0x14;
	s28 =	sshrl.u32 s26, $0x1;
	s6 =	sshrl.u32 s10, $0x3  }
0xb: {  	s8 =	sshll.u32 s10, $0x3;
	s5 =	ssub.s32 s26, s28;
	s13 =	sor.u32 $0x400, s10  }
0xc: {  	s10 =	sor.u32 $0x200, s10;
	s4 =	sadd.s32 s11, s6;
	s8 =	sadd.s32 s9, s8  }
0xd: {  	s5 =	smax.u32 s5, $0x1;
	s9 =	sadd.s32 s12, s9;
	s30 =	sshrl.u32 s13, $0x3  }
0xe: {  	s31 =	sshrl.u32 s10, $0x3;
	s12 =	simm.s32 $0x3;
	s13 =	simm.s32 $0x200  }
0xf: {  	s6 =	sadd.s32 $0x3C0, s4;
	s7 =	sadd.s32 $0xE000, s8;
	s8 =	sadd.s32 $0xF000, s8  }
0x10: {  	s9 =	sadd.s32 s29, s9;
	s10 =	sadd.s32 s30, s11;
	s11 =	sadd.s32 s31, s11  }
.LBB2_1:
0x11: {  	[tilespmem:s3], [sflag:$0x3] =	stream.linear.gather [hbm4b:s4+s3], $0x200, $0x38;
	[tilespmem:$0x10400] =	vst v63  }
0x12: {  	_ =	swait.ge [sflag:s12], $0x200  }
0x13: {  	[sflag:s12] =	ssyncset.done $0x0  }
0x14: {  	[sflag:s12] =	ssyncadd.s32 $0xFFFFFE00  }
0x15: {  	[tilespmem:s14], [sflag:$0x1] =	stream.indirect.gather [hbm4b:s1+s13], $0x40, s3, s13, $0xb8;
	[tilespmem:$0x10400] =	vst v63  }
0x16: {  	s19 =	sadd.s32 $0x0, s11  }
0x17: {  	[tilespmem:s13], [sflag:$0x3] =	stream.linear.gather [hbm4b:s19+s3], $0x200, $0x38;
	[tilespmem:$0x10400] =	vst v63  }
0x18: {  	_ =	swait.ge [sflag:s12], $0x200  }
0x19: {  	[sflag:s12] =	ssyncset.done $0x0  }
0x1a: {  	[sflag:s12] =	ssyncadd.s32 $0xFFFFFE00  }
0x1b: {  	[tilespmem:s15], [sflag:$0x2] =	stream.indirect.gather [hbm4b:s1+s13], $0x40, s13, s13, $0xb8;
	[tilespmem:$0x10400] =	vst v63  }
0x1c: {  	_ =	swait.ge [sflag:s16], $0x8000  }
0x1d: {  	[sflag:s16] =	ssyncset.done $0x0  }
0x1e: {  	[sflag:s16] =	ssyncadd.s32 $0xFFFF8000  }
0x1f: {  	[hbm4b:s9+s3] =	stream.linear.scatter [tilespmem:s14], [sflag:$0x3], $0x8000, $0x38;
	[tilespmem:$0x10400] =	vst v63  }
0x20: {  	_ =	swait.ge [sflag:s12], $0x8000  }
0x21: {  	[sflag:s12] =	ssyncset.done $0x0  }
0x22: {  	s30 =	sadd.s32 $0x0, s10;
	[sflag:s12] =	ssyncadd.s32 $0xFFFF8000  }
0x23: {  	[tilespmem:s3], [sflag:$0x3] =	stream.linear.gather [hbm4b:s30+s3], $0x200, $0x38;
	[tilespmem:$0x10400] =	vst v63  }
0x24: {  	_ =	swait.ge [sflag:s12], $0x200  }
0x25: {  	[sflag:s12] =	ssyncset.done $0x0  }
0x26: {  	[sflag:s12] =	ssyncadd.s32 $0xFFFFFE00  }
0x27: {  	[tilespmem:s14], [sflag:$0x1] =	stream.indirect.gather [hbm4b:s1+s13], $0x40, s3, s13, $0xb8;
	[tilespmem:$0x10400] =	vst v63  }
0x28: {  	_ =	swait.ge [sflag:s17], $0x8000  }
0x29: {  	[sflag:s17] =	ssyncset.done $0x0  }
0x2a: {  	s31 =	sadd.s32 $0x1000, s9;
	[sflag:s17] =	ssyncadd.s32 $0xFFFF8000  }
0x2b: {  	[hbm4b:s31+s3] =	stream.linear.scatter [tilespmem:s15], [sflag:$0x3], $0x8000, $0x38;
	[tilespmem:$0x10400] =	vst v63  }
0x2c: {  	s20 =	simm.s32 $0x80;
	_ =	swait.ge [sflag:s12], $0x8000  }
0x2d: {  	s21 =	simm.s32 $0x100;
	s19 =	sadd.s32 $0x2000, s9;
	[sflag:s12] =	ssyncset.done $0x0  }
.LBB2_2:
0x2e: {  	s22 =	sadd.s32 s20, s11  }
0x2f: {  	[sflag:s12] =	ssyncadd.s32 $0xFFFF8000;
	s23 =	smov.u32 s21;
	s24 =	sadd.s32 $0x80, s21  }
0x30: {  	[tilespmem:s13], [sflag:$0x3] =	stream.linear.gather [hbm4b:s22+s3], $0x200, $0x38;
	[tilespmem:$0x10400] =	vst v63  }
0x31: {  	p0 =	sne.s32 s21, $0x300;
	_ =	swait.ge [sflag:s12], $0x200  }
0x32: {  	[sflag:s12] =	ssyncset.done $0x0  }
0x33: {  	[sflag:s12] =	ssyncadd.s32 $0xFFFFFE00  }
0x34: {  	[tilespmem:s15], [sflag:$0x2] =	stream.indirect.gather [hbm4b:s1+s13], $0x40, s13, s13, $0xb8;
	[tilespmem:$0x10400] =	vst v63  }
0x35: {  	_ =	swait.ge [sflag:s16], $0x8000  }
0x36: {  	[sflag:s16] =	ssyncset.done $0x0  }
0x37: {  	[sflag:s16] =	ssyncadd.s32 $0xFFFF8000  }
0x38: {  	[hbm4b:s19+s3] =	stream.linear.scatter [tilespmem:s14], [sflag:$0x3], $0x8000, $0x38;
	[tilespmem:$0x10400] =	vst v63  }
0x39: {  	_ =	swait.ge [sflag:s12], $0x8000  }
0x3a: {  	[sflag:s12] =	ssyncset.done $0x0  }
0x3b: {  	s21 =	sadd.s32 s20, s10;
	s20 =	smov.u32 s23;
	[sflag:s12] =	ssyncadd.s32 $0xFFFF8000  }
0x3c: {  	[tilespmem:s3], [sflag:$0x3] =	stream.linear.gather [hbm4b:s21+s3], $0x200, $0x38;
	[tilespmem:$0x10400] =	vst v63  }
0x3d: {  	_ =	swait.ge [sflag:s12], $0x200  }
0x3e: {  	[sflag:s12] =	ssyncset.done $0x0  }
0x3f: {  	[sflag:s12] =	ssyncadd.s32 $0xFFFFFE00  }
0x40: {  	[tilespmem:s14], [sflag:$0x1] =	stream.indirect.gather [hbm4b:s1+s13], $0x40, s3, s13, $0xb8;
	[tilespmem:$0x10400] =	vst v63  }
0x41: {  	_ =	swait.ge [sflag:s17], $0x8000  }
.Ltmp0:
0x42: {  	[sflag:s17] =	ssyncset.done $0x0;
	(pc) =	sbr.rel @p0 .LBB2_2-.Ltmp0, $4  }
0x43: {  	s21 =	sadd.s32 $0x1000, s19;
	[sflag:s17] =	ssyncadd.s32 $0xFFFF8000  }
0x44: {  	[hbm4b:s21+s3] =	stream.linear.scatter [tilespmem:s15], [sflag:$0x3], $0x8000, $0x38;
	[tilespmem:$0x10400] =	vst v63  }
0x45: {  	_ =	swait.ge [sflag:s12], $0x8000  }
0x46: {  	s19 =	sadd.s32 $0x2000, s19;
	s21 =	smov.u32 s24;
	[sflag:s12] =	ssyncset.done $0x0  }
0x47: {  	s21 =	sadd.s32 s20, s11;
	[sflag:s12] =	ssyncadd.s32 $0xFFFF8000  }
0x48: {  	[tilespmem:s13], [sflag:$0x3] =	stream.linear.gather [hbm4b:s21+s3], $0x200, $0x38;
	[tilespmem:$0x10400] =	vst v63  }
0x49: {  	_ =	swait.ge [sflag:s12], $0x200  }
0x4a: {  	[sflag:s12] =	ssyncset.done $0x0  }
0x4b: {  	[sflag:s12] =	ssyncadd.s32 $0xFFFFFE00  }
0x4c: {  	[tilespmem:s15], [sflag:$0x2] =	stream.indirect.gather [hbm4b:s1+s13], $0x40, s13, s13, $0xb8;
	[tilespmem:$0x10400] =	vst v63  }
0x4d: {  	_ =	swait.ge [sflag:s16], $0x8000  }
0x4e: {  	[sflag:s16] =	ssyncset.done $0x0  }
0x4f: {  	[sflag:s16] =	ssyncadd.s32 $0xFFFF8000  }
0x50: {  	[hbm4b:s19+s3] =	stream.linear.scatter [tilespmem:s14], [sflag:$0x3], $0x8000, $0x38;
	[tilespmem:$0x10400] =	vst v63  }
0x51: {  	_ =	swait.ge [sflag:s12], $0x8000  }
0x52: {  	[sflag:s12] =	ssyncset.done $0x0  }
0x53: {  	s30 =	sadd.s32 s20, s10;
	[sflag:s12] =	ssyncadd.s32 $0xFFFF8000  }
0x54: {  	[tilespmem:s3], [sflag:$0x3] =	stream.linear.gather [hbm4b:s30+s3], $0x200, $0x38;
	[tilespmem:$0x10400] =	vst v63  }
0x55: {  	_ =	swait.ge [sflag:s12], $0x200  }
0x56: {  	[sflag:s12] =	ssyncset.done $0x0  }
0x57: {  	[sflag:s12] =	ssyncadd.s32 $0xFFFFFE00  }
0x58: {  	[tilespmem:s14], [sflag:$0x1] =	stream.indirect.gather [hbm4b:s1+s13], $0x40, s3, s13, $0xb8;
	[tilespmem:$0x10400] =	vst v63  }
0x59: {  	_ =	swait.ge [sflag:s17], $0x8000  }
0x5a: {  	[sflag:s17] =	ssyncset.done $0x0  }
0x5b: {  	s31 =	sadd.s32 $0x1000, s19;
	[sflag:s17] =	ssyncadd.s32 $0xFFFF8000  }
0x5c: {  	[hbm4b:s31+s3] =	stream.linear.scatter [tilespmem:s15], [sflag:$0x3], $0x8000, $0x38;
	[tilespmem:$0x10400] =	vst v63  }
0x5d: {  	_ =	swait.ge [sflag:s12], $0x8000  }
0x5e: {  	[sflag:s12] =	ssyncset.done $0x0  }
0x5f: {  	[sflag:s12] =	ssyncadd.s32 $0xFFFF8000  }
0x60: {  	[tilespmem:s13], [sflag:$0x3] =	stream.linear.gather [hbm4b:s6+s3], $0x200, $0x38;
	[tilespmem:$0x10400] =	vst v63  }
0x61: {  	_ =	swait.ge [sflag:s12], $0x200  }
0x62: {  	[sflag:s12] =	ssyncset.done $0x0  }
0x63: {  	[sflag:s12] =	ssyncadd.s32 $0xFFFFFE00  }
0x64: {  	[tilespmem:s15], [sflag:$0x2] =	stream.indirect.gather [hbm4b:s1+s13], $0x40, s13, s13, $0xb8;
	[tilespmem:$0x10400] =	vst v63  }
0x65: {  	_ =	swait.ge [sflag:s16], $0x8000  }
0x66: {  	[sflag:s16] =	ssyncset.done $0x0  }
0x67: {  	[sflag:s16] =	ssyncadd.s32 $0xFFFF8000  }
0x68: {  	[hbm4b:s7+s3] =	stream.linear.scatter [tilespmem:s14], [sflag:$0x3], $0x8000, $0x38;
	[tilespmem:$0x10400] =	vst v63  }
0x69: {  	_ =	swait.ge [sflag:s12], $0x8000  }
0x6a: {  	[sflag:s12] =	ssyncset.done $0x0  }
0x6b: {  	[sflag:s12] =	ssyncadd.s32 $0xFFFF8000  }
0x6c: {  	[tilespmem:s3], [sflag:$0x3] =	stream.linear.gather [hbm4b:s6+s3], $0x200, $0x38;
	[tilespmem:$0x10400] =	vst v63  }
0x6d: {  	_ =	swait.ge [sflag:s12], $0x200  }
0x6e: {  	[sflag:s12] =	ssyncset.done $0x0  }
0x6f: {  	[sflag:s12] =	ssyncadd.s32 $0xFFFFFE00  }
0x70: {  	[tilespmem:s14], [sflag:$0x1] =	stream.indirect.gather [hbm4b:s1+s13], $0x40, s3, s13, $0xb8;
	[tilespmem:$0x10400] =	vst v63  }
0x71: {  	_ =	swait.ge [sflag:s17], $0x8000  }
0x72: {  	[sflag:s17] =	ssyncset.done $0x0  }
0x73: {  	s18 =	sadd.s32 $0x1, s18;
	[sflag:s17] =	ssyncadd.s32 $0xFFFF8000  }
0x74: {  	[hbm4b:s8+s3] =	stream.linear.scatter [tilespmem:s15], [sflag:$0x3], $0x8000, $0x38;
	[tilespmem:$0x10400] =	vst v63  }
0x75: {  	p0 =	sne.s32 s18, s5;
	_ =	swait.ge [sflag:s12], $0x8000  }
.Ltmp1:
0x76: {  	[sflag:s12] =	ssyncset.done $0x0;
	(pc) =	sbr.rel @p0 .LBB2_1-.Ltmp1, $4  }
0x77: {  	[sflag:s12] =	ssyncadd.s32 $0xFFFF8000  }
0x78: {  	_ =	swait.ge [sflag:s16], $0x8000  }
0x79: {  	[sflag:s16] =	ssyncset.done $0x0  }
0x7a: {  	[sflag:s16] =	ssyncadd.s32 $0xFFFF8000  }
0x7b: {  	_ =	sfence.sel $0x180000  }
0x7c: {  	[bflag:$0x0] =	sbarrier.arrive $0xFFFF  }
0x7d: {  	p0 =	sne.s32 s2, $0x0;
	_ =	strace $0x9000004A  }
0x7e: {  	s0 =	sadd.s32 @!p0 $0x100000, s0;
	[bflag:$0x2] =	sbarrier.arrive $0xFFFF  }
0x7f: {  	[sflag:s0] =	ssyncadd.tile.s32 @!p0 $0x1;
	_ =	shalt  }
.Lfunc_end2:
_tile_overlayer_lowered:
.L_overlay_start_2:
0x80: {  	(tag) =	ssettag $0x2  }
0x81: {  	s0 =	rddreg [dreg:$0x0];
	s2 =	stileid.u32  }
0x82: {  	s1 =	rddreg [dreg:$0x1];
	p0 =	sne.s32 s2, $0x0  }
0x83: {  	s3 =	rddreg [dreg:$0x2];
	[bflag:$0x3] =	sbarrier.arrive $0xFFFF;
	s2 =	simm.s32 @!p0 $0x1C03  }
0x84: {  	[timem:s3], [sflag:s2] =	dma.local @!p0 [hbm:s0], s1  }
0x85: {  	s0 =	simm.s32 @!p0 $0x3  }
0x86: {  	_ =	swait.ge @!p0 [sflag:s0], s1  }
0x87: {  	s1 =	ssub.s32 @!p0 $0x0, s1;
	[sflag:s0] =	ssyncset.done @!p0 $0x0  }
0x88: {  	[sflag:s0] =	ssyncadd.s32 @!p0 s1  }
0x89: {  	[bflag:$0x3] =	sbarrier.arrive $0xFFFF  }
0x8a: {  	_ =	shalt  }

// kernel: sparse-core-data-format-call.cloned.1.call-start
scs
called_computation_lowered:
.L_overlay_start_0:
0x0: {  	s2 =	sld [smem:$0x3FD9]  }
0x1: {  	s3 =	sld [smem:$0x3FFE];
	_ =	sdelay $0x1  }
0x2: {  	s1 =	srdreg.scid  }
0x3: {  	s0 =	sand.u32 $0x1, s1  }
0x4: {  	s15 =	sshll.u32 s0, $0xA;
	s2 =	sadd.s32 s3, s2  }
0x5: {  	s2 =	sadd.s32 s2, s15  }
0x6: {  	[smem:$0x3FC6] =	sst s2  }
0x7: {  	_ = 	snop  }
0x8: {  	s2 =	sld [smem:$0x3FD0];
	_ =	sdelay $0x2  }
0x9: {  	s16 =	simm.s32 $0xA;
	s4 =	simm.s32 $0x10  }
0xa: {  	[smem:s4], [sflag:s16] =	dma.local [hbm:s2], $0x1  }
0xb: {  	_ =	swait.eq [sflag:s16], $0x1  }
0xc: {  	[sflag:s16] =	ssyncset.done $0x0  }
0xd: {  	[sflag:s16] =	ssyncadd.s32 $0xFFFFFFFF  }
0xe: {  	s17 =	sld [smem:$0x11];
	(tm) =	ssettm $0x1  }
0xf: {  	s18 =	sld [smem:$0x3FFB];
	_ =	sdelay $0x3  }
0x10: {  	_ =	strace s18  }
0x11: {  	s3 =	sld [smem:$0x3FFC];
	_ =	sdelay $0x3  }
0x12: {  	_ =	strace s3  }
0x13: {  	s3 =	sld [smem:$0x3FFD];
	_ =	sdelay $0x3  }
0x14: {  	_ =	strace s3  }
0x15: {  	_ =	strace $0x8FFFFFFF  }
0x16: {  	s19 =	sld [smem:$0x3FDB];
	_ =	sdelay $0x1  }
0x17: {  	s20 =	simm.s32 $_scs_section_size  }
0x18: {  	s5 =	simm.s32 $_size__tile_overlayer_lowered;
	s6 =	simm.s32 $_tile_overlayer_lowered  }
0x19: {  	s23 =	simm.s32 $0x1BFF;
	s22 =	sshll.u32 s6, $0x1;
	s3 =	sadd.s32 s20, s19  }
0x1a: {  	s7 =	simm.s32 $0x0;
	s21 =	sshll.u32 s5, $0x1;
	s5 =	sadd.s32 s22, s3  }
0x1b: {  	[timem:s7], [sflag:s23] =	dma.local [hbm:s5], s21  }
0x1c: {  	_ =	swait.ge [sflag:s23], s21  }
0x1d: {  	s4 =	ssub.s32 $0x0, s21;
	[sflag:s23] =	ssyncset.done $0x0  }
0x1e: {  	[sflag:s23] =	ssyncadd.s32 s4;
	_ =	sdelay $0x1  }
0x1f: {  	s24 =	simm.s32 $0x1B8B  }
0x20: {  	_ =	swait.ge [sflag:s24], $0x1  }
0x21: {  	[sflag:s24] =	ssyncset.done $0x0  }
0x22: {  	s26 =	simm.s32 $0x1B8E;
	s25 =	sld [smem:$0x3FFE];
	[sflag:s24] =	ssyncadd.s32 $0xFFFFFFFF  }
0x23: {  	s27 =	simm.s32 $execute0_lowered;
	[smem:$0x3FD2] =	sst s26  }
0x24: {  	s5 =	sshll.u32 s27, $0x1;
	_ =	strace $0x8000004C;
	[dreg:$0x1] =	wrdreg $0xFFFFFFFF  }
0x25: {  	s28 =	simm.s32 $_size_execute0_lowered;
	s3 =	sadd.s32 s3, s5;
	[dreg:$0x0] =	wrdreg $0x0  }
0x26: {  	s5 =	sshll.u32 s28, $0x1;
	[dreg:$0x2] =	wrdreg s3  }
0x27: {  	[dreg:$0x3] =	wrdreg s5  }
0x28: {  	[dreg:$0x4] =	wrdreg $0xC0  }
0x29: {  	_ =	task [dreg:s7], $0x5FFFF  }
0x2a: {  	[dreg:$0x1] =	wrdreg $0xFFFFFFFF  }
0x2b: {  	[dreg:$0x0] =	wrdreg $0x60  }
0x2c: {  	[dreg:$0x2] =	wrdreg s25  }
0x2d: {  	[dreg:$0x3] =	wrdreg s17  }
0x2e: {  	[dreg:$0x4] =	wrdreg $0x9  }
0x2f: {  	_ =	task.clear_ibuf [dreg:s7], $0x5FFFF;
	_ =	strace $0x9000004C  }
0x30: {  	s29 =	simm.s32 $0x9;
	_ =	strace $0x8000004E  }
0x31: {  	_ =	swait.ge [sflag:s29], $0x1  }
0x32: {  	[sflag:s29] =	ssyncadd.s32 $0xFFFFFFFF  }
0x33: {  	_ =	strace $0x9000004E  }
0x34: {  	_ =	sfence  }
0x35: {  	s30 =	sld [smem:$0x0];
	_ =	sdelay $0x2  }
0x36: {  	s31 =	sshll.u32 s1, $0xD;
	s1 =	sshrl.u32 s1, $0x2  }
0x37: {  	s3 =	sand.u32 $0x4000, s31;
	s1 =	sadd.s32 s1, s30  }
0x38: {  	s0 =	sor.u32 s3, s0;
	s1 =	sshll.u32 s1, $0x11  }
0x39: {  	s0 =	sor.u32 s1, s0  }
0x3a: {  	s0 =	sadd.s32 $0x8F2B, s0  }
0x3b: {  	[sflag:s0] =	ssyncadd.remote.s32 $0x1  }
0x3c: {  	_ =	sfence.sel $0xFFFF  }
0x3d: {  	[dreg:$0x0] =	wrdreg $0xFFFFFFFF;
	(pc) =	sbr.abs _section_cstart, $3  }
0x3e: {  	[dreg:$0x1] =	wrdreg $0xFFFFFFFF  }
0x3f: {  	_ =	task.clear_ibuf [dreg:s7], $0x2FFFF;
	_ =	strace $0x9FFFFFFF  }
0x40: {  	(tm) =	ssettm $0x7FFFFFFF  }
0x41: {  	_ =	shalt  }
tec
execute0_lowered:
.L_overlay_start_1:
0x0: {  	(tag) =	ssettag $0x1  }
0x1: {  	s0 =	srdreg.scid  }
0x2: {  	s1 =	sshll.u32 s0, $0x4  }
0x3: {  	s4 =	rddreg [dreg:$0x0];
	s0 =	stileid.u32;
	s1 =	sand.u32 $0x10, s1  }
0x4: {  	s2 =	rddreg [dreg:$0x1];
	s7 =	simm.s32 $0x1;
	s1 =	sor.u32 s0, s1  }
0x5: {  	s8 =	simm.s32 $0x2;
	s11 =	simm.s32 $0x0;
	s3 =	sshll.u32 s1, $0x7  }
0x6: {  	s10 =	simm.s32 $0x0;
	s4 =	sadd.s32 $0x209000, s4;
	s6 =	ssub.s32 $0x40000, s3  }
.Ltmp0:
0x7: {  	s1 =	rddreg [dreg:$0x2];
	s5 =	sand.u32 $0xF80, s6;
	(pc) =	sbr.rel .LBB1_1-.Ltmp0, $4  }
0x8: {  	_ =	strace $0x8000004D;
	s9 =	smov.u32 s3;
	p0 =	sne.s32 s5, $0x0  }
0x9: {  	s6 =	sshrl.u32 s6, $0xC;
	s5 =	simm.s32 $0x1;
	s7 =	simm.s32 @!p0 $0x0  }
0xa: {  	[sflag:s5] =	ssyncpa.u1 $0x0;
	p0 =	por $0x0, $0x0;
	s6 =	sadd.s32 s7, s6  }
0xb: {  	[sflag:s8] =	ssyncpa.u1 $0x0;
	s8 =	simm.s32 $0x200000;
	s7 =	sadd.s32 $0x1, s6  }
.LBB1_4:
0xc: {  	s14 =	sshll.u32 s11, $0x3  }
0xd: {  	s15 =	sand.u32 $0x78, s11;
	s14 =	sand.u32 $0x3FC00, s14  }
0xe: {  	[tilespmem:s13+$0x810 ss:$0x81] =	vst.msk $0xffff, v2;
	s29 =	sand.u32 $0x1F8000, s11;
	s30 =	sand.u32 $0x7, s11;
	s14 =	sor.u32 s15, s14  }
0xf: {  	[tilespmem:s13+$0x1020 ss:$0x81] =	vst.msk $0xffff, v0;
	s11 =	sshll.u32 s30, $0x12;
	s15 =	sadd.s32 s2, s29;
	s14 =	sshrl.u32 s14, $0x3  }
0x10: {  	[tilespmem:s13+$0x0 ss:$0x81] =	vst.msk $0xffff, v1;
	s11 =	sor.u32 $0x400, s11;
	s31 =	sadd.s32 s14, s15  }
0x11: {  	[hbm4b:s31+s11] =	stream.strided.scatter [tilespmem:s12], [sflag:$0x2], $0x2000, s8, s11, $0x20;
	[tilespmem:$0x8080] =	vst v63  }
.LBB1_5:
0x12: {  	s13 =	sadd.s32 $0x1000, s9  }
0x13: {  	p2 =	sgt.s32 s13, $0x3FFFF  }
0x14: {  	s13 =	smov.u32 @p2 s3;
	p2 =	sne.s32 s10, s7  }
.Ltmp1:
0x15: {  	p1 =	slt.u32 s10, $0x2;
	(pc) =	sbr.rel @!p2 .LBB1_6-.Ltmp1, $4  }
0x16: {  	s12 =	simm.s32 @!p1 $0x2  }
0x17: {  	s14 =	sadd.s32 $0x1, s10;
	_ =	swait.ge @!p1 [sflag:s12], $0x2000  }
0x18: {  	s11 =	smov.u32 s9;
	p0 =	por !p0, !p0;
	[sflag:s12] =	ssyncset.done @!p1 $0x0  }
0x19: {  	s10 =	smov.u32 s14;
	s9 =	smov.u32 s13;
	[sflag:s12] =	ssyncadd.s32 @!p1 $0xFFFFE000  }
.LBB1_1:
0x1a: {  	p1 =	sge.u32 s10, s6  }
0x1b: {  	s31 =	sadd.s32 $0xFFFFFFFF, s10;
	s12 =	sxor.u32 @!p1 $0xFFFFFFFF, s10;
	s13 =	sshll.u32 @!p1 s9, $0x4  }
0x1c: {  	s14 =	simm.s32 @!p1 $0x40;
	s12 =	sshll.u32 @!p1 s12, $0xD;
	s13 =	sand.u32 @!p1 $0x3FFFF0, s13  }
0x1d: {  	s15 =	simm.s32 @!p1 $0x80;
	s12 =	sand.u32 @!p1 $0x2000, s12;
	s13 =	sadd.s32 @!p1 s4, s13  }
0x1e: {  	[tilespmem:s12], [sflag:$0x1] =	stream.strided.gather @!p1 [hbm4b:s13+s14], $0x2000, s15, s14, $0x38;
	[tilespmem:$0x8080] =	vst v63  }
0x1f: {  	p1 =	sge.u32 s31, s6  }
.Ltmp2:
0x20: {  	_ = 	snop;
	(pc) =	sbr.rel @p1 .LBB1_5-.Ltmp2, $1  }
0x21: {  	_ =	sdelay $0x3  }
0x22: {  	s12 =	simm.s32 $0x1  }
0x23: {  	_ =	swait.ge [sflag:s5], $0x2000;
	s12 =	simm.s32 @!p0 $0x0  }
0x24: {  	[sflag:s5] =	ssyncset.done $0x0;
	s13 =	sshll.u32 s12, $0xD  }
0x25: {  	[sflag:s5] =	ssyncadd.s32 $0xFFFFE000;
	s16 =	sor.u32 $0x20, s13  }
0x26: {  	s12 =	smul.u32 $0x8100, s12;
	v3 =	vld [tilespmem:s16+$0x10]  }
0x27: {  	s30 =	sand.u32 $0x1, s10;
	v2 =	vld [tilespmem:s16+$0xFFFFFFF0]  }
0x28: {  	s13 =	smul.u32 $0x8100, s30;
	s12 =	sshrl.u32 s12, $0x2;
	v0 =	vld [tilespmem:s16+$0x0]  }
0x29: {  	v1 =	vld [tilespmem:s16+$0xFFFFFFE0];
	s14 =	sor.u32 $0x4000, s12  }
0x2a: {  	s31 =	sshrl.u32 s13, $0x2;
	s13 =	sadd.s32 $0x0, s14  }
0x2b: {  	s15 =	simm.s32 $0x4;
	s16 =	sadd.s32 $0x40, s16;
	s12 =	sor.u32 $0x4000, s31;
	[tilespmem:s13+$0x1830 ss:$0x81] =	vst.msk $0xffff, v3  }
.LBB1_3:
0x2c: {  	v3 =	vld [tilespmem:s16+$0x10];
	p1 =	sne.s32 s15, $0x1FC;
	[tilespmem:s13+$0x810 ss:$0x81] =	vst.msk $0xffff, v2;
	s17 =	smov.u32 s15;
	s15 =	sadd.s32 $0x4, s15  }
.Ltmp3:
0x2d: {  	v2 =	vld [tilespmem:s16+$0xFFFFFFF0];
	[tilespmem:s13+$0x1020 ss:$0x81] =	vst.msk $0xffff, v0;
	(pc) =	sbr.rel @p1 .LBB1_3-.Ltmp3, $4  }
0x2e: {  	v0 =	vld [tilespmem:s16+$0x0];
	[tilespmem:s13+$0x0 ss:$0x81] =	vst.msk $0xffff, v1  }
0x2f: {  	s13 =	sshra.s32 s17, $0x2;
	v1 =	vld [tilespmem:s16+$0xFFFFFFE0]  }
0x30: {  	s13 =	sadd.s32 s13, s14  }
0x31: {  	s16 =	sadd.s32 $0x40, s16;
	[tilespmem:s13+$0x1830 ss:$0x81] =	vst.msk $0xffff, v3  }
.Ltmp4:
0x32: {  	_ = 	snop;
	(pc) =	sbr.rel .LBB1_4-.Ltmp4, $1  }
0x33: {  	_ =	sdelay $0x3  }
.LBB1_6:
0x34: {  	_ =	sfence.sel $0x180000  }
0x35: {  	s2 =	simm.s32 $0x1;
	[bflag:$0x0] =	sbarrier.arrive $0xFFFF  }
0x36: {  	s31 =	simm.s32 $0x2;
	[sflag:s2] =	ssyncpa.u1 $0x1  }
0x37: {  	[sflag:s31] =	ssyncpa.u1 $0x1  }
0x38: {  	p0 =	sne.s32 s0, $0x0;
	_ =	strace $0x9000004D  }
0x39: {  	s0 =	sadd.s32 @!p0 $0x100000, s1;
	[bflag:$0x2] =	sbarrier.arrive $0xFFFF  }
0x3a: {  	[sflag:s0] =	ssyncadd.tile.s32 @!p0 $0x1;
	_ =	shalt  }
.Lfunc_end1:
_tile_overlayer_lowered:
.L_overlay_start_2:
0x3b: {  	(tag) =	ssettag $0x2  }
0x3c: {  	s0 =	rddreg [dreg:$0x0];
	s2 =	stileid.u32  }
0x3d: {  	s1 =	rddreg [dreg:$0x1];
	p0 =	sne.s32 s2, $0x0  }
0x3e: {  	s3 =	rddreg [dreg:$0x2];
	[bflag:$0x3] =	sbarrier.arrive $0xFFFF;
	s2 =	simm.s32 @!p0 $0x1C01  }
0x3f: {  	[timem:s3], [sflag:s2] =	dma.local @!p0 [hbm:s0], s1  }
0x40: {  	s0 =	simm.s32 @!p0 $0x1  }
0x41: {  	_ =	swait.ge @!p0 [sflag:s0], s1  }
0x42: {  	s1 =	ssub.s32 @!p0 $0x0, s1;
	[sflag:s0] =	ssyncset.done @!p0 $0x0  }
0x43: {  	[sflag:s0] =	ssyncadd.s32 @!p0 s1  }
0x44: {  	[bflag:$0x3] =	sbarrier.arrive $0xFFFF  }
0x45: {  	_ =	shalt  }

</sc_bundles>
